<compile_context>
chip_gen: v7x
topology: tpu7x:2x2x1
jax: 0.10.2.dev20260603
libtpu: 0.0.44.dev20260713+nightly
codegen_flags: <defaults>
</compile_context>

<pallas_src>
import jax
import jax.numpy as jnp
from jax import lax
from jax.experimental import pallas as pl
from jax.experimental.pallas import tpu as pltpu

_B = 16
_N = 20000
_K = 2000
_KP = 2048
_T = 128
_NT = _KP // _T
_OUT = 1000
_OUTP = 1024
_IOU = 0.7


def _iou(ry1, rx1, ry2, rx2, rarea, cy1, cx1, cy2, cx2, carea):
    yy1 = jnp.maximum(ry1, cy1)
    xx1 = jnp.maximum(rx1, cx1)
    yy2 = jnp.minimum(ry2, cy2)
    xx2 = jnp.minimum(rx2, cx2)
    inter = jnp.maximum(yy2 - yy1, 0.0) * jnp.maximum(xx2 - xx1, 0.0)
    union = rarea + carea - inter
    return inter / jnp.maximum(union, 1e-8)


def _matvec(v, m):
    return lax.dot_general(v, m, (((1,), (0,)), ((), ())),
                           preferred_element_type=jnp.float32)


def _nms_body(boxes_ref, scores_ref, data_ref, out_ref):
    bx = boxes_ref[0]
    sc = scores_ref[0]
    y1, x1, y2, x2 = bx[0], bx[1], bx[2], bx[3]
    area = (y2 - y1) * (x2 - x1)
    init = (sc > 0.0).astype(jnp.float32)

    ii = lax.broadcasted_iota(jnp.int32, (_T, _T), 0)
    jj = lax.broadcasted_iota(jnp.int32, (_T, _T), 1)
    tri = (ii < jj).astype(jnp.float32)

    acts = []
    for t in range(_NT):
        y1t, x1t = y1[t:t + 1], x1[t:t + 1]
        y2t, x2t = y2[t:t + 1], x2[t:t + 1]
        at = area[t:t + 1]
        itile = init[t:t + 1]

        if t > 0:
            m_prev = _iou(y1[:t, :, None], x1[:t, :, None],
                          y2[:t, :, None], x2[:t, :, None],
                          area[:t, :, None],
                          y1t[None], x1t[None], y2t[None], x2t[None],
                          at[None]) > _IOU
            aprev = jnp.concatenate(acts, axis=0)
            cross = jnp.max(jnp.max(jnp.where(m_prev, aprev[:, :, None],
                                              0.0), axis=0),
                            axis=0, keepdims=True)
            a0 = itile * (1.0 - cross)
        else:
            a0 = itile

        m_tt = (_iou(y1t.T, x1t.T, y2t.T, x2t.T, at.T,
                     y1t, x1t, y2t, x2t, at) > _IOU
                ).astype(jnp.float32)
        e0 = m_tt * tri * a0 * a0.T

        def w_cond(carry):
            return carry[1]

        def w_body(carry):
            r, _ = carry
            inc = _matvec(1.0 - r, e0)
            cansup = (inc == 0.0).astype(jnp.float32)
            dead = (_matvec(cansup, e0) > 0.0).astype(jnp.float32)
            r2 = jnp.maximum(r, dead)
            return r2, jnp.sum(r2) > jnp.sum(r)

        r0 = jnp.zeros((1, _T), jnp.float32)
        r_fin, _ = lax.while_loop(w_cond, w_body,
                                  (r0, jnp.sum(e0) > 0.0))
        suppressed = (_matvec(1.0 - r_fin, e0) > 0.0).astype(jnp.float32)
        acts.append(a0 * (1.0 - suppressed))

    act = jnp.concatenate(acts, axis=0)

    pr = lax.dot_general(act, (jj < ii).astype(jnp.float32),
                         (((1,), (1,)), ((), ())),
                         preferred_element_type=jnp.float32,
                         precision=lax.Precision.HIGHEST)
    rt = pr[:, 127:128] + act[:, 127:128]
    i16 = lax.broadcasted_iota(jnp.int32, (16, 16), 0)
    j16 = lax.broadcasted_iota(jnp.int32, (16, 16), 1)
    offs = jnp.sum(jnp.where(j16 < i16, rt.T, 0.0), axis=1,
                   keepdims=True)
    pos = pr + offs

    siota = lax.broadcasted_iota(jnp.int32, (_OUTP, _T), 0)
    posi = pos.astype(jnp.int32)
    acc = jnp.zeros((8, _OUTP), jnp.float32)
    for r in range(16):
        oh = jnp.where(siota == posi[r:r + 1, :],
                       act[r:r + 1, :], 0.0)
        acc = acc + lax.dot_general(
            data_ref[0, :, r, :], oh, (((1,), (1,)), ((), ())),
            preferred_element_type=jnp.float32,
            precision=lax.Precision.HIGHEST)
    out_ref[0] = acc


def kernel(multi_level_boxes, multi_level_scores):
    top_scores, idx = lax.top_k(multi_level_scores, _K)
    top_boxes = jnp.take_along_axis(multi_level_boxes, idx[:, :, None],
                                    axis=1)

    tb = jnp.pad(top_boxes, ((0, 0), (0, _KP - _K), (0, 0)))
    ts = jnp.pad(top_scores, ((0, 0), (0, _KP - _K)),
                 constant_values=-1.0)
    tbt = tb.transpose(0, 2, 1).reshape(_B, 4, _NT, 128)
    tsr = ts.reshape(_B, _NT, 128)
    data_all = jnp.concatenate(
        [tbt, tsr[:, None], jnp.zeros((_B, 3, _NT, 128), jnp.float32)],
        axis=1)

    out = pl.pallas_call(
        _nms_body,
        grid=(_B,),
        in_specs=[
            pl.BlockSpec((1, 4, _NT, 128), lambda b: (b, 0, 0, 0)),
            pl.BlockSpec((1, _NT, 128), lambda b: (b, 0, 0)),
            pl.BlockSpec((1, 8, _NT, 128), lambda b: (b, 0, 0, 0)),
        ],
        out_specs=pl.BlockSpec((1, 8, _OUTP), lambda b: (b, 0, 0)),
        out_shape=jax.ShapeDtypeStruct((_B, 8, _OUTP), jnp.float32),
    )(tbt, tsr, data_all)

    rois = out[:, 0:4, :_OUT].transpose(0, 2, 1)
    rscores = out[:, 4, :_OUT]
    return rois, rscores

# --- scband reference (transcript-rebuilt; emitter-appended) ---
"""Pipeline reference for scband-roigenerator-11476152615314 (READ-ONLY COPY).

The authoritative reference and input builder live on the scoring server;
editing this copy changes nothing except your own understanding.
"""

import jax, jax.numpy as jnp
import numpy as np
from jax import lax

B, N = 16, 20000
PRE_NMS_TOPK = 2000
POST_NMS_TOPK = 1000
IOU_THRESH = 0.7
SCORE_THRESH = 0.0


def setup_inputs(seed: int = 0) -> dict:
    key = jax.random.key(seed)
    k1, k2, k3 = jax.random.split(key, 3)
    # canonical yxyx boxes: y1<=y2, x1<=x2, roughly production-scale image coords
    mins = jax.random.uniform(k1, (B, N, 2), dtype=jnp.float32) * 448.0
    sizes = jax.random.uniform(k2, (B, N, 2), dtype=jnp.float32) * 63.0 + 1.0
    boxes = jnp.concatenate([mins, mins + sizes], axis=-1)
    scores = jax.random.uniform(k3, (B, N), dtype=jnp.float32)
    return {"multi_level_boxes": boxes, "multi_level_scores": scores}


def _iou_row(box, boxes, areas, area):
    y1 = jnp.maximum(box[0], boxes[:, 0])
    x1 = jnp.maximum(box[1], boxes[:, 1])
    y2 = jnp.minimum(box[2], boxes[:, 2])
    x2 = jnp.minimum(box[3], boxes[:, 3])
    inter = jnp.maximum(y2 - y1, 0.0) * jnp.maximum(x2 - x1, 0.0)
    union = area + areas - inter
    return inter / jnp.maximum(union, 1e-8)


def _nms_keep(boxes, scores):
    # greedy NMS on score-sorted boxes (sorted_input=True semantics).
    n = boxes.shape[0]
    boxes = lax.stop_gradient(boxes)
    scores = lax.stop_gradient(scores)
    areas = (boxes[:, 2] - boxes[:, 0]) * (boxes[:, 3] - boxes[:, 1])
    idxs = jnp.arange(n)
    init = scores > SCORE_THRESH

    def step(active, i):
        iou = _iou_row(boxes[i], boxes, areas, areas[i])
        suppress = (iou > IOU_THRESH) & (idxs > i)
        active = jnp.where(active[i], active & (~suppress), active)
        return active, None

    active, _ = lax.scan(step, init, idxs)
    return active


def _per_image(boxes, scores):
    n = boxes.shape[0]
    active = _nms_keep(boxes, scores)
    # kept indices in ascending position order == descending score order;
    # pad with 0 like tf.image.non_max_suppression_padded(pad_to_max_output_size=True)
    sort_key = jnp.where(active, jnp.arange(n), n)
    order = jnp.argsort(sort_key)
    sel = order[:POST_NMS_TOPK]
    num_valid = jnp.minimum(jnp.sum(active.astype(jnp.int32)), POST_NMS_TOPK)
    valid = jnp.arange(POST_NMS_TOPK) < num_valid
    sel = jnp.where(valid, sel, 0)
    rois = boxes[sel] * valid[:, None].astype(boxes.dtype)
    rscores = scores[sel] * valid.astype(scores.dtype)
    return rois, rscores


def _forward(boxes, scores):
    # inference branch (training falsy): pre_nms_topk_test / post_nms_topk_test
    top_scores, idx = lax.top_k(scores, PRE_NMS_TOPK)
    top_boxes = jnp.take_along_axis(boxes, idx[:, :, None], axis=1)
    # bounding_box_format == 'yxyx' so convert_format is identity both ways
    rois, roi_scores = jax.vmap(_per_image)(top_boxes, top_scores)
    return rois, roi_scores


def reference(multi_level_boxes, multi_level_scores):
    return _forward(multi_level_boxes, multi_level_scores)

if __name__ == "__main__":
    import jax
    _d = setup_inputs()
    print(jax.jit(kernel)(*tuple(_d.values())))

</pallas_src>

<mosaic_0001>
module attributes {stable_mosaic.version = 14 : i64} {
  func.func @_nms_body(%arg0: i32, %arg1: memref<1x4x16x128xf32, #tpu.memory_space<vmem>>, %arg2: memref<1x16x128xf32, #tpu.memory_space<vmem>>, %arg3: memref<1x8x16x128xf32, #tpu.memory_space<vmem>>, %arg4: memref<1x8x1024xf32, #tpu.memory_space<vmem>>) attributes {dimension_semantics = [#tpu.dimension_semantics<arbitrary>], iteration_bounds = array<i64: 16>, scalar_prefetch = 0 : i64, scratch_operands = 0 : i64, tpu.core_type = #tpu.core_type<tc>, window_params = [{transform_indices = @transform_0, window_bounds = array<i64: 1, 4, 16, 128>}, {transform_indices = @transform_1, window_bounds = array<i64: 1, 16, 128>}, {transform_indices = @transform_2, window_bounds = array<i64: 1, 8, 16, 128>}, {transform_indices = @transform_3, window_bounds = array<i64: 1, 8, 1024>}]} {
    %get3A = arith.constant 0 : index
    %get3A_0 = arith.constant 0 : index
    %get3A_1 = arith.constant 0 : index
    %get3A_2 = arith.constant 0 : index
    %get3A_3 = vector.load %arg1[%get3A, %get3A_0, %get3A_1, %get3A_2] : memref<1x4x16x128xf32, #tpu.memory_space<vmem>>, vector<1x4x16x128xf32>
    %get3A_4 = vector.shape_cast %get3A_3 : vector<1x4x16x128xf32> to vector<4x16x128xf32>
    %get3A_5 = arith.constant 0 : index
    %get3A_6 = arith.constant 0 : index
    %get3A_7 = arith.constant 0 : index
    %get3A_8 = vector.load %arg2[%get3A_5, %get3A_6, %get3A_7] : memref<1x16x128xf32, #tpu.memory_space<vmem>>, vector<1x16x128xf32>
    %get3A_9 = vector.shape_cast %get3A_8 : vector<1x16x128xf32> to vector<16x128xf32>
    %slice3A = vector.extract_strided_slice %get3A_4 {offsets = [0, 0, 0], sizes = [1, 16, 128], strides = [1, 1, 1]} : vector<4x16x128xf32> to vector<1x16x128xf32>
    %squeeze3A = vector.shape_cast %slice3A : vector<1x16x128xf32> to vector<16x128xf32>
    %slice3A_10 = vector.extract_strided_slice %get3A_4 {offsets = [1, 0, 0], sizes = [1, 16, 128], strides = [1, 1, 1]} : vector<4x16x128xf32> to vector<1x16x128xf32>
    %squeeze3A_11 = vector.shape_cast %slice3A_10 : vector<1x16x128xf32> to vector<16x128xf32>
    %slice3A_12 = vector.extract_strided_slice %get3A_4 {offsets = [2, 0, 0], sizes = [1, 16, 128], strides = [1, 1, 1]} : vector<4x16x128xf32> to vector<1x16x128xf32>
    %squeeze3A_13 = vector.shape_cast %slice3A_12 : vector<1x16x128xf32> to vector<16x128xf32>
    %slice3A_14 = vector.extract_strided_slice %get3A_4 {offsets = [3, 0, 0], sizes = [1, 16, 128], strides = [1, 1, 1]} : vector<4x16x128xf32> to vector<1x16x128xf32>
    %squeeze3A_15 = vector.shape_cast %slice3A_14 : vector<1x16x128xf32> to vector<16x128xf32>
    %sub3A = arith.subf %squeeze3A_13, %squeeze3A : vector<16x128xf32>
    %sub3A_16 = arith.subf %squeeze3A_15, %squeeze3A_11 : vector<16x128xf32>
    %mul3A = arith.mulf %sub3A, %sub3A_16 : vector<16x128xf32>
    %gt3A = arith.constant 0.000000e+00 : f32
    %gt3A_17 = vector.broadcast %gt3A : f32 to vector<16x128xf32>
    %gt3A_18 = arith.cmpf ogt, %get3A_9, %gt3A_17 : vector<16x128xf32>
    %convert_element_type3A = arith.extui %gt3A_18 : vector<16x128xi1> to vector<16x128xi32>
    %convert_element_type3A_19 = arith.sitofp %convert_element_type3A : vector<16x128xi32> to vector<16x128xf32>
    %iota3A = tpu.iota {dimensions = array<i32: 0>} : vector<128x128xi32>
    %iota3A_20 = tpu.iota {dimensions = array<i32: 1>} : vector<128x128xi32>
    %lt3A = arith.cmpi slt, %iota3A, %iota3A_20 : vector<128x128xi32>
    %convert_element_type3A_21 = arith.extui %lt3A : vector<128x128xi1> to vector<128x128xi32>
    %convert_element_type3A_22 = arith.sitofp %convert_element_type3A_21 : vector<128x128xi32> to vector<128x128xf32>
    %slice3A_23 = vector.extract_strided_slice %squeeze3A {offsets = [0, 0], sizes = [1, 128], strides = [1, 1]} : vector<16x128xf32> to vector<1x128xf32>
    %slice3A_24 = vector.extract_strided_slice %squeeze3A_11 {offsets = [0, 0], sizes = [1, 128], strides = [1, 1]} : vector<16x128xf32> to vector<1x128xf32>
    %slice3A_25 = vector.extract_strided_slice %squeeze3A_13 {offsets = [0, 0], sizes = [1, 128], strides = [1, 1]} : vector<16x128xf32> to vector<1x128xf32>
    %slice3A_26 = vector.extract_strided_slice %squeeze3A_15 {offsets = [0, 0], sizes = [1, 128], strides = [1, 1]} : vector<16x128xf32> to vector<1x128xf32>
    %slice3A_27 = vector.extract_strided_slice %mul3A {offsets = [0, 0], sizes = [1, 128], strides = [1, 1]} : vector<16x128xf32> to vector<1x128xf32>
    %slice3A_28 = vector.extract_strided_slice %convert_element_type3A_19 {offsets = [0, 0], sizes = [1, 128], strides = [1, 1]} : vector<16x128xf32> to vector<1x128xf32>
    %transpose3A = tpu.transpose %slice3A_23, [1, 0] : vector<1x128xf32> -> vector<128x1xf32>
    %transpose3A_29 = tpu.transpose %slice3A_24, [1, 0] : vector<1x128xf32> -> vector<128x1xf32>
    %transpose3A_30 = tpu.transpose %slice3A_25, [1, 0] : vector<1x128xf32> -> vector<128x1xf32>
    %transpose3A_31 = tpu.transpose %slice3A_26, [1, 0] : vector<1x128xf32> -> vector<128x1xf32>
    %transpose3A_32 = tpu.transpose %slice3A_27, [1, 0] : vector<1x128xf32> -> vector<128x1xf32>
    %max3A = vector.broadcast %transpose3A : vector<128x1xf32> to vector<128x128xf32>
    %max3A_33 = vector.broadcast %slice3A_23 : vector<1x128xf32> to vector<128x128xf32>
    %max3A_34 = arith.maximumf %max3A, %max3A_33 : vector<128x128xf32>
    %max3A_35 = vector.broadcast %transpose3A_29 : vector<128x1xf32> to vector<128x128xf32>
    %max3A_36 = vector.broadcast %slice3A_24 : vector<1x128xf32> to vector<128x128xf32>
    %max3A_37 = arith.maximumf %max3A_35, %max3A_36 : vector<128x128xf32>
    %min3A = vector.broadcast %transpose3A_30 : vector<128x1xf32> to vector<128x128xf32>
    %min3A_38 = vector.broadcast %slice3A_25 : vector<1x128xf32> to vector<128x128xf32>
    %min3A_39 = arith.minimumf %min3A, %min3A_38 : vector<128x128xf32>
    %min3A_40 = vector.broadcast %transpose3A_31 : vector<128x1xf32> to vector<128x128xf32>
    %min3A_41 = vector.broadcast %slice3A_26 : vector<1x128xf32> to vector<128x128xf32>
    %min3A_42 = arith.minimumf %min3A_40, %min3A_41 : vector<128x128xf32>
    %sub3A_43 = arith.subf %min3A_39, %max3A_34 : vector<128x128xf32>
    %max3A_44 = arith.constant 0.000000e+00 : f32
    %max3A_45 = vector.broadcast %max3A_44 : f32 to vector<128x128xf32>
    %max3A_46 = arith.maximumf %sub3A_43, %max3A_45 : vector<128x128xf32>
    %sub3A_47 = arith.subf %min3A_42, %max3A_37 : vector<128x128xf32>
    %max3A_48 = arith.constant 0.000000e+00 : f32
    %max3A_49 = vector.broadcast %max3A_48 : f32 to vector<128x128xf32>
    %max3A_50 = arith.maximumf %sub3A_47, %max3A_49 : vector<128x128xf32>
    %mul3A_51 = arith.mulf %max3A_46, %max3A_50 : vector<128x128xf32>
    %add3A = vector.broadcast %transpose3A_32 : vector<128x1xf32> to vector<128x128xf32>
    %add3A_52 = vector.broadcast %slice3A_27 : vector<1x128xf32> to vector<128x128xf32>
    %add3A_53 = arith.addf %add3A, %add3A_52 : vector<128x128xf32>
    %sub3A_54 = arith.subf %add3A_53, %mul3A_51 : vector<128x128xf32>
    %max3A_55 = arith.constant 9.99999993E-9 : f32
    %max3A_56 = vector.broadcast %max3A_55 : f32 to vector<128x128xf32>
    %max3A_57 = arith.maximumf %sub3A_54, %max3A_56 : vector<128x128xf32>
    %div3A = arith.divf %mul3A_51, %max3A_57 : vector<128x128xf32>
    %gt3A_58 = arith.constant 0.699999988 : f32
    %gt3A_59 = vector.broadcast %gt3A_58 : f32 to vector<128x128xf32>
    %gt3A_60 = arith.cmpf ogt, %div3A, %gt3A_59 : vector<128x128xf32>
    %convert_element_type3A_61 = arith.extui %gt3A_60 : vector<128x128xi1> to vector<128x128xi32>
    %convert_element_type3A_62 = arith.sitofp %convert_element_type3A_61 : vector<128x128xi32> to vector<128x128xf32>
    %mul3A_63 = arith.mulf %convert_element_type3A_62, %convert_element_type3A_22 : vector<128x128xf32>
    %mul3A_64 = vector.broadcast %slice3A_28 : vector<1x128xf32> to vector<128x128xf32>
    %mul3A_65 = arith.mulf %mul3A_63, %mul3A_64 : vector<128x128xf32>
    %transpose3A_66 = tpu.transpose %slice3A_28, [1, 0] : vector<1x128xf32> -> vector<128x1xf32>
    %mul3A_67 = vector.broadcast %transpose3A_66 : vector<128x1xf32> to vector<128x128xf32>
    %mul3A_68 = arith.mulf %mul3A_65, %mul3A_67 : vector<128x128xf32>
    %broadcast_in_dim3A = arith.constant 0.000000e+00 : f32
    %broadcast_in_dim3A_69 = vector.broadcast %broadcast_in_dim3A : f32 to vector<1x128xf32>
    %reduce_sum3A = vector.shape_cast %mul3A_68 : vector<128x128xf32> to vector<1x128x128xf32>
    %reduce_sum3A_70 = arith.constant dense<0.000000e+00> : vector<1xf32>
    %reduce_sum3A_71 = vector.multi_reduction <add>, %reduce_sum3A, %reduce_sum3A_70 [1, 2] : vector<1x128x128xf32> to vector<1xf32>
    %reduce_sum3A_72 = vector.shape_cast %reduce_sum3A_71 : vector<1xf32> to vector<1x1x1xf32>
    %reduce_sum3A_73 = vector.extract %reduce_sum3A_72[0, 0, 0] : f32 from vector<1x1x1xf32>
    %gt3A_74 = arith.constant 0.000000e+00 : f32
    %gt3A_75 = arith.cmpf ogt, %reduce_sum3A_73, %gt3A_74 : f32
    %while3A:2 = scf.while (%while3A_2473 = %broadcast_in_dim3A_69, %while3A_2474 = %gt3A_75) : (vector<1x128xf32>, i1) -> (vector<1x128xf32>, i1) {
      scf.condition(%while3A_2474) %while3A_2473, %while3A_2474 : vector<1x128xf32>, i1
    } do {
    ^bb0(%while3A_2473: vector<1x128xf32>, %while3A_2474: i1):
      %sub3A_2475 = arith.constant 1.000000e+00 : f32
      %sub3A_2476 = vector.broadcast %sub3A_2475 : f32 to vector<1x128xf32>
      %sub3A_2477 = arith.subf %sub3A_2476, %while3A_2473 : vector<1x128xf32>
      %dot_general3A_2478 = arith.constant dense<0.000000e+00> : vector<1x128xf32>
      %dot_general3A_2479 = tpu.matmul %sub3A_2477, %mul3A_68, %dot_general3A_2478 {dimension_numbers = #tpu.dot_dimension_numbers<[1], [0], [0], [1], [0, 0, 1, 1], [], []>, transpose_lhs_hint = false} : vector<1x128xf32>, vector<128x128xf32>, vector<1x128xf32> -> vector<1x128xf32>
      %eq3A_2480 = arith.constant 0.000000e+00 : f32
      %eq3A_2481 = vector.broadcast %eq3A_2480 : f32 to vector<1x128xf32>
      %eq3A_2482 = arith.cmpf oeq, %dot_general3A_2479, %eq3A_2481 : vector<1x128xf32>
      %convert_element_type3A_2483 = arith.extui %eq3A_2482 : vector<1x128xi1> to vector<1x128xi32>
      %convert_element_type3A_2484 = arith.sitofp %convert_element_type3A_2483 : vector<1x128xi32> to vector<1x128xf32>
      %dot_general3A_2485 = arith.constant dense<0.000000e+00> : vector<1x128xf32>
      %dot_general3A_2486 = tpu.matmul %convert_element_type3A_2484, %mul3A_68, %dot_general3A_2485 {dimension_numbers = #tpu.dot_dimension_numbers<[1], [0], [0], [1], [0, 0, 1, 1], [], []>, transpose_lhs_hint = false} : vector<1x128xf32>, vector<128x128xf32>, vector<1x128xf32> -> vector<1x128xf32>
      %gt3A_2487 = arith.constant 0.000000e+00 : f32
      %gt3A_2488 = vector.broadcast %gt3A_2487 : f32 to vector<1x128xf32>
      %gt3A_2489 = arith.cmpf ogt, %dot_general3A_2486, %gt3A_2488 : vector<1x128xf32>
      %convert_element_type3A_2490 = arith.extui %gt3A_2489 : vector<1x128xi1> to vector<1x128xi32>
      %convert_element_type3A_2491 = arith.sitofp %convert_element_type3A_2490 : vector<1x128xi32> to vector<1x128xf32>
      %max3A_2492 = arith.maximumf %while3A_2473, %convert_element_type3A_2491 : vector<1x128xf32>
      %reduce_sum3A_2493 = vector.shape_cast %max3A_2492 : vector<1x128xf32> to vector<1x1x128xf32>
      %reduce_sum3A_2494 = arith.constant dense<0.000000e+00> : vector<1xf32>
      %reduce_sum3A_2495 = vector.multi_reduction <add>, %reduce_sum3A_2493, %reduce_sum3A_2494 [1, 2] : vector<1x1x128xf32> to vector<1xf32>
      %reduce_sum3A_2496 = vector.shape_cast %reduce_sum3A_2495 : vector<1xf32> to vector<1x1x1xf32>
      %reduce_sum3A_2497 = vector.extract %reduce_sum3A_2496[0, 0, 0] : f32 from vector<1x1x1xf32>
      %reduce_sum3A_2498 = vector.shape_cast %while3A_2473 : vector<1x128xf32> to vector<1x1x128xf32>
      %reduce_sum3A_2499 = arith.constant dense<0.000000e+00> : vector<1xf32>
      %reduce_sum3A_2500 = vector.multi_reduction <add>, %reduce_sum3A_2498, %reduce_sum3A_2499 [1, 2] : vector<1x1x128xf32> to vector<1xf32>
      %reduce_sum3A_2501 = vector.shape_cast %reduce_sum3A_2500 : vector<1xf32> to vector<1x1x1xf32>
      %reduce_sum3A_2502 = vector.extract %reduce_sum3A_2501[0, 0, 0] : f32 from vector<1x1x1xf32>
      %gt3A_2503 = arith.cmpf ogt, %reduce_sum3A_2497, %reduce_sum3A_2502 : f32
      scf.yield %max3A_2492, %gt3A_2503 : vector<1x128xf32>, i1
    }
    %sub3A_76 = arith.constant 1.000000e+00 : f32
    %sub3A_77 = vector.broadcast %sub3A_76 : f32 to vector<1x128xf32>
    %sub3A_78 = arith.subf %sub3A_77, %while3A#0 : vector<1x128xf32>
    %dot_general3A = arith.constant dense<0.000000e+00> : vector<1x128xf32>
    %dot_general3A_79 = tpu.matmul %sub3A_78, %mul3A_68, %dot_general3A {dimension_numbers = #tpu.dot_dimension_numbers<[1], [0], [0], [1], [0, 0, 1, 1], [], []>, transpose_lhs_hint = false} : vector<1x128xf32>, vector<128x128xf32>, vector<1x128xf32> -> vector<1x128xf32>
    %gt3A_80 = arith.constant 0.000000e+00 : f32
    %gt3A_81 = vector.broadcast %gt3A_80 : f32 to vector<1x128xf32>
    %gt3A_82 = arith.cmpf ogt, %dot_general3A_79, %gt3A_81 : vector<1x128xf32>
    %convert_element_type3A_83 = arith.extui %gt3A_82 : vector<1x128xi1> to vector<1x128xi32>
    %convert_element_type3A_84 = arith.sitofp %convert_element_type3A_83 : vector<1x128xi32> to vector<1x128xf32>
    %sub3A_85 = arith.constant 1.000000e+00 : f32
    %sub3A_86 = vector.broadcast %sub3A_85 : f32 to vector<1x128xf32>
    %sub3A_87 = arith.subf %sub3A_86, %convert_element_type3A_84 : vector<1x128xf32>
    %mul3A_88 = arith.mulf %slice3A_28, %sub3A_87 : vector<1x128xf32>
    %slice3A_89 = vector.extract_strided_slice %squeeze3A {offsets = [1, 0], sizes = [1, 128], strides = [1, 1]} : vector<16x128xf32> to vector<1x128xf32>
    %slice3A_90 = vector.extract_strided_slice %squeeze3A_11 {offsets = [1, 0], sizes = [1, 128], strides = [1, 1]} : vector<16x128xf32> to vector<1x128xf32>
    %slice3A_91 = vector.extract_strided_slice %squeeze3A_13 {offsets = [1, 0], sizes = [1, 128], strides = [1, 1]} : vector<16x128xf32> to vector<1x128xf32>
    %slice3A_92 = vector.extract_strided_slice %squeeze3A_15 {offsets = [1, 0], sizes = [1, 128], strides = [1, 1]} : vector<16x128xf32> to vector<1x128xf32>
    %slice3A_93 = vector.extract_strided_slice %mul3A {offsets = [1, 0], sizes = [1, 128], strides = [1, 1]} : vector<16x128xf32> to vector<1x128xf32>
    %slice3A_94 = vector.extract_strided_slice %convert_element_type3A_19 {offsets = [1, 0], sizes = [1, 128], strides = [1, 1]} : vector<16x128xf32> to vector<1x128xf32>
    %slice3A_95 = vector.extract_strided_slice %squeeze3A {offsets = [0, 0], sizes = [1, 128], strides = [1, 1]} : vector<16x128xf32> to vector<1x128xf32>
    %broadcast_in_dim3A_96 = vector.shape_cast %slice3A_95 : vector<1x128xf32> to vector<1x128x1xf32>
    %slice3A_97 = vector.extract_strided_slice %squeeze3A_11 {offsets = [0, 0], sizes = [1, 128], strides = [1, 1]} : vector<16x128xf32> to vector<1x128xf32>
    %broadcast_in_dim3A_98 = vector.shape_cast %slice3A_97 : vector<1x128xf32> to vector<1x128x1xf32>
    %slice3A_99 = vector.extract_strided_slice %squeeze3A_13 {offsets = [0, 0], sizes = [1, 128], strides = [1, 1]} : vector<16x128xf32> to vector<1x128xf32>
    %broadcast_in_dim3A_100 = vector.shape_cast %slice3A_99 : vector<1x128xf32> to vector<1x128x1xf32>
    %slice3A_101 = vector.extract_strided_slice %squeeze3A_15 {offsets = [0, 0], sizes = [1, 128], strides = [1, 1]} : vector<16x128xf32> to vector<1x128xf32>
    %broadcast_in_dim3A_102 = vector.shape_cast %slice3A_101 : vector<1x128xf32> to vector<1x128x1xf32>
    %slice3A_103 = vector.extract_strided_slice %mul3A {offsets = [0, 0], sizes = [1, 128], strides = [1, 1]} : vector<16x128xf32> to vector<1x128xf32>
    %broadcast_in_dim3A_104 = vector.shape_cast %slice3A_103 : vector<1x128xf32> to vector<1x128x1xf32>
    %broadcast_in_dim3A_105 = vector.shape_cast %slice3A_89 : vector<1x128xf32> to vector<1x1x128xf32>
    %broadcast_in_dim3A_106 = vector.shape_cast %slice3A_90 : vector<1x128xf32> to vector<1x1x128xf32>
    %broadcast_in_dim3A_107 = vector.shape_cast %slice3A_91 : vector<1x128xf32> to vector<1x1x128xf32>
    %broadcast_in_dim3A_108 = vector.shape_cast %slice3A_92 : vector<1x128xf32> to vector<1x1x128xf32>
    %broadcast_in_dim3A_109 = vector.shape_cast %slice3A_93 : vector<1x128xf32> to vector<1x1x128xf32>
    %max3A_110 = vector.broadcast %broadcast_in_dim3A_96 : vector<1x128x1xf32> to vector<1x128x128xf32>
    %max3A_111 = vector.broadcast %broadcast_in_dim3A_105 : vector<1x1x128xf32> to vector<1x128x128xf32>
    %max3A_112 = arith.maximumf %max3A_110, %max3A_111 : vector<1x128x128xf32>
    %max3A_113 = vector.broadcast %broadcast_in_dim3A_98 : vector<1x128x1xf32> to vector<1x128x128xf32>
    %max3A_114 = vector.broadcast %broadcast_in_dim3A_106 : vector<1x1x128xf32> to vector<1x128x128xf32>
    %max3A_115 = arith.maximumf %max3A_113, %max3A_114 : vector<1x128x128xf32>
    %min3A_116 = vector.broadcast %broadcast_in_dim3A_100 : vector<1x128x1xf32> to vector<1x128x128xf32>
    %min3A_117 = vector.broadcast %broadcast_in_dim3A_107 : vector<1x1x128xf32> to vector<1x128x128xf32>
    %min3A_118 = arith.minimumf %min3A_116, %min3A_117 : vector<1x128x128xf32>
    %min3A_119 = vector.broadcast %broadcast_in_dim3A_102 : vector<1x128x1xf32> to vector<1x128x128xf32>
    %min3A_120 = vector.broadcast %broadcast_in_dim3A_108 : vector<1x1x128xf32> to vector<1x128x128xf32>
    %min3A_121 = arith.minimumf %min3A_119, %min3A_120 : vector<1x128x128xf32>
    %sub3A_122 = arith.subf %min3A_118, %max3A_112 : vector<1x128x128xf32>
    %max3A_123 = arith.constant 0.000000e+00 : f32
    %max3A_124 = vector.broadcast %max3A_123 : f32 to vector<1x128x128xf32>
    %max3A_125 = arith.maximumf %sub3A_122, %max3A_124 : vector<1x128x128xf32>
    %sub3A_126 = arith.subf %min3A_121, %max3A_115 : vector<1x128x128xf32>
    %max3A_127 = arith.constant 0.000000e+00 : f32
    %max3A_128 = vector.broadcast %max3A_127 : f32 to vector<1x128x128xf32>
    %max3A_129 = arith.maximumf %sub3A_126, %max3A_128 : vector<1x128x128xf32>
    %mul3A_130 = arith.mulf %max3A_125, %max3A_129 : vector<1x128x128xf32>
    %add3A_131 = vector.broadcast %broadcast_in_dim3A_104 : vector<1x128x1xf32> to vector<1x128x128xf32>
    %add3A_132 = vector.broadcast %broadcast_in_dim3A_109 : vector<1x1x128xf32> to vector<1x128x128xf32>
    %add3A_133 = arith.addf %add3A_131, %add3A_132 : vector<1x128x128xf32>
    %sub3A_134 = arith.subf %add3A_133, %mul3A_130 : vector<1x128x128xf32>
    %max3A_135 = arith.constant 9.99999993E-9 : f32
    %max3A_136 = vector.broadcast %max3A_135 : f32 to vector<1x128x128xf32>
    %max3A_137 = arith.maximumf %sub3A_134, %max3A_136 : vector<1x128x128xf32>
    %div3A_138 = arith.divf %mul3A_130, %max3A_137 : vector<1x128x128xf32>
    %gt3A_139 = arith.constant 0.699999988 : f32
    %gt3A_140 = vector.broadcast %gt3A_139 : f32 to vector<1x128x128xf32>
    %gt3A_141 = arith.cmpf ogt, %div3A_138, %gt3A_140 : vector<1x128x128xf32>
    %broadcast_in_dim3A_142 = vector.shape_cast %mul3A_88 : vector<1x128xf32> to vector<1x128x1xf32>
    %jit3A = arith.constant 0.000000e+00 : f32
    %broadcast_in_dim3A_143 = vector.shape_cast %broadcast_in_dim3A_142 : vector<1x128x1xf32> to vector<1x128x1xf32>
    %broadcast_in_dim3A_144 = vector.broadcast %broadcast_in_dim3A_143 : vector<1x128x1xf32> to vector<1x128x128xf32>
    %broadcast_in_dim3A_145 = vector.broadcast %jit3A : f32 to vector<1x128x128xf32>
    %select_n3A = arith.select %gt3A_141, %broadcast_in_dim3A_144, %broadcast_in_dim3A_145 : vector<1x128x128xi1>, vector<1x128x128xf32>
    %reduce_max3A = arith.constant dense<0xFF800000> : vector<128x128xf32>
    %reduce_max3A_146 = vector.multi_reduction <maximumf>, %select_n3A, %reduce_max3A [0] : vector<1x128x128xf32> to vector<128x128xf32>
    %reduce_max3A_147 = arith.constant dense<0xFF800000> : vector<128xf32>
    %reduce_max3A_148 = vector.multi_reduction <maximumf>, %reduce_max3A_146, %reduce_max3A_147 [0] : vector<128x128xf32> to vector<128xf32>
    %broadcast_in_dim3A_149 = vector.shape_cast %reduce_max3A_148 : vector<128xf32> to vector<1x128xf32>
    %sub3A_150 = arith.constant 1.000000e+00 : f32
    %sub3A_151 = vector.broadcast %sub3A_150 : f32 to vector<1x128xf32>
    %sub3A_152 = arith.subf %sub3A_151, %broadcast_in_dim3A_149 : vector<1x128xf32>
    %mul3A_153 = arith.mulf %slice3A_94, %sub3A_152 : vector<1x128xf32>
    %transpose3A_154 = tpu.transpose %slice3A_89, [1, 0] : vector<1x128xf32> -> vector<128x1xf32>
    %transpose3A_155 = tpu.transpose %slice3A_90, [1, 0] : vector<1x128xf32> -> vector<128x1xf32>
    %transpose3A_156 = tpu.transpose %slice3A_91, [1, 0] : vector<1x128xf32> -> vector<128x1xf32>
    %transpose3A_157 = tpu.transpose %slice3A_92, [1, 0] : vector<1x128xf32> -> vector<128x1xf32>
    %transpose3A_158 = tpu.transpose %slice3A_93, [1, 0] : vector<1x128xf32> -> vector<128x1xf32>
    %max3A_159 = vector.broadcast %transpose3A_154 : vector<128x1xf32> to vector<128x128xf32>
    %max3A_160 = vector.broadcast %slice3A_89 : vector<1x128xf32> to vector<128x128xf32>
    %max3A_161 = arith.maximumf %max3A_159, %max3A_160 : vector<128x128xf32>
    %max3A_162 = vector.broadcast %transpose3A_155 : vector<128x1xf32> to vector<128x128xf32>
    %max3A_163 = vector.broadcast %slice3A_90 : vector<1x128xf32> to vector<128x128xf32>
    %max3A_164 = arith.maximumf %max3A_162, %max3A_163 : vector<128x128xf32>
    %min3A_165 = vector.broadcast %transpose3A_156 : vector<128x1xf32> to vector<128x128xf32>
    %min3A_166 = vector.broadcast %slice3A_91 : vector<1x128xf32> to vector<128x128xf32>
    %min3A_167 = arith.minimumf %min3A_165, %min3A_166 : vector<128x128xf32>
    %min3A_168 = vector.broadcast %transpose3A_157 : vector<128x1xf32> to vector<128x128xf32>
    %min3A_169 = vector.broadcast %slice3A_92 : vector<1x128xf32> to vector<128x128xf32>
    %min3A_170 = arith.minimumf %min3A_168, %min3A_169 : vector<128x128xf32>
    %sub3A_171 = arith.subf %min3A_167, %max3A_161 : vector<128x128xf32>
    %max3A_172 = arith.constant 0.000000e+00 : f32
    %max3A_173 = vector.broadcast %max3A_172 : f32 to vector<128x128xf32>
    %max3A_174 = arith.maximumf %sub3A_171, %max3A_173 : vector<128x128xf32>
    %sub3A_175 = arith.subf %min3A_170, %max3A_164 : vector<128x128xf32>
    %max3A_176 = arith.constant 0.000000e+00 : f32
    %max3A_177 = vector.broadcast %max3A_176 : f32 to vector<128x128xf32>
    %max3A_178 = arith.maximumf %sub3A_175, %max3A_177 : vector<128x128xf32>
    %mul3A_179 = arith.mulf %max3A_174, %max3A_178 : vector<128x128xf32>
    %add3A_180 = vector.broadcast %transpose3A_158 : vector<128x1xf32> to vector<128x128xf32>
    %add3A_181 = vector.broadcast %slice3A_93 : vector<1x128xf32> to vector<128x128xf32>
    %add3A_182 = arith.addf %add3A_180, %add3A_181 : vector<128x128xf32>
    %sub3A_183 = arith.subf %add3A_182, %mul3A_179 : vector<128x128xf32>
    %max3A_184 = arith.constant 9.99999993E-9 : f32
    %max3A_185 = vector.broadcast %max3A_184 : f32 to vector<128x128xf32>
    %max3A_186 = arith.maximumf %sub3A_183, %max3A_185 : vector<128x128xf32>
    %div3A_187 = arith.divf %mul3A_179, %max3A_186 : vector<128x128xf32>
    %gt3A_188 = arith.constant 0.699999988 : f32
    %gt3A_189 = vector.broadcast %gt3A_188 : f32 to vector<128x128xf32>
    %gt3A_190 = arith.cmpf ogt, %div3A_187, %gt3A_189 : vector<128x128xf32>
    %convert_element_type3A_191 = arith.extui %gt3A_190 : vector<128x128xi1> to vector<128x128xi32>
    %convert_element_type3A_192 = arith.sitofp %convert_element_type3A_191 : vector<128x128xi32> to vector<128x128xf32>
    %mul3A_193 = arith.mulf %convert_element_type3A_192, %convert_element_type3A_22 : vector<128x128xf32>
    %mul3A_194 = vector.broadcast %mul3A_153 : vector<1x128xf32> to vector<128x128xf32>
    %mul3A_195 = arith.mulf %mul3A_193, %mul3A_194 : vector<128x128xf32>
    %transpose3A_196 = tpu.transpose %mul3A_153, [1, 0] : vector<1x128xf32> -> vector<128x1xf32>
    %mul3A_197 = vector.broadcast %transpose3A_196 : vector<128x1xf32> to vector<128x128xf32>
    %mul3A_198 = arith.mulf %mul3A_195, %mul3A_197 : vector<128x128xf32>
    %broadcast_in_dim3A_199 = arith.constant 0.000000e+00 : f32
    %broadcast_in_dim3A_200 = vector.broadcast %broadcast_in_dim3A_199 : f32 to vector<1x128xf32>
    %reduce_sum3A_201 = vector.shape_cast %mul3A_198 : vector<128x128xf32> to vector<1x128x128xf32>
    %reduce_sum3A_202 = arith.constant dense<0.000000e+00> : vector<1xf32>
    %reduce_sum3A_203 = vector.multi_reduction <add>, %reduce_sum3A_201, %reduce_sum3A_202 [1, 2] : vector<1x128x128xf32> to vector<1xf32>
    %reduce_sum3A_204 = vector.shape_cast %reduce_sum3A_203 : vector<1xf32> to vector<1x1x1xf32>
    %reduce_sum3A_205 = vector.extract %reduce_sum3A_204[0, 0, 0] : f32 from vector<1x1x1xf32>
    %gt3A_206 = arith.constant 0.000000e+00 : f32
    %gt3A_207 = arith.cmpf ogt, %reduce_sum3A_205, %gt3A_206 : f32
    %while3A_208:2 = scf.while (%while3A_2473 = %broadcast_in_dim3A_200, %while3A_2474 = %gt3A_207) : (vector<1x128xf32>, i1) -> (vector<1x128xf32>, i1) {
      scf.condition(%while3A_2474) %while3A_2473, %while3A_2474 : vector<1x128xf32>, i1
    } do {
    ^bb0(%while3A_2473: vector<1x128xf32>, %while3A_2474: i1):
      %sub3A_2475 = arith.constant 1.000000e+00 : f32
      %sub3A_2476 = vector.broadcast %sub3A_2475 : f32 to vector<1x128xf32>
      %sub3A_2477 = arith.subf %sub3A_2476, %while3A_2473 : vector<1x128xf32>
      %dot_general3A_2478 = arith.constant dense<0.000000e+00> : vector<1x128xf32>
      %dot_general3A_2479 = tpu.matmul %sub3A_2477, %mul3A_198, %dot_general3A_2478 {dimension_numbers = #tpu.dot_dimension_numbers<[1], [0], [0], [1], [0, 0, 1, 1], [], []>, transpose_lhs_hint = false} : vector<1x128xf32>, vector<128x128xf32>, vector<1x128xf32> -> vector<1x128xf32>
      %eq3A_2480 = arith.constant 0.000000e+00 : f32
      %eq3A_2481 = vector.broadcast %eq3A_2480 : f32 to vector<1x128xf32>
      %eq3A_2482 = arith.cmpf oeq, %dot_general3A_2479, %eq3A_2481 : vector<1x128xf32>
      %convert_element_type3A_2483 = arith.extui %eq3A_2482 : vector<1x128xi1> to vector<1x128xi32>
      %convert_element_type3A_2484 = arith.sitofp %convert_element_type3A_2483 : vector<1x128xi32> to vector<1x128xf32>
      %dot_general3A_2485 = arith.constant dense<0.000000e+00> : vector<1x128xf32>
      %dot_general3A_2486 = tpu.matmul %convert_element_type3A_2484, %mul3A_198, %dot_general3A_2485 {dimension_numbers = #tpu.dot_dimension_numbers<[1], [0], [0], [1], [0, 0, 1, 1], [], []>, transpose_lhs_hint = false} : vector<1x128xf32>, vector<128x128xf32>, vector<1x128xf32> -> vector<1x128xf32>
      %gt3A_2487 = arith.constant 0.000000e+00 : f32
      %gt3A_2488 = vector.broadcast %gt3A_2487 : f32 to vector<1x128xf32>
      %gt3A_2489 = arith.cmpf ogt, %dot_general3A_2486, %gt3A_2488 : vector<1x128xf32>
      %convert_element_type3A_2490 = arith.extui %gt3A_2489 : vector<1x128xi1> to vector<1x128xi32>
      %convert_element_type3A_2491 = arith.sitofp %convert_element_type3A_2490 : vector<1x128xi32> to vector<1x128xf32>
      %max3A_2492 = arith.maximumf %while3A_2473, %convert_element_type3A_2491 : vector<1x128xf32>
      %reduce_sum3A_2493 = vector.shape_cast %max3A_2492 : vector<1x128xf32> to vector<1x1x128xf32>
      %reduce_sum3A_2494 = arith.constant dense<0.000000e+00> : vector<1xf32>
      %reduce_sum3A_2495 = vector.multi_reduction <add>, %reduce_sum3A_2493, %reduce_sum3A_2494 [1, 2] : vector<1x1x128xf32> to vector<1xf32>
      %reduce_sum3A_2496 = vector.shape_cast %reduce_sum3A_2495 : vector<1xf32> to vector<1x1x1xf32>
      %reduce_sum3A_2497 = vector.extract %reduce_sum3A_2496[0, 0, 0] : f32 from vector<1x1x1xf32>
      %reduce_sum3A_2498 = vector.shape_cast %while3A_2473 : vector<1x128xf32> to vector<1x1x128xf32>
      %reduce_sum3A_2499 = arith.constant dense<0.000000e+00> : vector<1xf32>
      %reduce_sum3A_2500 = vector.multi_reduction <add>, %reduce_sum3A_2498, %reduce_sum3A_2499 [1, 2] : vector<1x1x128xf32> to vector<1xf32>
      %reduce_sum3A_2501 = vector.shape_cast %reduce_sum3A_2500 : vector<1xf32> to vector<1x1x1xf32>
      %reduce_sum3A_2502 = vector.extract %reduce_sum3A_2501[0, 0, 0] : f32 from vector<1x1x1xf32>
      %gt3A_2503 = arith.cmpf ogt, %reduce_sum3A_2497, %reduce_sum3A_2502 : f32
      scf.yield %max3A_2492, %gt3A_2503 : vector<1x128xf32>, i1
    }
    %sub3A_209 = arith.constant 1.000000e+00 : f32
    %sub3A_210 = vector.broadcast %sub3A_209 : f32 to vector<1x128xf32>
    %sub3A_211 = arith.subf %sub3A_210, %while3A_208#0 : vector<1x128xf32>
    %dot_general3A_212 = arith.constant dense<0.000000e+00> : vector<1x128xf32>
    %dot_general3A_213 = tpu.matmul %sub3A_211, %mul3A_198, %dot_general3A_212 {dimension_numbers = #tpu.dot_dimension_numbers<[1], [0], [0], [1], [0, 0, 1, 1], [], []>, transpose_lhs_hint = false} : vector<1x128xf32>, vector<128x128xf32>, vector<1x128xf32> -> vector<1x128xf32>
    %gt3A_214 = arith.constant 0.000000e+00 : f32
    %gt3A_215 = vector.broadcast %gt3A_214 : f32 to vector<1x128xf32>
    %gt3A_216 = arith.cmpf ogt, %dot_general3A_213, %gt3A_215 : vector<1x128xf32>
    %convert_element_type3A_217 = arith.extui %gt3A_216 : vector<1x128xi1> to vector<1x128xi32>
    %convert_element_type3A_218 = arith.sitofp %convert_element_type3A_217 : vector<1x128xi32> to vector<1x128xf32>
    %sub3A_219 = arith.constant 1.000000e+00 : f32
    %sub3A_220 = vector.broadcast %sub3A_219 : f32 to vector<1x128xf32>
    %sub3A_221 = arith.subf %sub3A_220, %convert_element_type3A_218 : vector<1x128xf32>
    %mul3A_222 = arith.mulf %mul3A_153, %sub3A_221 : vector<1x128xf32>
    %slice3A_223 = vector.extract_strided_slice %squeeze3A {offsets = [2, 0], sizes = [1, 128], strides = [1, 1]} : vector<16x128xf32> to vector<1x128xf32>
    %slice3A_224 = vector.extract_strided_slice %squeeze3A_11 {offsets = [2, 0], sizes = [1, 128], strides = [1, 1]} : vector<16x128xf32> to vector<1x128xf32>
    %slice3A_225 = vector.extract_strided_slice %squeeze3A_13 {offsets = [2, 0], sizes = [1, 128], strides = [1, 1]} : vector<16x128xf32> to vector<1x128xf32>
    %slice3A_226 = vector.extract_strided_slice %squeeze3A_15 {offsets = [2, 0], sizes = [1, 128], strides = [1, 1]} : vector<16x128xf32> to vector<1x128xf32>
    %slice3A_227 = vector.extract_strided_slice %mul3A {offsets = [2, 0], sizes = [1, 128], strides = [1, 1]} : vector<16x128xf32> to vector<1x128xf32>
    %slice3A_228 = vector.extract_strided_slice %convert_element_type3A_19 {offsets = [2, 0], sizes = [1, 128], strides = [1, 1]} : vector<16x128xf32> to vector<1x128xf32>
    %slice3A_229 = vector.extract_strided_slice %squeeze3A {offsets = [0, 0], sizes = [2, 128], strides = [1, 1]} : vector<16x128xf32> to vector<2x128xf32>
    %broadcast_in_dim3A_230 = vector.shape_cast %slice3A_229 : vector<2x128xf32> to vector<2x128x1xf32>
    %slice3A_231 = vector.extract_strided_slice %squeeze3A_11 {offsets = [0, 0], sizes = [2, 128], strides = [1, 1]} : vector<16x128xf32> to vector<2x128xf32>
    %broadcast_in_dim3A_232 = vector.shape_cast %slice3A_231 : vector<2x128xf32> to vector<2x128x1xf32>
    %slice3A_233 = vector.extract_strided_slice %squeeze3A_13 {offsets = [0, 0], sizes = [2, 128], strides = [1, 1]} : vector<16x128xf32> to vector<2x128xf32>
    %broadcast_in_dim3A_234 = vector.shape_cast %slice3A_233 : vector<2x128xf32> to vector<2x128x1xf32>
    %slice3A_235 = vector.extract_strided_slice %squeeze3A_15 {offsets = [0, 0], sizes = [2, 128], strides = [1, 1]} : vector<16x128xf32> to vector<2x128xf32>
    %broadcast_in_dim3A_236 = vector.shape_cast %slice3A_235 : vector<2x128xf32> to vector<2x128x1xf32>
    %slice3A_237 = vector.extract_strided_slice %mul3A {offsets = [0, 0], sizes = [2, 128], strides = [1, 1]} : vector<16x128xf32> to vector<2x128xf32>
    %broadcast_in_dim3A_238 = vector.shape_cast %slice3A_237 : vector<2x128xf32> to vector<2x128x1xf32>
    %broadcast_in_dim3A_239 = vector.shape_cast %slice3A_223 : vector<1x128xf32> to vector<1x1x128xf32>
    %broadcast_in_dim3A_240 = vector.shape_cast %slice3A_224 : vector<1x128xf32> to vector<1x1x128xf32>
    %broadcast_in_dim3A_241 = vector.shape_cast %slice3A_225 : vector<1x128xf32> to vector<1x1x128xf32>
    %broadcast_in_dim3A_242 = vector.shape_cast %slice3A_226 : vector<1x128xf32> to vector<1x1x128xf32>
    %broadcast_in_dim3A_243 = vector.shape_cast %slice3A_227 : vector<1x128xf32> to vector<1x1x128xf32>
    %max3A_244 = vector.broadcast %broadcast_in_dim3A_230 : vector<2x128x1xf32> to vector<2x128x128xf32>
    %max3A_245 = vector.broadcast %broadcast_in_dim3A_239 : vector<1x1x128xf32> to vector<2x128x128xf32>
    %max3A_246 = arith.maximumf %max3A_244, %max3A_245 : vector<2x128x128xf32>
    %max3A_247 = vector.broadcast %broadcast_in_dim3A_232 : vector<2x128x1xf32> to vector<2x128x128xf32>
    %max3A_248 = vector.broadcast %broadcast_in_dim3A_240 : vector<1x1x128xf32> to vector<2x128x128xf32>
    %max3A_249 = arith.maximumf %max3A_247, %max3A_248 : vector<2x128x128xf32>
    %min3A_250 = vector.broadcast %broadcast_in_dim3A_234 : vector<2x128x1xf32> to vector<2x128x128xf32>
    %min3A_251 = vector.broadcast %broadcast_in_dim3A_241 : vector<1x1x128xf32> to vector<2x128x128xf32>
    %min3A_252 = arith.minimumf %min3A_250, %min3A_251 : vector<2x128x128xf32>
    %min3A_253 = vector.broadcast %broadcast_in_dim3A_236 : vector<2x128x1xf32> to vector<2x128x128xf32>
    %min3A_254 = vector.broadcast %broadcast_in_dim3A_242 : vector<1x1x128xf32> to vector<2x128x128xf32>
    %min3A_255 = arith.minimumf %min3A_253, %min3A_254 : vector<2x128x128xf32>
    %sub3A_256 = arith.subf %min3A_252, %max3A_246 : vector<2x128x128xf32>
    %max3A_257 = arith.constant 0.000000e+00 : f32
    %max3A_258 = vector.broadcast %max3A_257 : f32 to vector<2x128x128xf32>
    %max3A_259 = arith.maximumf %sub3A_256, %max3A_258 : vector<2x128x128xf32>
    %sub3A_260 = arith.subf %min3A_255, %max3A_249 : vector<2x128x128xf32>
    %max3A_261 = arith.constant 0.000000e+00 : f32
    %max3A_262 = vector.broadcast %max3A_261 : f32 to vector<2x128x128xf32>
    %max3A_263 = arith.maximumf %sub3A_260, %max3A_262 : vector<2x128x128xf32>
    %mul3A_264 = arith.mulf %max3A_259, %max3A_263 : vector<2x128x128xf32>
    %add3A_265 = vector.broadcast %broadcast_in_dim3A_238 : vector<2x128x1xf32> to vector<2x128x128xf32>
    %add3A_266 = vector.broadcast %broadcast_in_dim3A_243 : vector<1x1x128xf32> to vector<2x128x128xf32>
    %add3A_267 = arith.addf %add3A_265, %add3A_266 : vector<2x128x128xf32>
    %sub3A_268 = arith.subf %add3A_267, %mul3A_264 : vector<2x128x128xf32>
    %max3A_269 = arith.constant 9.99999993E-9 : f32
    %max3A_270 = vector.broadcast %max3A_269 : f32 to vector<2x128x128xf32>
    %max3A_271 = arith.maximumf %sub3A_268, %max3A_270 : vector<2x128x128xf32>
    %div3A_272 = arith.divf %mul3A_264, %max3A_271 : vector<2x128x128xf32>
    %gt3A_273 = arith.constant 0.699999988 : f32
    %gt3A_274 = vector.broadcast %gt3A_273 : f32 to vector<2x128x128xf32>
    %gt3A_275 = arith.cmpf ogt, %div3A_272, %gt3A_274 : vector<2x128x128xf32>
    %concatenate3A = tpu.concatenate %mul3A_88, %mul3A_222 in 0 : vector<1x128xf32>, vector<1x128xf32> -> vector<2x128xf32>
    %broadcast_in_dim3A_276 = vector.shape_cast %concatenate3A : vector<2x128xf32> to vector<2x128x1xf32>
    %jit3A_277 = arith.constant 0.000000e+00 : f32
    %broadcast_in_dim3A_278 = vector.shape_cast %broadcast_in_dim3A_276 : vector<2x128x1xf32> to vector<2x128x1xf32>
    %broadcast_in_dim3A_279 = vector.broadcast %broadcast_in_dim3A_278 : vector<2x128x1xf32> to vector<2x128x128xf32>
    %broadcast_in_dim3A_280 = vector.broadcast %jit3A_277 : f32 to vector<2x128x128xf32>
    %select_n3A_281 = arith.select %gt3A_275, %broadcast_in_dim3A_279, %broadcast_in_dim3A_280 : vector<2x128x128xi1>, vector<2x128x128xf32>
    %reduce_max3A_282 = arith.constant dense<0xFF800000> : vector<128x128xf32>
    %reduce_max3A_283 = vector.multi_reduction <maximumf>, %select_n3A_281, %reduce_max3A_282 [0] : vector<2x128x128xf32> to vector<128x128xf32>
    %reduce_max3A_284 = arith.constant dense<0xFF800000> : vector<128xf32>
    %reduce_max3A_285 = vector.multi_reduction <maximumf>, %reduce_max3A_283, %reduce_max3A_284 [0] : vector<128x128xf32> to vector<128xf32>
    %broadcast_in_dim3A_286 = vector.shape_cast %reduce_max3A_285 : vector<128xf32> to vector<1x128xf32>
    %sub3A_287 = arith.constant 1.000000e+00 : f32
    %sub3A_288 = vector.broadcast %sub3A_287 : f32 to vector<1x128xf32>
    %sub3A_289 = arith.subf %sub3A_288, %broadcast_in_dim3A_286 : vector<1x128xf32>
    %mul3A_290 = arith.mulf %slice3A_228, %sub3A_289 : vector<1x128xf32>
    %transpose3A_291 = tpu.transpose %slice3A_223, [1, 0] : vector<1x128xf32> -> vector<128x1xf32>
    %transpose3A_292 = tpu.transpose %slice3A_224, [1, 0] : vector<1x128xf32> -> vector<128x1xf32>
    %transpose3A_293 = tpu.transpose %slice3A_225, [1, 0] : vector<1x128xf32> -> vector<128x1xf32>
    %transpose3A_294 = tpu.transpose %slice3A_226, [1, 0] : vector<1x128xf32> -> vector<128x1xf32>
    %transpose3A_295 = tpu.transpose %slice3A_227, [1, 0] : vector<1x128xf32> -> vector<128x1xf32>
    %max3A_296 = vector.broadcast %transpose3A_291 : vector<128x1xf32> to vector<128x128xf32>
    %max3A_297 = vector.broadcast %slice3A_223 : vector<1x128xf32> to vector<128x128xf32>
    %max3A_298 = arith.maximumf %max3A_296, %max3A_297 : vector<128x128xf32>
    %max3A_299 = vector.broadcast %transpose3A_292 : vector<128x1xf32> to vector<128x128xf32>
    %max3A_300 = vector.broadcast %slice3A_224 : vector<1x128xf32> to vector<128x128xf32>
    %max3A_301 = arith.maximumf %max3A_299, %max3A_300 : vector<128x128xf32>
    %min3A_302 = vector.broadcast %transpose3A_293 : vector<128x1xf32> to vector<128x128xf32>
    %min3A_303 = vector.broadcast %slice3A_225 : vector<1x128xf32> to vector<128x128xf32>
    %min3A_304 = arith.minimumf %min3A_302, %min3A_303 : vector<128x128xf32>
    %min3A_305 = vector.broadcast %transpose3A_294 : vector<128x1xf32> to vector<128x128xf32>
    %min3A_306 = vector.broadcast %slice3A_226 : vector<1x128xf32> to vector<128x128xf32>
    %min3A_307 = arith.minimumf %min3A_305, %min3A_306 : vector<128x128xf32>
    %sub3A_308 = arith.subf %min3A_304, %max3A_298 : vector<128x128xf32>
    %max3A_309 = arith.constant 0.000000e+00 : f32
    %max3A_310 = vector.broadcast %max3A_309 : f32 to vector<128x128xf32>
    %max3A_311 = arith.maximumf %sub3A_308, %max3A_310 : vector<128x128xf32>
    %sub3A_312 = arith.subf %min3A_307, %max3A_301 : vector<128x128xf32>
    %max3A_313 = arith.constant 0.000000e+00 : f32
    %max3A_314 = vector.broadcast %max3A_313 : f32 to vector<128x128xf32>
    %max3A_315 = arith.maximumf %sub3A_312, %max3A_314 : vector<128x128xf32>
    %mul3A_316 = arith.mulf %max3A_311, %max3A_315 : vector<128x128xf32>
    %add3A_317 = vector.broadcast %transpose3A_295 : vector<128x1xf32> to vector<128x128xf32>
    %add3A_318 = vector.broadcast %slice3A_227 : vector<1x128xf32> to vector<128x128xf32>
    %add3A_319 = arith.addf %add3A_317, %add3A_318 : vector<128x128xf32>
    %sub3A_320 = arith.subf %add3A_319, %mul3A_316 : vector<128x128xf32>
    %max3A_321 = arith.constant 9.99999993E-9 : f32
    %max3A_322 = vector.broadcast %max3A_321 : f32 to vector<128x128xf32>
    %max3A_323 = arith.maximumf %sub3A_320, %max3A_322 : vector<128x128xf32>
    %div3A_324 = arith.divf %mul3A_316, %max3A_323 : vector<128x128xf32>
    %gt3A_325 = arith.constant 0.699999988 : f32
    %gt3A_326 = vector.broadcast %gt3A_325 : f32 to vector<128x128xf32>
    %gt3A_327 = arith.cmpf ogt, %div3A_324, %gt3A_326 : vector<128x128xf32>
    %convert_element_type3A_328 = arith.extui %gt3A_327 : vector<128x128xi1> to vector<128x128xi32>
    %convert_element_type3A_329 = arith.sitofp %convert_element_type3A_328 : vector<128x128xi32> to vector<128x128xf32>
    %mul3A_330 = arith.mulf %convert_element_type3A_329, %convert_element_type3A_22 : vector<128x128xf32>
    %mul3A_331 = vector.broadcast %mul3A_290 : vector<1x128xf32> to vector<128x128xf32>
    %mul3A_332 = arith.mulf %mul3A_330, %mul3A_331 : vector<128x128xf32>
    %transpose3A_333 = tpu.transpose %mul3A_290, [1, 0] : vector<1x128xf32> -> vector<128x1xf32>
    %mul3A_334 = vector.broadcast %transpose3A_333 : vector<128x1xf32> to vector<128x128xf32>
    %mul3A_335 = arith.mulf %mul3A_332, %mul3A_334 : vector<128x128xf32>
    %broadcast_in_dim3A_336 = arith.constant 0.000000e+00 : f32
    %broadcast_in_dim3A_337 = vector.broadcast %broadcast_in_dim3A_336 : f32 to vector<1x128xf32>
    %reduce_sum3A_338 = vector.shape_cast %mul3A_335 : vector<128x128xf32> to vector<1x128x128xf32>
    %reduce_sum3A_339 = arith.constant dense<0.000000e+00> : vector<1xf32>
    %reduce_sum3A_340 = vector.multi_reduction <add>, %reduce_sum3A_338, %reduce_sum3A_339 [1, 2] : vector<1x128x128xf32> to vector<1xf32>
    %reduce_sum3A_341 = vector.shape_cast %reduce_sum3A_340 : vector<1xf32> to vector<1x1x1xf32>
    %reduce_sum3A_342 = vector.extract %reduce_sum3A_341[0, 0, 0] : f32 from vector<1x1x1xf32>
    %gt3A_343 = arith.constant 0.000000e+00 : f32
    %gt3A_344 = arith.cmpf ogt, %reduce_sum3A_342, %gt3A_343 : f32
    %while3A_345:2 = scf.while (%while3A_2473 = %broadcast_in_dim3A_337, %while3A_2474 = %gt3A_344) : (vector<1x128xf32>, i1) -> (vector<1x128xf32>, i1) {
      scf.condition(%while3A_2474) %while3A_2473, %while3A_2474 : vector<1x128xf32>, i1
    } do {
    ^bb0(%while3A_2473: vector<1x128xf32>, %while3A_2474: i1):
      %sub3A_2475 = arith.constant 1.000000e+00 : f32
      %sub3A_2476 = vector.broadcast %sub3A_2475 : f32 to vector<1x128xf32>
      %sub3A_2477 = arith.subf %sub3A_2476, %while3A_2473 : vector<1x128xf32>
      %dot_general3A_2478 = arith.constant dense<0.000000e+00> : vector<1x128xf32>
      %dot_general3A_2479 = tpu.matmul %sub3A_2477, %mul3A_335, %dot_general3A_2478 {dimension_numbers = #tpu.dot_dimension_numbers<[1], [0], [0], [1], [0, 0, 1, 1], [], []>, transpose_lhs_hint = false} : vector<1x128xf32>, vector<128x128xf32>, vector<1x128xf32> -> vector<1x128xf32>
      %eq3A_2480 = arith.constant 0.000000e+00 : f32
      %eq3A_2481 = vector.broadcast %eq3A_2480 : f32 to vector<1x128xf32>
      %eq3A_2482 = arith.cmpf oeq, %dot_general3A_2479, %eq3A_2481 : vector<1x128xf32>
      %convert_element_type3A_2483 = arith.extui %eq3A_2482 : vector<1x128xi1> to vector<1x128xi32>
      %convert_element_type3A_2484 = arith.sitofp %convert_element_type3A_2483 : vector<1x128xi32> to vector<1x128xf32>
      %dot_general3A_2485 = arith.constant dense<0.000000e+00> : vector<1x128xf32>
      %dot_general3A_2486 = tpu.matmul %convert_element_type3A_2484, %mul3A_335, %dot_general3A_2485 {dimension_numbers = #tpu.dot_dimension_numbers<[1], [0], [0], [1], [0, 0, 1, 1], [], []>, transpose_lhs_hint = false} : vector<1x128xf32>, vector<128x128xf32>, vector<1x128xf32> -> vector<1x128xf32>
      %gt3A_2487 = arith.constant 0.000000e+00 : f32
      %gt3A_2488 = vector.broadcast %gt3A_2487 : f32 to vector<1x128xf32>
      %gt3A_2489 = arith.cmpf ogt, %dot_general3A_2486, %gt3A_2488 : vector<1x128xf32>
      %convert_element_type3A_2490 = arith.extui %gt3A_2489 : vector<1x128xi1> to vector<1x128xi32>
      %convert_element_type3A_2491 = arith.sitofp %convert_element_type3A_2490 : vector<1x128xi32> to vector<1x128xf32>
      %max3A_2492 = arith.maximumf %while3A_2473, %convert_element_type3A_2491 : vector<1x128xf32>
      %reduce_sum3A_2493 = vector.shape_cast %max3A_2492 : vector<1x128xf32> to vector<1x1x128xf32>
      %reduce_sum3A_2494 = arith.constant dense<0.000000e+00> : vector<1xf32>
      %reduce_sum3A_2495 = vector.multi_reduction <add>, %reduce_sum3A_2493, %reduce_sum3A_2494 [1, 2] : vector<1x1x128xf32> to vector<1xf32>
      %reduce_sum3A_2496 = vector.shape_cast %reduce_sum3A_2495 : vector<1xf32> to vector<1x1x1xf32>
      %reduce_sum3A_2497 = vector.extract %reduce_sum3A_2496[0, 0, 0] : f32 from vector<1x1x1xf32>
      %reduce_sum3A_2498 = vector.shape_cast %while3A_2473 : vector<1x128xf32> to vector<1x1x128xf32>
      %reduce_sum3A_2499 = arith.constant dense<0.000000e+00> : vector<1xf32>
      %reduce_sum3A_2500 = vector.multi_reduction <add>, %reduce_sum3A_2498, %reduce_sum3A_2499 [1, 2] : vector<1x1x128xf32> to vector<1xf32>
      %reduce_sum3A_2501 = vector.shape_cast %reduce_sum3A_2500 : vector<1xf32> to vector<1x1x1xf32>
      %reduce_sum3A_2502 = vector.extract %reduce_sum3A_2501[0, 0, 0] : f32 from vector<1x1x1xf32>
      %gt3A_2503 = arith.cmpf ogt, %reduce_sum3A_2497, %reduce_sum3A_2502 : f32
      scf.yield %max3A_2492, %gt3A_2503 : vector<1x128xf32>, i1
    }
    %sub3A_346 = arith.constant 1.000000e+00 : f32
    %sub3A_347 = vector.broadcast %sub3A_346 : f32 to vector<1x128xf32>
    %sub3A_348 = arith.subf %sub3A_347, %while3A_345#0 : vector<1x128xf32>
    %dot_general3A_349 = arith.constant dense<0.000000e+00> : vector<1x128xf32>
    %dot_general3A_350 = tpu.matmul %sub3A_348, %mul3A_335, %dot_general3A_349 {dimension_numbers = #tpu.dot_dimension_numbers<[1], [0], [0], [1], [0, 0, 1, 1], [], []>, transpose_lhs_hint = false} : vector<1x128xf32>, vector<128x128xf32>, vector<1x128xf32> -> vector<1x128xf32>
    %gt3A_351 = arith.constant 0.000000e+00 : f32
    %gt3A_352 = vector.broadcast %gt3A_351 : f32 to vector<1x128xf32>
    %gt3A_353 = arith.cmpf ogt, %dot_general3A_350, %gt3A_352 : vector<1x128xf32>
    %convert_element_type3A_354 = arith.extui %gt3A_353 : vector<1x128xi1> to vector<1x128xi32>
    %convert_element_type3A_355 = arith.sitofp %convert_element_type3A_354 : vector<1x128xi32> to vector<1x128xf32>
    %sub3A_356 = arith.constant 1.000000e+00 : f32
    %sub3A_357 = vector.broadcast %sub3A_356 : f32 to vector<1x128xf32>
    %sub3A_358 = arith.subf %sub3A_357, %convert_element_type3A_355 : vector<1x128xf32>
    %mul3A_359 = arith.mulf %mul3A_290, %sub3A_358 : vector<1x128xf32>
    %slice3A_360 = vector.extract_strided_slice %squeeze3A {offsets = [3, 0], sizes = [1, 128], strides = [1, 1]} : vector<16x128xf32> to vector<1x128xf32>
    %slice3A_361 = vector.extract_strided_slice %squeeze3A_11 {offsets = [3, 0], sizes = [1, 128], strides = [1, 1]} : vector<16x128xf32> to vector<1x128xf32>
    %slice3A_362 = vector.extract_strided_slice %squeeze3A_13 {offsets = [3, 0], sizes = [1, 128], strides = [1, 1]} : vector<16x128xf32> to vector<1x128xf32>
    %slice3A_363 = vector.extract_strided_slice %squeeze3A_15 {offsets = [3, 0], sizes = [1, 128], strides = [1, 1]} : vector<16x128xf32> to vector<1x128xf32>
    %slice3A_364 = vector.extract_strided_slice %mul3A {offsets = [3, 0], sizes = [1, 128], strides = [1, 1]} : vector<16x128xf32> to vector<1x128xf32>
    %slice3A_365 = vector.extract_strided_slice %convert_element_type3A_19 {offsets = [3, 0], sizes = [1, 128], strides = [1, 1]} : vector<16x128xf32> to vector<1x128xf32>
    %slice3A_366 = vector.extract_strided_slice %squeeze3A {offsets = [0, 0], sizes = [3, 128], strides = [1, 1]} : vector<16x128xf32> to vector<3x128xf32>
    %broadcast_in_dim3A_367 = vector.shape_cast %slice3A_366 : vector<3x128xf32> to vector<3x128x1xf32>
    %slice3A_368 = vector.extract_strided_slice %squeeze3A_11 {offsets = [0, 0], sizes = [3, 128], strides = [1, 1]} : vector<16x128xf32> to vector<3x128xf32>
    %broadcast_in_dim3A_369 = vector.shape_cast %slice3A_368 : vector<3x128xf32> to vector<3x128x1xf32>
    %slice3A_370 = vector.extract_strided_slice %squeeze3A_13 {offsets = [0, 0], sizes = [3, 128], strides = [1, 1]} : vector<16x128xf32> to vector<3x128xf32>
    %broadcast_in_dim3A_371 = vector.shape_cast %slice3A_370 : vector<3x128xf32> to vector<3x128x1xf32>
    %slice3A_372 = vector.extract_strided_slice %squeeze3A_15 {offsets = [0, 0], sizes = [3, 128], strides = [1, 1]} : vector<16x128xf32> to vector<3x128xf32>
    %broadcast_in_dim3A_373 = vector.shape_cast %slice3A_372 : vector<3x128xf32> to vector<3x128x1xf32>
    %slice3A_374 = vector.extract_strided_slice %mul3A {offsets = [0, 0], sizes = [3, 128], strides = [1, 1]} : vector<16x128xf32> to vector<3x128xf32>
    %broadcast_in_dim3A_375 = vector.shape_cast %slice3A_374 : vector<3x128xf32> to vector<3x128x1xf32>
    %broadcast_in_dim3A_376 = vector.shape_cast %slice3A_360 : vector<1x128xf32> to vector<1x1x128xf32>
    %broadcast_in_dim3A_377 = vector.shape_cast %slice3A_361 : vector<1x128xf32> to vector<1x1x128xf32>
    %broadcast_in_dim3A_378 = vector.shape_cast %slice3A_362 : vector<1x128xf32> to vector<1x1x128xf32>
    %broadcast_in_dim3A_379 = vector.shape_cast %slice3A_363 : vector<1x128xf32> to vector<1x1x128xf32>
    %broadcast_in_dim3A_380 = vector.shape_cast %slice3A_364 : vector<1x128xf32> to vector<1x1x128xf32>
    %max3A_381 = vector.broadcast %broadcast_in_dim3A_367 : vector<3x128x1xf32> to vector<3x128x128xf32>
    %max3A_382 = vector.broadcast %broadcast_in_dim3A_376 : vector<1x1x128xf32> to vector<3x128x128xf32>
    %max3A_383 = arith.maximumf %max3A_381, %max3A_382 : vector<3x128x128xf32>
    %max3A_384 = vector.broadcast %broadcast_in_dim3A_369 : vector<3x128x1xf32> to vector<3x128x128xf32>
    %max3A_385 = vector.broadcast %broadcast_in_dim3A_377 : vector<1x1x128xf32> to vector<3x128x128xf32>
    %max3A_386 = arith.maximumf %max3A_384, %max3A_385 : vector<3x128x128xf32>
    %min3A_387 = vector.broadcast %broadcast_in_dim3A_371 : vector<3x128x1xf32> to vector<3x128x128xf32>
    %min3A_388 = vector.broadcast %broadcast_in_dim3A_378 : vector<1x1x128xf32> to vector<3x128x128xf32>
    %min3A_389 = arith.minimumf %min3A_387, %min3A_388 : vector<3x128x128xf32>
    %min3A_390 = vector.broadcast %broadcast_in_dim3A_373 : vector<3x128x1xf32> to vector<3x128x128xf32>
    %min3A_391 = vector.broadcast %broadcast_in_dim3A_379 : vector<1x1x128xf32> to vector<3x128x128xf32>
    %min3A_392 = arith.minimumf %min3A_390, %min3A_391 : vector<3x128x128xf32>
    %sub3A_393 = arith.subf %min3A_389, %max3A_383 : vector<3x128x128xf32>
    %max3A_394 = arith.constant 0.000000e+00 : f32
    %max3A_395 = vector.broadcast %max3A_394 : f32 to vector<3x128x128xf32>
    %max3A_396 = arith.maximumf %sub3A_393, %max3A_395 : vector<3x128x128xf32>
    %sub3A_397 = arith.subf %min3A_392, %max3A_386 : vector<3x128x128xf32>
    %max3A_398 = arith.constant 0.000000e+00 : f32
    %max3A_399 = vector.broadcast %max3A_398 : f32 to vector<3x128x128xf32>
    %max3A_400 = arith.maximumf %sub3A_397, %max3A_399 : vector<3x128x128xf32>
    %mul3A_401 = arith.mulf %max3A_396, %max3A_400 : vector<3x128x128xf32>
    %add3A_402 = vector.broadcast %broadcast_in_dim3A_375 : vector<3x128x1xf32> to vector<3x128x128xf32>
    %add3A_403 = vector.broadcast %broadcast_in_dim3A_380 : vector<1x1x128xf32> to vector<3x128x128xf32>
    %add3A_404 = arith.addf %add3A_402, %add3A_403 : vector<3x128x128xf32>
    %sub3A_405 = arith.subf %add3A_404, %mul3A_401 : vector<3x128x128xf32>
    %max3A_406 = arith.constant 9.99999993E-9 : f32
    %max3A_407 = vector.broadcast %max3A_406 : f32 to vector<3x128x128xf32>
    %max3A_408 = arith.maximumf %sub3A_405, %max3A_407 : vector<3x128x128xf32>
    %div3A_409 = arith.divf %mul3A_401, %max3A_408 : vector<3x128x128xf32>
    %gt3A_410 = arith.constant 0.699999988 : f32
    %gt3A_411 = vector.broadcast %gt3A_410 : f32 to vector<3x128x128xf32>
    %gt3A_412 = arith.cmpf ogt, %div3A_409, %gt3A_411 : vector<3x128x128xf32>
    %concatenate3A_413 = tpu.concatenate %mul3A_88, %mul3A_222, %mul3A_359 in 0 : vector<1x128xf32>, vector<1x128xf32>, vector<1x128xf32> -> vector<3x128xf32>
    %broadcast_in_dim3A_414 = vector.shape_cast %concatenate3A_413 : vector<3x128xf32> to vector<3x128x1xf32>
    %jit3A_415 = arith.constant 0.000000e+00 : f32
    %broadcast_in_dim3A_416 = vector.shape_cast %broadcast_in_dim3A_414 : vector<3x128x1xf32> to vector<3x128x1xf32>
    %broadcast_in_dim3A_417 = vector.broadcast %broadcast_in_dim3A_416 : vector<3x128x1xf32> to vector<3x128x128xf32>
    %broadcast_in_dim3A_418 = vector.broadcast %jit3A_415 : f32 to vector<3x128x128xf32>
    %select_n3A_419 = arith.select %gt3A_412, %broadcast_in_dim3A_417, %broadcast_in_dim3A_418 : vector<3x128x128xi1>, vector<3x128x128xf32>
    %reduce_max3A_420 = arith.constant dense<0xFF800000> : vector<128x128xf32>
    %reduce_max3A_421 = vector.multi_reduction <maximumf>, %select_n3A_419, %reduce_max3A_420 [0] : vector<3x128x128xf32> to vector<128x128xf32>
    %reduce_max3A_422 = arith.constant dense<0xFF800000> : vector<128xf32>
    %reduce_max3A_423 = vector.multi_reduction <maximumf>, %reduce_max3A_421, %reduce_max3A_422 [0] : vector<128x128xf32> to vector<128xf32>
    %broadcast_in_dim3A_424 = vector.shape_cast %reduce_max3A_423 : vector<128xf32> to vector<1x128xf32>
    %sub3A_425 = arith.constant 1.000000e+00 : f32
    %sub3A_426 = vector.broadcast %sub3A_425 : f32 to vector<1x128xf32>
    %sub3A_427 = arith.subf %sub3A_426, %broadcast_in_dim3A_424 : vector<1x128xf32>
    %mul3A_428 = arith.mulf %slice3A_365, %sub3A_427 : vector<1x128xf32>
    %transpose3A_429 = tpu.transpose %slice3A_360, [1, 0] : vector<1x128xf32> -> vector<128x1xf32>
    %transpose3A_430 = tpu.transpose %slice3A_361, [1, 0] : vector<1x128xf32> -> vector<128x1xf32>
    %transpose3A_431 = tpu.transpose %slice3A_362, [1, 0] : vector<1x128xf32> -> vector<128x1xf32>
    %transpose3A_432 = tpu.transpose %slice3A_363, [1, 0] : vector<1x128xf32> -> vector<128x1xf32>
    %transpose3A_433 = tpu.transpose %slice3A_364, [1, 0] : vector<1x128xf32> -> vector<128x1xf32>
    %max3A_434 = vector.broadcast %transpose3A_429 : vector<128x1xf32> to vector<128x128xf32>
    %max3A_435 = vector.broadcast %slice3A_360 : vector<1x128xf32> to vector<128x128xf32>
    %max3A_436 = arith.maximumf %max3A_434, %max3A_435 : vector<128x128xf32>
    %max3A_437 = vector.broadcast %transpose3A_430 : vector<128x1xf32> to vector<128x128xf32>
    %max3A_438 = vector.broadcast %slice3A_361 : vector<1x128xf32> to vector<128x128xf32>
    %max3A_439 = arith.maximumf %max3A_437, %max3A_438 : vector<128x128xf32>
    %min3A_440 = vector.broadcast %transpose3A_431 : vector<128x1xf32> to vector<128x128xf32>
    %min3A_441 = vector.broadcast %slice3A_362 : vector<1x128xf32> to vector<128x128xf32>
    %min3A_442 = arith.minimumf %min3A_440, %min3A_441 : vector<128x128xf32>
    %min3A_443 = vector.broadcast %transpose3A_432 : vector<128x1xf32> to vector<128x128xf32>
    %min3A_444 = vector.broadcast %slice3A_363 : vector<1x128xf32> to vector<128x128xf32>
    %min3A_445 = arith.minimumf %min3A_443, %min3A_444 : vector<128x128xf32>
    %sub3A_446 = arith.subf %min3A_442, %max3A_436 : vector<128x128xf32>
    %max3A_447 = arith.constant 0.000000e+00 : f32
    %max3A_448 = vector.broadcast %max3A_447 : f32 to vector<128x128xf32>
    %max3A_449 = arith.maximumf %sub3A_446, %max3A_448 : vector<128x128xf32>
    %sub3A_450 = arith.subf %min3A_445, %max3A_439 : vector<128x128xf32>
    %max3A_451 = arith.constant 0.000000e+00 : f32
    %max3A_452 = vector.broadcast %max3A_451 : f32 to vector<128x128xf32>
    %max3A_453 = arith.maximumf %sub3A_450, %max3A_452 : vector<128x128xf32>
    %mul3A_454 = arith.mulf %max3A_449, %max3A_453 : vector<128x128xf32>
    %add3A_455 = vector.broadcast %transpose3A_433 : vector<128x1xf32> to vector<128x128xf32>
    %add3A_456 = vector.broadcast %slice3A_364 : vector<1x128xf32> to vector<128x128xf32>
    %add3A_457 = arith.addf %add3A_455, %add3A_456 : vector<128x128xf32>
    %sub3A_458 = arith.subf %add3A_457, %mul3A_454 : vector<128x128xf32>
    %max3A_459 = arith.constant 9.99999993E-9 : f32
    %max3A_460 = vector.broadcast %max3A_459 : f32 to vector<128x128xf32>
    %max3A_461 = arith.maximumf %sub3A_458, %max3A_460 : vector<128x128xf32>
    %div3A_462 = arith.divf %mul3A_454, %max3A_461 : vector<128x128xf32>
    %gt3A_463 = arith.constant 0.699999988 : f32
    %gt3A_464 = vector.broadcast %gt3A_463 : f32 to vector<128x128xf32>
    %gt3A_465 = arith.cmpf ogt, %div3A_462, %gt3A_464 : vector<128x128xf32>
    %convert_element_type3A_466 = arith.extui %gt3A_465 : vector<128x128xi1> to vector<128x128xi32>
    %convert_element_type3A_467 = arith.sitofp %convert_element_type3A_466 : vector<128x128xi32> to vector<128x128xf32>
    %mul3A_468 = arith.mulf %convert_element_type3A_467, %convert_element_type3A_22 : vector<128x128xf32>
    %mul3A_469 = vector.broadcast %mul3A_428 : vector<1x128xf32> to vector<128x128xf32>
    %mul3A_470 = arith.mulf %mul3A_468, %mul3A_469 : vector<128x128xf32>
    %transpose3A_471 = tpu.transpose %mul3A_428, [1, 0] : vector<1x128xf32> -> vector<128x1xf32>
    %mul3A_472 = vector.broadcast %transpose3A_471 : vector<128x1xf32> to vector<128x128xf32>
    %mul3A_473 = arith.mulf %mul3A_470, %mul3A_472 : vector<128x128xf32>
    %broadcast_in_dim3A_474 = arith.constant 0.000000e+00 : f32
    %broadcast_in_dim3A_475 = vector.broadcast %broadcast_in_dim3A_474 : f32 to vector<1x128xf32>
    %reduce_sum3A_476 = vector.shape_cast %mul3A_473 : vector<128x128xf32> to vector<1x128x128xf32>
    %reduce_sum3A_477 = arith.constant dense<0.000000e+00> : vector<1xf32>
    %reduce_sum3A_478 = vector.multi_reduction <add>, %reduce_sum3A_476, %reduce_sum3A_477 [1, 2] : vector<1x128x128xf32> to vector<1xf32>
    %reduce_sum3A_479 = vector.shape_cast %reduce_sum3A_478 : vector<1xf32> to vector<1x1x1xf32>
    %reduce_sum3A_480 = vector.extract %reduce_sum3A_479[0, 0, 0] : f32 from vector<1x1x1xf32>
    %gt3A_481 = arith.constant 0.000000e+00 : f32
    %gt3A_482 = arith.cmpf ogt, %reduce_sum3A_480, %gt3A_481 : f32
    %while3A_483:2 = scf.while (%while3A_2473 = %broadcast_in_dim3A_475, %while3A_2474 = %gt3A_482) : (vector<1x128xf32>, i1) -> (vector<1x128xf32>, i1) {
      scf.condition(%while3A_2474) %while3A_2473, %while3A_2474 : vector<1x128xf32>, i1
    } do {
    ^bb0(%while3A_2473: vector<1x128xf32>, %while3A_2474: i1):
      %sub3A_2475 = arith.constant 1.000000e+00 : f32
      %sub3A_2476 = vector.broadcast %sub3A_2475 : f32 to vector<1x128xf32>
      %sub3A_2477 = arith.subf %sub3A_2476, %while3A_2473 : vector<1x128xf32>
      %dot_general3A_2478 = arith.constant dense<0.000000e+00> : vector<1x128xf32>
      %dot_general3A_2479 = tpu.matmul %sub3A_2477, %mul3A_473, %dot_general3A_2478 {dimension_numbers = #tpu.dot_dimension_numbers<[1], [0], [0], [1], [0, 0, 1, 1], [], []>, transpose_lhs_hint = false} : vector<1x128xf32>, vector<128x128xf32>, vector<1x128xf32> -> vector<1x128xf32>
      %eq3A_2480 = arith.constant 0.000000e+00 : f32
      %eq3A_2481 = vector.broadcast %eq3A_2480 : f32 to vector<1x128xf32>
      %eq3A_2482 = arith.cmpf oeq, %dot_general3A_2479, %eq3A_2481 : vector<1x128xf32>
      %convert_element_type3A_2483 = arith.extui %eq3A_2482 : vector<1x128xi1> to vector<1x128xi32>
      %convert_element_type3A_2484 = arith.sitofp %convert_element_type3A_2483 : vector<1x128xi32> to vector<1x128xf32>
      %dot_general3A_2485 = arith.constant dense<0.000000e+00> : vector<1x128xf32>
      %dot_general3A_2486 = tpu.matmul %convert_element_type3A_2484, %mul3A_473, %dot_general3A_2485 {dimension_numbers = #tpu.dot_dimension_numbers<[1], [0], [0], [1], [0, 0, 1, 1], [], []>, transpose_lhs_hint = false} : vector<1x128xf32>, vector<128x128xf32>, vector<1x128xf32> -> vector<1x128xf32>
      %gt3A_2487 = arith.constant 0.000000e+00 : f32
      %gt3A_2488 = vector.broadcast %gt3A_2487 : f32 to vector<1x128xf32>
      %gt3A_2489 = arith.cmpf ogt, %dot_general3A_2486, %gt3A_2488 : vector<1x128xf32>
      %convert_element_type3A_2490 = arith.extui %gt3A_2489 : vector<1x128xi1> to vector<1x128xi32>
      %convert_element_type3A_2491 = arith.sitofp %convert_element_type3A_2490 : vector<1x128xi32> to vector<1x128xf32>
      %max3A_2492 = arith.maximumf %while3A_2473, %convert_element_type3A_2491 : vector<1x128xf32>
      %reduce_sum3A_2493 = vector.shape_cast %max3A_2492 : vector<1x128xf32> to vector<1x1x128xf32>
      %reduce_sum3A_2494 = arith.constant dense<0.000000e+00> : vector<1xf32>
      %reduce_sum3A_2495 = vector.multi_reduction <add>, %reduce_sum3A_2493, %reduce_sum3A_2494 [1, 2] : vector<1x1x128xf32> to vector<1xf32>
      %reduce_sum3A_2496 = vector.shape_cast %reduce_sum3A_2495 : vector<1xf32> to vector<1x1x1xf32>
      %reduce_sum3A_2497 = vector.extract %reduce_sum3A_2496[0, 0, 0] : f32 from vector<1x1x1xf32>
      %reduce_sum3A_2498 = vector.shape_cast %while3A_2473 : vector<1x128xf32> to vector<1x1x128xf32>
      %reduce_sum3A_2499 = arith.constant dense<0.000000e+00> : vector<1xf32>
      %reduce_sum3A_2500 = vector.multi_reduction <add>, %reduce_sum3A_2498, %reduce_sum3A_2499 [1, 2] : vector<1x1x128xf32> to vector<1xf32>
      %reduce_sum3A_2501 = vector.shape_cast %reduce_sum3A_2500 : vector<1xf32> to vector<1x1x1xf32>
      %reduce_sum3A_2502 = vector.extract %reduce_sum3A_2501[0, 0, 0] : f32 from vector<1x1x1xf32>
      %gt3A_2503 = arith.cmpf ogt, %reduce_sum3A_2497, %reduce_sum3A_2502 : f32
      scf.yield %max3A_2492, %gt3A_2503 : vector<1x128xf32>, i1
    }
    %sub3A_484 = arith.constant 1.000000e+00 : f32
    %sub3A_485 = vector.broadcast %sub3A_484 : f32 to vector<1x128xf32>
    %sub3A_486 = arith.subf %sub3A_485, %while3A_483#0 : vector<1x128xf32>
    %dot_general3A_487 = arith.constant dense<0.000000e+00> : vector<1x128xf32>
    %dot_general3A_488 = tpu.matmul %sub3A_486, %mul3A_473, %dot_general3A_487 {dimension_numbers = #tpu.dot_dimension_numbers<[1], [0], [0], [1], [0, 0, 1, 1], [], []>, transpose_lhs_hint = false} : vector<1x128xf32>, vector<128x128xf32>, vector<1x128xf32> -> vector<1x128xf32>
    %gt3A_489 = arith.constant 0.000000e+00 : f32
    %gt3A_490 = vector.broadcast %gt3A_489 : f32 to vector<1x128xf32>
    %gt3A_491 = arith.cmpf ogt, %dot_general3A_488, %gt3A_490 : vector<1x128xf32>
    %convert_element_type3A_492 = arith.extui %gt3A_491 : vector<1x128xi1> to vector<1x128xi32>
    %convert_element_type3A_493 = arith.sitofp %convert_element_type3A_492 : vector<1x128xi32> to vector<1x128xf32>
    %sub3A_494 = arith.constant 1.000000e+00 : f32
    %sub3A_495 = vector.broadcast %sub3A_494 : f32 to vector<1x128xf32>
    %sub3A_496 = arith.subf %sub3A_495, %convert_element_type3A_493 : vector<1x128xf32>
    %mul3A_497 = arith.mulf %mul3A_428, %sub3A_496 : vector<1x128xf32>
    %slice3A_498 = vector.extract_strided_slice %squeeze3A {offsets = [4, 0], sizes = [1, 128], strides = [1, 1]} : vector<16x128xf32> to vector<1x128xf32>
    %slice3A_499 = vector.extract_strided_slice %squeeze3A_11 {offsets = [4, 0], sizes = [1, 128], strides = [1, 1]} : vector<16x128xf32> to vector<1x128xf32>
    %slice3A_500 = vector.extract_strided_slice %squeeze3A_13 {offsets = [4, 0], sizes = [1, 128], strides = [1, 1]} : vector<16x128xf32> to vector<1x128xf32>
    %slice3A_501 = vector.extract_strided_slice %squeeze3A_15 {offsets = [4, 0], sizes = [1, 128], strides = [1, 1]} : vector<16x128xf32> to vector<1x128xf32>
    %slice3A_502 = vector.extract_strided_slice %mul3A {offsets = [4, 0], sizes = [1, 128], strides = [1, 1]} : vector<16x128xf32> to vector<1x128xf32>
    %slice3A_503 = vector.extract_strided_slice %convert_element_type3A_19 {offsets = [4, 0], sizes = [1, 128], strides = [1, 1]} : vector<16x128xf32> to vector<1x128xf32>
    %slice3A_504 = vector.extract_strided_slice %squeeze3A {offsets = [0, 0], sizes = [4, 128], strides = [1, 1]} : vector<16x128xf32> to vector<4x128xf32>
    %broadcast_in_dim3A_505 = vector.shape_cast %slice3A_504 : vector<4x128xf32> to vector<4x128x1xf32>
    %slice3A_506 = vector.extract_strided_slice %squeeze3A_11 {offsets = [0, 0], sizes = [4, 128], strides = [1, 1]} : vector<16x128xf32> to vector<4x128xf32>
    %broadcast_in_dim3A_507 = vector.shape_cast %slice3A_506 : vector<4x128xf32> to vector<4x128x1xf32>
    %slice3A_508 = vector.extract_strided_slice %squeeze3A_13 {offsets = [0, 0], sizes = [4, 128], strides = [1, 1]} : vector<16x128xf32> to vector<4x128xf32>
    %broadcast_in_dim3A_509 = vector.shape_cast %slice3A_508 : vector<4x128xf32> to vector<4x128x1xf32>
    %slice3A_510 = vector.extract_strided_slice %squeeze3A_15 {offsets = [0, 0], sizes = [4, 128], strides = [1, 1]} : vector<16x128xf32> to vector<4x128xf32>
    %broadcast_in_dim3A_511 = vector.shape_cast %slice3A_510 : vector<4x128xf32> to vector<4x128x1xf32>
    %slice3A_512 = vector.extract_strided_slice %mul3A {offsets = [0, 0], sizes = [4, 128], strides = [1, 1]} : vector<16x128xf32> to vector<4x128xf32>
    %broadcast_in_dim3A_513 = vector.shape_cast %slice3A_512 : vector<4x128xf32> to vector<4x128x1xf32>
    %broadcast_in_dim3A_514 = vector.shape_cast %slice3A_498 : vector<1x128xf32> to vector<1x1x128xf32>
    %broadcast_in_dim3A_515 = vector.shape_cast %slice3A_499 : vector<1x128xf32> to vector<1x1x128xf32>
    %broadcast_in_dim3A_516 = vector.shape_cast %slice3A_500 : vector<1x128xf32> to vector<1x1x128xf32>
    %broadcast_in_dim3A_517 = vector.shape_cast %slice3A_501 : vector<1x128xf32> to vector<1x1x128xf32>
    %broadcast_in_dim3A_518 = vector.shape_cast %slice3A_502 : vector<1x128xf32> to vector<1x1x128xf32>
    %max3A_519 = vector.broadcast %broadcast_in_dim3A_505 : vector<4x128x1xf32> to vector<4x128x128xf32>
    %max3A_520 = vector.broadcast %broadcast_in_dim3A_514 : vector<1x1x128xf32> to vector<4x128x128xf32>
    %max3A_521 = arith.maximumf %max3A_519, %max3A_520 : vector<4x128x128xf32>
    %max3A_522 = vector.broadcast %broadcast_in_dim3A_507 : vector<4x128x1xf32> to vector<4x128x128xf32>
    %max3A_523 = vector.broadcast %broadcast_in_dim3A_515 : vector<1x1x128xf32> to vector<4x128x128xf32>
    %max3A_524 = arith.maximumf %max3A_522, %max3A_523 : vector<4x128x128xf32>
    %min3A_525 = vector.broadcast %broadcast_in_dim3A_509 : vector<4x128x1xf32> to vector<4x128x128xf32>
    %min3A_526 = vector.broadcast %broadcast_in_dim3A_516 : vector<1x1x128xf32> to vector<4x128x128xf32>
    %min3A_527 = arith.minimumf %min3A_525, %min3A_526 : vector<4x128x128xf32>
    %min3A_528 = vector.broadcast %broadcast_in_dim3A_511 : vector<4x128x1xf32> to vector<4x128x128xf32>
    %min3A_529 = vector.broadcast %broadcast_in_dim3A_517 : vector<1x1x128xf32> to vector<4x128x128xf32>
    %min3A_530 = arith.minimumf %min3A_528, %min3A_529 : vector<4x128x128xf32>
    %sub3A_531 = arith.subf %min3A_527, %max3A_521 : vector<4x128x128xf32>
    %max3A_532 = arith.constant 0.000000e+00 : f32
    %max3A_533 = vector.broadcast %max3A_532 : f32 to vector<4x128x128xf32>
    %max3A_534 = arith.maximumf %sub3A_531, %max3A_533 : vector<4x128x128xf32>
    %sub3A_535 = arith.subf %min3A_530, %max3A_524 : vector<4x128x128xf32>
    %max3A_536 = arith.constant 0.000000e+00 : f32
    %max3A_537 = vector.broadcast %max3A_536 : f32 to vector<4x128x128xf32>
    %max3A_538 = arith.maximumf %sub3A_535, %max3A_537 : vector<4x128x128xf32>
    %mul3A_539 = arith.mulf %max3A_534, %max3A_538 : vector<4x128x128xf32>
    %add3A_540 = vector.broadcast %broadcast_in_dim3A_513 : vector<4x128x1xf32> to vector<4x128x128xf32>
    %add3A_541 = vector.broadcast %broadcast_in_dim3A_518 : vector<1x1x128xf32> to vector<4x128x128xf32>
    %add3A_542 = arith.addf %add3A_540, %add3A_541 : vector<4x128x128xf32>
    %sub3A_543 = arith.subf %add3A_542, %mul3A_539 : vector<4x128x128xf32>
    %max3A_544 = arith.constant 9.99999993E-9 : f32
    %max3A_545 = vector.broadcast %max3A_544 : f32 to vector<4x128x128xf32>
    %max3A_546 = arith.maximumf %sub3A_543, %max3A_545 : vector<4x128x128xf32>
    %div3A_547 = arith.divf %mul3A_539, %max3A_546 : vector<4x128x128xf32>
    %gt3A_548 = arith.constant 0.699999988 : f32
    %gt3A_549 = vector.broadcast %gt3A_548 : f32 to vector<4x128x128xf32>
    %gt3A_550 = arith.cmpf ogt, %div3A_547, %gt3A_549 : vector<4x128x128xf32>
    %concatenate3A_551 = tpu.concatenate %mul3A_88, %mul3A_222, %mul3A_359, %mul3A_497 in 0 : vector<1x128xf32>, vector<1x128xf32>, vector<1x128xf32>, vector<1x128xf32> -> vector<4x128xf32>
    %broadcast_in_dim3A_552 = vector.shape_cast %concatenate3A_551 : vector<4x128xf32> to vector<4x128x1xf32>
    %jit3A_553 = arith.constant 0.000000e+00 : f32
    %broadcast_in_dim3A_554 = vector.shape_cast %broadcast_in_dim3A_552 : vector<4x128x1xf32> to vector<4x128x1xf32>
    %broadcast_in_dim3A_555 = vector.broadcast %broadcast_in_dim3A_554 : vector<4x128x1xf32> to vector<4x128x128xf32>
    %broadcast_in_dim3A_556 = vector.broadcast %jit3A_553 : f32 to vector<4x128x128xf32>
    %select_n3A_557 = arith.select %gt3A_550, %broadcast_in_dim3A_555, %broadcast_in_dim3A_556 : vector<4x128x128xi1>, vector<4x128x128xf32>
    %reduce_max3A_558 = arith.constant dense<0xFF800000> : vector<128x128xf32>
    %reduce_max3A_559 = vector.multi_reduction <maximumf>, %select_n3A_557, %reduce_max3A_558 [0] : vector<4x128x128xf32> to vector<128x128xf32>
    %reduce_max3A_560 = arith.constant dense<0xFF800000> : vector<128xf32>
    %reduce_max3A_561 = vector.multi_reduction <maximumf>, %reduce_max3A_559, %reduce_max3A_560 [0] : vector<128x128xf32> to vector<128xf32>
    %broadcast_in_dim3A_562 = vector.shape_cast %reduce_max3A_561 : vector<128xf32> to vector<1x128xf32>
    %sub3A_563 = arith.constant 1.000000e+00 : f32
    %sub3A_564 = vector.broadcast %sub3A_563 : f32 to vector<1x128xf32>
    %sub3A_565 = arith.subf %sub3A_564, %broadcast_in_dim3A_562 : vector<1x128xf32>
    %mul3A_566 = arith.mulf %slice3A_503, %sub3A_565 : vector<1x128xf32>
    %transpose3A_567 = tpu.transpose %slice3A_498, [1, 0] : vector<1x128xf32> -> vector<128x1xf32>
    %transpose3A_568 = tpu.transpose %slice3A_499, [1, 0] : vector<1x128xf32> -> vector<128x1xf32>
    %transpose3A_569 = tpu.transpose %slice3A_500, [1, 0] : vector<1x128xf32> -> vector<128x1xf32>
    %transpose3A_570 = tpu.transpose %slice3A_501, [1, 0] : vector<1x128xf32> -> vector<128x1xf32>
    %transpose3A_571 = tpu.transpose %slice3A_502, [1, 0] : vector<1x128xf32> -> vector<128x1xf32>
    %max3A_572 = vector.broadcast %transpose3A_567 : vector<128x1xf32> to vector<128x128xf32>
    %max3A_573 = vector.broadcast %slice3A_498 : vector<1x128xf32> to vector<128x128xf32>
    %max3A_574 = arith.maximumf %max3A_572, %max3A_573 : vector<128x128xf32>
    %max3A_575 = vector.broadcast %transpose3A_568 : vector<128x1xf32> to vector<128x128xf32>
    %max3A_576 = vector.broadcast %slice3A_499 : vector<1x128xf32> to vector<128x128xf32>
    %max3A_577 = arith.maximumf %max3A_575, %max3A_576 : vector<128x128xf32>
    %min3A_578 = vector.broadcast %transpose3A_569 : vector<128x1xf32> to vector<128x128xf32>
    %min3A_579 = vector.broadcast %slice3A_500 : vector<1x128xf32> to vector<128x128xf32>
    %min3A_580 = arith.minimumf %min3A_578, %min3A_579 : vector<128x128xf32>
    %min3A_581 = vector.broadcast %transpose3A_570 : vector<128x1xf32> to vector<128x128xf32>
    %min3A_582 = vector.broadcast %slice3A_501 : vector<1x128xf32> to vector<128x128xf32>
    %min3A_583 = arith.minimumf %min3A_581, %min3A_582 : vector<128x128xf32>
    %sub3A_584 = arith.subf %min3A_580, %max3A_574 : vector<128x128xf32>
    %max3A_585 = arith.constant 0.000000e+00 : f32
    %max3A_586 = vector.broadcast %max3A_585 : f32 to vector<128x128xf32>
    %max3A_587 = arith.maximumf %sub3A_584, %max3A_586 : vector<128x128xf32>
    %sub3A_588 = arith.subf %min3A_583, %max3A_577 : vector<128x128xf32>
    %max3A_589 = arith.constant 0.000000e+00 : f32
    %max3A_590 = vector.broadcast %max3A_589 : f32 to vector<128x128xf32>
    %max3A_591 = arith.maximumf %sub3A_588, %max3A_590 : vector<128x128xf32>
    %mul3A_592 = arith.mulf %max3A_587, %max3A_591 : vector<128x128xf32>
    %add3A_593 = vector.broadcast %transpose3A_571 : vector<128x1xf32> to vector<128x128xf32>
    %add3A_594 = vector.broadcast %slice3A_502 : vector<1x128xf32> to vector<128x128xf32>
    %add3A_595 = arith.addf %add3A_593, %add3A_594 : vector<128x128xf32>
    %sub3A_596 = arith.subf %add3A_595, %mul3A_592 : vector<128x128xf32>
    %max3A_597 = arith.constant 9.99999993E-9 : f32
    %max3A_598 = vector.broadcast %max3A_597 : f32 to vector<128x128xf32>
    %max3A_599 = arith.maximumf %sub3A_596, %max3A_598 : vector<128x128xf32>
    %div3A_600 = arith.divf %mul3A_592, %max3A_599 : vector<128x128xf32>
    %gt3A_601 = arith.constant 0.699999988 : f32
    %gt3A_602 = vector.broadcast %gt3A_601 : f32 to vector<128x128xf32>
    %gt3A_603 = arith.cmpf ogt, %div3A_600, %gt3A_602 : vector<128x128xf32>
    %convert_element_type3A_604 = arith.extui %gt3A_603 : vector<128x128xi1> to vector<128x128xi32>
    %convert_element_type3A_605 = arith.sitofp %convert_element_type3A_604 : vector<128x128xi32> to vector<128x128xf32>
    %mul3A_606 = arith.mulf %convert_element_type3A_605, %convert_element_type3A_22 : vector<128x128xf32>
    %mul3A_607 = vector.broadcast %mul3A_566 : vector<1x128xf32> to vector<128x128xf32>
    %mul3A_608 = arith.mulf %mul3A_606, %mul3A_607 : vector<128x128xf32>
    %transpose3A_609 = tpu.transpose %mul3A_566, [1, 0] : vector<1x128xf32> -> vector<128x1xf32>
    %mul3A_610 = vector.broadcast %transpose3A_609 : vector<128x1xf32> to vector<128x128xf32>
    %mul3A_611 = arith.mulf %mul3A_608, %mul3A_610 : vector<128x128xf32>
    %broadcast_in_dim3A_612 = arith.constant 0.000000e+00 : f32
    %broadcast_in_dim3A_613 = vector.broadcast %broadcast_in_dim3A_612 : f32 to vector<1x128xf32>
    %reduce_sum3A_614 = vector.shape_cast %mul3A_611 : vector<128x128xf32> to vector<1x128x128xf32>
    %reduce_sum3A_615 = arith.constant dense<0.000000e+00> : vector<1xf32>
    %reduce_sum3A_616 = vector.multi_reduction <add>, %reduce_sum3A_614, %reduce_sum3A_615 [1, 2] : vector<1x128x128xf32> to vector<1xf32>
    %reduce_sum3A_617 = vector.shape_cast %reduce_sum3A_616 : vector<1xf32> to vector<1x1x1xf32>
    %reduce_sum3A_618 = vector.extract %reduce_sum3A_617[0, 0, 0] : f32 from vector<1x1x1xf32>
    %gt3A_619 = arith.constant 0.000000e+00 : f32
    %gt3A_620 = arith.cmpf ogt, %reduce_sum3A_618, %gt3A_619 : f32
    %while3A_621:2 = scf.while (%while3A_2473 = %broadcast_in_dim3A_613, %while3A_2474 = %gt3A_620) : (vector<1x128xf32>, i1) -> (vector<1x128xf32>, i1) {
      scf.condition(%while3A_2474) %while3A_2473, %while3A_2474 : vector<1x128xf32>, i1
    } do {
    ^bb0(%while3A_2473: vector<1x128xf32>, %while3A_2474: i1):
      %sub3A_2475 = arith.constant 1.000000e+00 : f32
      %sub3A_2476 = vector.broadcast %sub3A_2475 : f32 to vector<1x128xf32>
      %sub3A_2477 = arith.subf %sub3A_2476, %while3A_2473 : vector<1x128xf32>
      %dot_general3A_2478 = arith.constant dense<0.000000e+00> : vector<1x128xf32>
      %dot_general3A_2479 = tpu.matmul %sub3A_2477, %mul3A_611, %dot_general3A_2478 {dimension_numbers = #tpu.dot_dimension_numbers<[1], [0], [0], [1], [0, 0, 1, 1], [], []>, transpose_lhs_hint = false} : vector<1x128xf32>, vector<128x128xf32>, vector<1x128xf32> -> vector<1x128xf32>
      %eq3A_2480 = arith.constant 0.000000e+00 : f32
      %eq3A_2481 = vector.broadcast %eq3A_2480 : f32 to vector<1x128xf32>
      %eq3A_2482 = arith.cmpf oeq, %dot_general3A_2479, %eq3A_2481 : vector<1x128xf32>
      %convert_element_type3A_2483 = arith.extui %eq3A_2482 : vector<1x128xi1> to vector<1x128xi32>
      %convert_element_type3A_2484 = arith.sitofp %convert_element_type3A_2483 : vector<1x128xi32> to vector<1x128xf32>
      %dot_general3A_2485 = arith.constant dense<0.000000e+00> : vector<1x128xf32>
      %dot_general3A_2486 = tpu.matmul %convert_element_type3A_2484, %mul3A_611, %dot_general3A_2485 {dimension_numbers = #tpu.dot_dimension_numbers<[1], [0], [0], [1], [0, 0, 1, 1], [], []>, transpose_lhs_hint = false} : vector<1x128xf32>, vector<128x128xf32>, vector<1x128xf32> -> vector<1x128xf32>
      %gt3A_2487 = arith.constant 0.000000e+00 : f32
      %gt3A_2488 = vector.broadcast %gt3A_2487 : f32 to vector<1x128xf32>
      %gt3A_2489 = arith.cmpf ogt, %dot_general3A_2486, %gt3A_2488 : vector<1x128xf32>
      %convert_element_type3A_2490 = arith.extui %gt3A_2489 : vector<1x128xi1> to vector<1x128xi32>
      %convert_element_type3A_2491 = arith.sitofp %convert_element_type3A_2490 : vector<1x128xi32> to vector<1x128xf32>
      %max3A_2492 = arith.maximumf %while3A_2473, %convert_element_type3A_2491 : vector<1x128xf32>
      %reduce_sum3A_2493 = vector.shape_cast %max3A_2492 : vector<1x128xf32> to vector<1x1x128xf32>
      %reduce_sum3A_2494 = arith.constant dense<0.000000e+00> : vector<1xf32>
      %reduce_sum3A_2495 = vector.multi_reduction <add>, %reduce_sum3A_2493, %reduce_sum3A_2494 [1, 2] : vector<1x1x128xf32> to vector<1xf32>
      %reduce_sum3A_2496 = vector.shape_cast %reduce_sum3A_2495 : vector<1xf32> to vector<1x1x1xf32>
      %reduce_sum3A_2497 = vector.extract %reduce_sum3A_2496[0, 0, 0] : f32 from vector<1x1x1xf32>
      %reduce_sum3A_2498 = vector.shape_cast %while3A_2473 : vector<1x128xf32> to vector<1x1x128xf32>
      %reduce_sum3A_2499 = arith.constant dense<0.000000e+00> : vector<1xf32>
      %reduce_sum3A_2500 = vector.multi_reduction <add>, %reduce_sum3A_2498, %reduce_sum3A_2499 [1, 2] : vector<1x1x128xf32> to vector<1xf32>
      %reduce_sum3A_2501 = vector.shape_cast %reduce_sum3A_2500 : vector<1xf32> to vector<1x1x1xf32>
      %reduce_sum3A_2502 = vector.extract %reduce_sum3A_2501[0, 0, 0] : f32 from vector<1x1x1xf32>
      %gt3A_2503 = arith.cmpf ogt, %reduce_sum3A_2497, %reduce_sum3A_2502 : f32
      scf.yield %max3A_2492, %gt3A_2503 : vector<1x128xf32>, i1
    }
    %sub3A_622 = arith.constant 1.000000e+00 : f32
    %sub3A_623 = vector.broadcast %sub3A_622 : f32 to vector<1x128xf32>
    %sub3A_624 = arith.subf %sub3A_623, %while3A_621#0 : vector<1x128xf32>
    %dot_general3A_625 = arith.constant dense<0.000000e+00> : vector<1x128xf32>
    %dot_general3A_626 = tpu.matmul %sub3A_624, %mul3A_611, %dot_general3A_625 {dimension_numbers = #tpu.dot_dimension_numbers<[1], [0], [0], [1], [0, 0, 1, 1], [], []>, transpose_lhs_hint = false} : vector<1x128xf32>, vector<128x128xf32>, vector<1x128xf32> -> vector<1x128xf32>
    %gt3A_627 = arith.constant 0.000000e+00 : f32
    %gt3A_628 = vector.broadcast %gt3A_627 : f32 to vector<1x128xf32>
    %gt3A_629 = arith.cmpf ogt, %dot_general3A_626, %gt3A_628 : vector<1x128xf32>
    %convert_element_type3A_630 = arith.extui %gt3A_629 : vector<1x128xi1> to vector<1x128xi32>
    %convert_element_type3A_631 = arith.sitofp %convert_element_type3A_630 : vector<1x128xi32> to vector<1x128xf32>
    %sub3A_632 = arith.constant 1.000000e+00 : f32
    %sub3A_633 = vector.broadcast %sub3A_632 : f32 to vector<1x128xf32>
    %sub3A_634 = arith.subf %sub3A_633, %convert_element_type3A_631 : vector<1x128xf32>
    %mul3A_635 = arith.mulf %mul3A_566, %sub3A_634 : vector<1x128xf32>
    %slice3A_636 = vector.extract_strided_slice %squeeze3A {offsets = [5, 0], sizes = [1, 128], strides = [1, 1]} : vector<16x128xf32> to vector<1x128xf32>
    %slice3A_637 = vector.extract_strided_slice %squeeze3A_11 {offsets = [5, 0], sizes = [1, 128], strides = [1, 1]} : vector<16x128xf32> to vector<1x128xf32>
    %slice3A_638 = vector.extract_strided_slice %squeeze3A_13 {offsets = [5, 0], sizes = [1, 128], strides = [1, 1]} : vector<16x128xf32> to vector<1x128xf32>
    %slice3A_639 = vector.extract_strided_slice %squeeze3A_15 {offsets = [5, 0], sizes = [1, 128], strides = [1, 1]} : vector<16x128xf32> to vector<1x128xf32>
    %slice3A_640 = vector.extract_strided_slice %mul3A {offsets = [5, 0], sizes = [1, 128], strides = [1, 1]} : vector<16x128xf32> to vector<1x128xf32>
    %slice3A_641 = vector.extract_strided_slice %convert_element_type3A_19 {offsets = [5, 0], sizes = [1, 128], strides = [1, 1]} : vector<16x128xf32> to vector<1x128xf32>
    %slice3A_642 = vector.extract_strided_slice %squeeze3A {offsets = [0, 0], sizes = [5, 128], strides = [1, 1]} : vector<16x128xf32> to vector<5x128xf32>
    %broadcast_in_dim3A_643 = vector.shape_cast %slice3A_642 : vector<5x128xf32> to vector<5x128x1xf32>
    %slice3A_644 = vector.extract_strided_slice %squeeze3A_11 {offsets = [0, 0], sizes = [5, 128], strides = [1, 1]} : vector<16x128xf32> to vector<5x128xf32>
    %broadcast_in_dim3A_645 = vector.shape_cast %slice3A_644 : vector<5x128xf32> to vector<5x128x1xf32>
    %slice3A_646 = vector.extract_strided_slice %squeeze3A_13 {offsets = [0, 0], sizes = [5, 128], strides = [1, 1]} : vector<16x128xf32> to vector<5x128xf32>
    %broadcast_in_dim3A_647 = vector.shape_cast %slice3A_646 : vector<5x128xf32> to vector<5x128x1xf32>
    %slice3A_648 = vector.extract_strided_slice %squeeze3A_15 {offsets = [0, 0], sizes = [5, 128], strides = [1, 1]} : vector<16x128xf32> to vector<5x128xf32>
    %broadcast_in_dim3A_649 = vector.shape_cast %slice3A_648 : vector<5x128xf32> to vector<5x128x1xf32>
    %slice3A_650 = vector.extract_strided_slice %mul3A {offsets = [0, 0], sizes = [5, 128], strides = [1, 1]} : vector<16x128xf32> to vector<5x128xf32>
    %broadcast_in_dim3A_651 = vector.shape_cast %slice3A_650 : vector<5x128xf32> to vector<5x128x1xf32>
    %broadcast_in_dim3A_652 = vector.shape_cast %slice3A_636 : vector<1x128xf32> to vector<1x1x128xf32>
    %broadcast_in_dim3A_653 = vector.shape_cast %slice3A_637 : vector<1x128xf32> to vector<1x1x128xf32>
    %broadcast_in_dim3A_654 = vector.shape_cast %slice3A_638 : vector<1x128xf32> to vector<1x1x128xf32>
    %broadcast_in_dim3A_655 = vector.shape_cast %slice3A_639 : vector<1x128xf32> to vector<1x1x128xf32>
    %broadcast_in_dim3A_656 = vector.shape_cast %slice3A_640 : vector<1x128xf32> to vector<1x1x128xf32>
    %max3A_657 = vector.broadcast %broadcast_in_dim3A_643 : vector<5x128x1xf32> to vector<5x128x128xf32>
    %max3A_658 = vector.broadcast %broadcast_in_dim3A_652 : vector<1x1x128xf32> to vector<5x128x128xf32>
    %max3A_659 = arith.maximumf %max3A_657, %max3A_658 : vector<5x128x128xf32>
    %max3A_660 = vector.broadcast %broadcast_in_dim3A_645 : vector<5x128x1xf32> to vector<5x128x128xf32>
    %max3A_661 = vector.broadcast %broadcast_in_dim3A_653 : vector<1x1x128xf32> to vector<5x128x128xf32>
    %max3A_662 = arith.maximumf %max3A_660, %max3A_661 : vector<5x128x128xf32>
    %min3A_663 = vector.broadcast %broadcast_in_dim3A_647 : vector<5x128x1xf32> to vector<5x128x128xf32>
    %min3A_664 = vector.broadcast %broadcast_in_dim3A_654 : vector<1x1x128xf32> to vector<5x128x128xf32>
    %min3A_665 = arith.minimumf %min3A_663, %min3A_664 : vector<5x128x128xf32>
    %min3A_666 = vector.broadcast %broadcast_in_dim3A_649 : vector<5x128x1xf32> to vector<5x128x128xf32>
    %min3A_667 = vector.broadcast %broadcast_in_dim3A_655 : vector<1x1x128xf32> to vector<5x128x128xf32>
    %min3A_668 = arith.minimumf %min3A_666, %min3A_667 : vector<5x128x128xf32>
    %sub3A_669 = arith.subf %min3A_665, %max3A_659 : vector<5x128x128xf32>
    %max3A_670 = arith.constant 0.000000e+00 : f32
    %max3A_671 = vector.broadcast %max3A_670 : f32 to vector<5x128x128xf32>
    %max3A_672 = arith.maximumf %sub3A_669, %max3A_671 : vector<5x128x128xf32>
    %sub3A_673 = arith.subf %min3A_668, %max3A_662 : vector<5x128x128xf32>
    %max3A_674 = arith.constant 0.000000e+00 : f32
    %max3A_675 = vector.broadcast %max3A_674 : f32 to vector<5x128x128xf32>
    %max3A_676 = arith.maximumf %sub3A_673, %max3A_675 : vector<5x128x128xf32>
    %mul3A_677 = arith.mulf %max3A_672, %max3A_676 : vector<5x128x128xf32>
    %add3A_678 = vector.broadcast %broadcast_in_dim3A_651 : vector<5x128x1xf32> to vector<5x128x128xf32>
    %add3A_679 = vector.broadcast %broadcast_in_dim3A_656 : vector<1x1x128xf32> to vector<5x128x128xf32>
    %add3A_680 = arith.addf %add3A_678, %add3A_679 : vector<5x128x128xf32>
    %sub3A_681 = arith.subf %add3A_680, %mul3A_677 : vector<5x128x128xf32>
    %max3A_682 = arith.constant 9.99999993E-9 : f32
    %max3A_683 = vector.broadcast %max3A_682 : f32 to vector<5x128x128xf32>
    %max3A_684 = arith.maximumf %sub3A_681, %max3A_683 : vector<5x128x128xf32>
    %div3A_685 = arith.divf %mul3A_677, %max3A_684 : vector<5x128x128xf32>
    %gt3A_686 = arith.constant 0.699999988 : f32
    %gt3A_687 = vector.broadcast %gt3A_686 : f32 to vector<5x128x128xf32>
    %gt3A_688 = arith.cmpf ogt, %div3A_685, %gt3A_687 : vector<5x128x128xf32>
    %concatenate3A_689 = tpu.concatenate %mul3A_88, %mul3A_222, %mul3A_359, %mul3A_497, %mul3A_635 in 0 : vector<1x128xf32>, vector<1x128xf32>, vector<1x128xf32>, vector<1x128xf32>, vector<1x128xf32> -> vector<5x128xf32>
    %broadcast_in_dim3A_690 = vector.shape_cast %concatenate3A_689 : vector<5x128xf32> to vector<5x128x1xf32>
    %jit3A_691 = arith.constant 0.000000e+00 : f32
    %broadcast_in_dim3A_692 = vector.shape_cast %broadcast_in_dim3A_690 : vector<5x128x1xf32> to vector<5x128x1xf32>
    %broadcast_in_dim3A_693 = vector.broadcast %broadcast_in_dim3A_692 : vector<5x128x1xf32> to vector<5x128x128xf32>
    %broadcast_in_dim3A_694 = vector.broadcast %jit3A_691 : f32 to vector<5x128x128xf32>
    %select_n3A_695 = arith.select %gt3A_688, %broadcast_in_dim3A_693, %broadcast_in_dim3A_694 : vector<5x128x128xi1>, vector<5x128x128xf32>
    %reduce_max3A_696 = arith.constant dense<0xFF800000> : vector<128x128xf32>
    %reduce_max3A_697 = vector.multi_reduction <maximumf>, %select_n3A_695, %reduce_max3A_696 [0] : vector<5x128x128xf32> to vector<128x128xf32>
    %reduce_max3A_698 = arith.constant dense<0xFF800000> : vector<128xf32>
    %reduce_max3A_699 = vector.multi_reduction <maximumf>, %reduce_max3A_697, %reduce_max3A_698 [0] : vector<128x128xf32> to vector<128xf32>
    %broadcast_in_dim3A_700 = vector.shape_cast %reduce_max3A_699 : vector<128xf32> to vector<1x128xf32>
    %sub3A_701 = arith.constant 1.000000e+00 : f32
    %sub3A_702 = vector.broadcast %sub3A_701 : f32 to vector<1x128xf32>
    %sub3A_703 = arith.subf %sub3A_702, %broadcast_in_dim3A_700 : vector<1x128xf32>
    %mul3A_704 = arith.mulf %slice3A_641, %sub3A_703 : vector<1x128xf32>
    %transpose3A_705 = tpu.transpose %slice3A_636, [1, 0] : vector<1x128xf32> -> vector<128x1xf32>
    %transpose3A_706 = tpu.transpose %slice3A_637, [1, 0] : vector<1x128xf32> -> vector<128x1xf32>
    %transpose3A_707 = tpu.transpose %slice3A_638, [1, 0] : vector<1x128xf32> -> vector<128x1xf32>
    %transpose3A_708 = tpu.transpose %slice3A_639, [1, 0] : vector<1x128xf32> -> vector<128x1xf32>
    %transpose3A_709 = tpu.transpose %slice3A_640, [1, 0] : vector<1x128xf32> -> vector<128x1xf32>
    %max3A_710 = vector.broadcast %transpose3A_705 : vector<128x1xf32> to vector<128x128xf32>
    %max3A_711 = vector.broadcast %slice3A_636 : vector<1x128xf32> to vector<128x128xf32>
    %max3A_712 = arith.maximumf %max3A_710, %max3A_711 : vector<128x128xf32>
    %max3A_713 = vector.broadcast %transpose3A_706 : vector<128x1xf32> to vector<128x128xf32>
    %max3A_714 = vector.broadcast %slice3A_637 : vector<1x128xf32> to vector<128x128xf32>
    %max3A_715 = arith.maximumf %max3A_713, %max3A_714 : vector<128x128xf32>
    %min3A_716 = vector.broadcast %transpose3A_707 : vector<128x1xf32> to vector<128x128xf32>
    %min3A_717 = vector.broadcast %slice3A_638 : vector<1x128xf32> to vector<128x128xf32>
    %min3A_718 = arith.minimumf %min3A_716, %min3A_717 : vector<128x128xf32>
    %min3A_719 = vector.broadcast %transpose3A_708 : vector<128x1xf32> to vector<128x128xf32>
    %min3A_720 = vector.broadcast %slice3A_639 : vector<1x128xf32> to vector<128x128xf32>
    %min3A_721 = arith.minimumf %min3A_719, %min3A_720 : vector<128x128xf32>
    %sub3A_722 = arith.subf %min3A_718, %max3A_712 : vector<128x128xf32>
    %max3A_723 = arith.constant 0.000000e+00 : f32
    %max3A_724 = vector.broadcast %max3A_723 : f32 to vector<128x128xf32>
    %max3A_725 = arith.maximumf %sub3A_722, %max3A_724 : vector<128x128xf32>
    %sub3A_726 = arith.subf %min3A_721, %max3A_715 : vector<128x128xf32>
    %max3A_727 = arith.constant 0.000000e+00 : f32
    %max3A_728 = vector.broadcast %max3A_727 : f32 to vector<128x128xf32>
    %max3A_729 = arith.maximumf %sub3A_726, %max3A_728 : vector<128x128xf32>
    %mul3A_730 = arith.mulf %max3A_725, %max3A_729 : vector<128x128xf32>
    %add3A_731 = vector.broadcast %transpose3A_709 : vector<128x1xf32> to vector<128x128xf32>
    %add3A_732 = vector.broadcast %slice3A_640 : vector<1x128xf32> to vector<128x128xf32>
    %add3A_733 = arith.addf %add3A_731, %add3A_732 : vector<128x128xf32>
    %sub3A_734 = arith.subf %add3A_733, %mul3A_730 : vector<128x128xf32>
    %max3A_735 = arith.constant 9.99999993E-9 : f32
    %max3A_736 = vector.broadcast %max3A_735 : f32 to vector<128x128xf32>
    %max3A_737 = arith.maximumf %sub3A_734, %max3A_736 : vector<128x128xf32>
    %div3A_738 = arith.divf %mul3A_730, %max3A_737 : vector<128x128xf32>
    %gt3A_739 = arith.constant 0.699999988 : f32
    %gt3A_740 = vector.broadcast %gt3A_739 : f32 to vector<128x128xf32>
    %gt3A_741 = arith.cmpf ogt, %div3A_738, %gt3A_740 : vector<128x128xf32>
    %convert_element_type3A_742 = arith.extui %gt3A_741 : vector<128x128xi1> to vector<128x128xi32>
    %convert_element_type3A_743 = arith.sitofp %convert_element_type3A_742 : vector<128x128xi32> to vector<128x128xf32>
    %mul3A_744 = arith.mulf %convert_element_type3A_743, %convert_element_type3A_22 : vector<128x128xf32>
    %mul3A_745 = vector.broadcast %mul3A_704 : vector<1x128xf32> to vector<128x128xf32>
    %mul3A_746 = arith.mulf %mul3A_744, %mul3A_745 : vector<128x128xf32>
    %transpose3A_747 = tpu.transpose %mul3A_704, [1, 0] : vector<1x128xf32> -> vector<128x1xf32>
    %mul3A_748 = vector.broadcast %transpose3A_747 : vector<128x1xf32> to vector<128x128xf32>
    %mul3A_749 = arith.mulf %mul3A_746, %mul3A_748 : vector<128x128xf32>
    %broadcast_in_dim3A_750 = arith.constant 0.000000e+00 : f32
    %broadcast_in_dim3A_751 = vector.broadcast %broadcast_in_dim3A_750 : f32 to vector<1x128xf32>
    %reduce_sum3A_752 = vector.shape_cast %mul3A_749 : vector<128x128xf32> to vector<1x128x128xf32>
    %reduce_sum3A_753 = arith.constant dense<0.000000e+00> : vector<1xf32>
    %reduce_sum3A_754 = vector.multi_reduction <add>, %reduce_sum3A_752, %reduce_sum3A_753 [1, 2] : vector<1x128x128xf32> to vector<1xf32>
    %reduce_sum3A_755 = vector.shape_cast %reduce_sum3A_754 : vector<1xf32> to vector<1x1x1xf32>
    %reduce_sum3A_756 = vector.extract %reduce_sum3A_755[0, 0, 0] : f32 from vector<1x1x1xf32>
    %gt3A_757 = arith.constant 0.000000e+00 : f32
    %gt3A_758 = arith.cmpf ogt, %reduce_sum3A_756, %gt3A_757 : f32
    %while3A_759:2 = scf.while (%while3A_2473 = %broadcast_in_dim3A_751, %while3A_2474 = %gt3A_758) : (vector<1x128xf32>, i1) -> (vector<1x128xf32>, i1) {
      scf.condition(%while3A_2474) %while3A_2473, %while3A_2474 : vector<1x128xf32>, i1
    } do {
    ^bb0(%while3A_2473: vector<1x128xf32>, %while3A_2474: i1):
      %sub3A_2475 = arith.constant 1.000000e+00 : f32
      %sub3A_2476 = vector.broadcast %sub3A_2475 : f32 to vector<1x128xf32>
      %sub3A_2477 = arith.subf %sub3A_2476, %while3A_2473 : vector<1x128xf32>
      %dot_general3A_2478 = arith.constant dense<0.000000e+00> : vector<1x128xf32>
      %dot_general3A_2479 = tpu.matmul %sub3A_2477, %mul3A_749, %dot_general3A_2478 {dimension_numbers = #tpu.dot_dimension_numbers<[1], [0], [0], [1], [0, 0, 1, 1], [], []>, transpose_lhs_hint = false} : vector<1x128xf32>, vector<128x128xf32>, vector<1x128xf32> -> vector<1x128xf32>
      %eq3A_2480 = arith.constant 0.000000e+00 : f32
      %eq3A_2481 = vector.broadcast %eq3A_2480 : f32 to vector<1x128xf32>
      %eq3A_2482 = arith.cmpf oeq, %dot_general3A_2479, %eq3A_2481 : vector<1x128xf32>
      %convert_element_type3A_2483 = arith.extui %eq3A_2482 : vector<1x128xi1> to vector<1x128xi32>
      %convert_element_type3A_2484 = arith.sitofp %convert_element_type3A_2483 : vector<1x128xi32> to vector<1x128xf32>
      %dot_general3A_2485 = arith.constant dense<0.000000e+00> : vector<1x128xf32>
      %dot_general3A_2486 = tpu.matmul %convert_element_type3A_2484, %mul3A_749, %dot_general3A_2485 {dimension_numbers = #tpu.dot_dimension_numbers<[1], [0], [0], [1], [0, 0, 1, 1], [], []>, transpose_lhs_hint = false} : vector<1x128xf32>, vector<128x128xf32>, vector<1x128xf32> -> vector<1x128xf32>
      %gt3A_2487 = arith.constant 0.000000e+00 : f32
      %gt3A_2488 = vector.broadcast %gt3A_2487 : f32 to vector<1x128xf32>
      %gt3A_2489 = arith.cmpf ogt, %dot_general3A_2486, %gt3A_2488 : vector<1x128xf32>
      %convert_element_type3A_2490 = arith.extui %gt3A_2489 : vector<1x128xi1> to vector<1x128xi32>
      %convert_element_type3A_2491 = arith.sitofp %convert_element_type3A_2490 : vector<1x128xi32> to vector<1x128xf32>
      %max3A_2492 = arith.maximumf %while3A_2473, %convert_element_type3A_2491 : vector<1x128xf32>
      %reduce_sum3A_2493 = vector.shape_cast %max3A_2492 : vector<1x128xf32> to vector<1x1x128xf32>
      %reduce_sum3A_2494 = arith.constant dense<0.000000e+00> : vector<1xf32>
      %reduce_sum3A_2495 = vector.multi_reduction <add>, %reduce_sum3A_2493, %reduce_sum3A_2494 [1, 2] : vector<1x1x128xf32> to vector<1xf32>
      %reduce_sum3A_2496 = vector.shape_cast %reduce_sum3A_2495 : vector<1xf32> to vector<1x1x1xf32>
      %reduce_sum3A_2497 = vector.extract %reduce_sum3A_2496[0, 0, 0] : f32 from vector<1x1x1xf32>
      %reduce_sum3A_2498 = vector.shape_cast %while3A_2473 : vector<1x128xf32> to vector<1x1x128xf32>
      %reduce_sum3A_2499 = arith.constant dense<0.000000e+00> : vector<1xf32>
      %reduce_sum3A_2500 = vector.multi_reduction <add>, %reduce_sum3A_2498, %reduce_sum3A_2499 [1, 2] : vector<1x1x128xf32> to vector<1xf32>
      %reduce_sum3A_2501 = vector.shape_cast %reduce_sum3A_2500 : vector<1xf32> to vector<1x1x1xf32>
      %reduce_sum3A_2502 = vector.extract %reduce_sum3A_2501[0, 0, 0] : f32 from vector<1x1x1xf32>
      %gt3A_2503 = arith.cmpf ogt, %reduce_sum3A_2497, %reduce_sum3A_2502 : f32
      scf.yield %max3A_2492, %gt3A_2503 : vector<1x128xf32>, i1
    }
    %sub3A_760 = arith.constant 1.000000e+00 : f32
    %sub3A_761 = vector.broadcast %sub3A_760 : f32 to vector<1x128xf32>
    %sub3A_762 = arith.subf %sub3A_761, %while3A_759#0 : vector<1x128xf32>
    %dot_general3A_763 = arith.constant dense<0.000000e+00> : vector<1x128xf32>
    %dot_general3A_764 = tpu.matmul %sub3A_762, %mul3A_749, %dot_general3A_763 {dimension_numbers = #tpu.dot_dimension_numbers<[1], [0], [0], [1], [0, 0, 1, 1], [], []>, transpose_lhs_hint = false} : vector<1x128xf32>, vector<128x128xf32>, vector<1x128xf32> -> vector<1x128xf32>
    %gt3A_765 = arith.constant 0.000000e+00 : f32
    %gt3A_766 = vector.broadcast %gt3A_765 : f32 to vector<1x128xf32>
    %gt3A_767 = arith.cmpf ogt, %dot_general3A_764, %gt3A_766 : vector<1x128xf32>
    %convert_element_type3A_768 = arith.extui %gt3A_767 : vector<1x128xi1> to vector<1x128xi32>
    %convert_element_type3A_769 = arith.sitofp %convert_element_type3A_768 : vector<1x128xi32> to vector<1x128xf32>
    %sub3A_770 = arith.constant 1.000000e+00 : f32
    %sub3A_771 = vector.broadcast %sub3A_770 : f32 to vector<1x128xf32>
    %sub3A_772 = arith.subf %sub3A_771, %convert_element_type3A_769 : vector<1x128xf32>
    %mul3A_773 = arith.mulf %mul3A_704, %sub3A_772 : vector<1x128xf32>
    %slice3A_774 = vector.extract_strided_slice %squeeze3A {offsets = [6, 0], sizes = [1, 128], strides = [1, 1]} : vector<16x128xf32> to vector<1x128xf32>
    %slice3A_775 = vector.extract_strided_slice %squeeze3A_11 {offsets = [6, 0], sizes = [1, 128], strides = [1, 1]} : vector<16x128xf32> to vector<1x128xf32>
    %slice3A_776 = vector.extract_strided_slice %squeeze3A_13 {offsets = [6, 0], sizes = [1, 128], strides = [1, 1]} : vector<16x128xf32> to vector<1x128xf32>
    %slice3A_777 = vector.extract_strided_slice %squeeze3A_15 {offsets = [6, 0], sizes = [1, 128], strides = [1, 1]} : vector<16x128xf32> to vector<1x128xf32>
    %slice3A_778 = vector.extract_strided_slice %mul3A {offsets = [6, 0], sizes = [1, 128], strides = [1, 1]} : vector<16x128xf32> to vector<1x128xf32>
    %slice3A_779 = vector.extract_strided_slice %convert_element_type3A_19 {offsets = [6, 0], sizes = [1, 128], strides = [1, 1]} : vector<16x128xf32> to vector<1x128xf32>
    %slice3A_780 = vector.extract_strided_slice %squeeze3A {offsets = [0, 0], sizes = [6, 128], strides = [1, 1]} : vector<16x128xf32> to vector<6x128xf32>
    %broadcast_in_dim3A_781 = vector.shape_cast %slice3A_780 : vector<6x128xf32> to vector<6x128x1xf32>
    %slice3A_782 = vector.extract_strided_slice %squeeze3A_11 {offsets = [0, 0], sizes = [6, 128], strides = [1, 1]} : vector<16x128xf32> to vector<6x128xf32>
    %broadcast_in_dim3A_783 = vector.shape_cast %slice3A_782 : vector<6x128xf32> to vector<6x128x1xf32>
    %slice3A_784 = vector.extract_strided_slice %squeeze3A_13 {offsets = [0, 0], sizes = [6, 128], strides = [1, 1]} : vector<16x128xf32> to vector<6x128xf32>
    %broadcast_in_dim3A_785 = vector.shape_cast %slice3A_784 : vector<6x128xf32> to vector<6x128x1xf32>
    %slice3A_786 = vector.extract_strided_slice %squeeze3A_15 {offsets = [0, 0], sizes = [6, 128], strides = [1, 1]} : vector<16x128xf32> to vector<6x128xf32>
    %broadcast_in_dim3A_787 = vector.shape_cast %slice3A_786 : vector<6x128xf32> to vector<6x128x1xf32>
    %slice3A_788 = vector.extract_strided_slice %mul3A {offsets = [0, 0], sizes = [6, 128], strides = [1, 1]} : vector<16x128xf32> to vector<6x128xf32>
    %broadcast_in_dim3A_789 = vector.shape_cast %slice3A_788 : vector<6x128xf32> to vector<6x128x1xf32>
    %broadcast_in_dim3A_790 = vector.shape_cast %slice3A_774 : vector<1x128xf32> to vector<1x1x128xf32>
    %broadcast_in_dim3A_791 = vector.shape_cast %slice3A_775 : vector<1x128xf32> to vector<1x1x128xf32>
    %broadcast_in_dim3A_792 = vector.shape_cast %slice3A_776 : vector<1x128xf32> to vector<1x1x128xf32>
    %broadcast_in_dim3A_793 = vector.shape_cast %slice3A_777 : vector<1x128xf32> to vector<1x1x128xf32>
    %broadcast_in_dim3A_794 = vector.shape_cast %slice3A_778 : vector<1x128xf32> to vector<1x1x128xf32>
    %max3A_795 = vector.broadcast %broadcast_in_dim3A_781 : vector<6x128x1xf32> to vector<6x128x128xf32>
    %max3A_796 = vector.broadcast %broadcast_in_dim3A_790 : vector<1x1x128xf32> to vector<6x128x128xf32>
    %max3A_797 = arith.maximumf %max3A_795, %max3A_796 : vector<6x128x128xf32>
    %max3A_798 = vector.broadcast %broadcast_in_dim3A_783 : vector<6x128x1xf32> to vector<6x128x128xf32>
    %max3A_799 = vector.broadcast %broadcast_in_dim3A_791 : vector<1x1x128xf32> to vector<6x128x128xf32>
    %max3A_800 = arith.maximumf %max3A_798, %max3A_799 : vector<6x128x128xf32>
    %min3A_801 = vector.broadcast %broadcast_in_dim3A_785 : vector<6x128x1xf32> to vector<6x128x128xf32>
    %min3A_802 = vector.broadcast %broadcast_in_dim3A_792 : vector<1x1x128xf32> to vector<6x128x128xf32>
    %min3A_803 = arith.minimumf %min3A_801, %min3A_802 : vector<6x128x128xf32>
    %min3A_804 = vector.broadcast %broadcast_in_dim3A_787 : vector<6x128x1xf32> to vector<6x128x128xf32>
    %min3A_805 = vector.broadcast %broadcast_in_dim3A_793 : vector<1x1x128xf32> to vector<6x128x128xf32>
    %min3A_806 = arith.minimumf %min3A_804, %min3A_805 : vector<6x128x128xf32>
    %sub3A_807 = arith.subf %min3A_803, %max3A_797 : vector<6x128x128xf32>
    %max3A_808 = arith.constant 0.000000e+00 : f32
    %max3A_809 = vector.broadcast %max3A_808 : f32 to vector<6x128x128xf32>
    %max3A_810 = arith.maximumf %sub3A_807, %max3A_809 : vector<6x128x128xf32>
    %sub3A_811 = arith.subf %min3A_806, %max3A_800 : vector<6x128x128xf32>
    %max3A_812 = arith.constant 0.000000e+00 : f32
    %max3A_813 = vector.broadcast %max3A_812 : f32 to vector<6x128x128xf32>
    %max3A_814 = arith.maximumf %sub3A_811, %max3A_813 : vector<6x128x128xf32>
    %mul3A_815 = arith.mulf %max3A_810, %max3A_814 : vector<6x128x128xf32>
    %add3A_816 = vector.broadcast %broadcast_in_dim3A_789 : vector<6x128x1xf32> to vector<6x128x128xf32>
    %add3A_817 = vector.broadcast %broadcast_in_dim3A_794 : vector<1x1x128xf32> to vector<6x128x128xf32>
    %add3A_818 = arith.addf %add3A_816, %add3A_817 : vector<6x128x128xf32>
    %sub3A_819 = arith.subf %add3A_818, %mul3A_815 : vector<6x128x128xf32>
    %max3A_820 = arith.constant 9.99999993E-9 : f32
    %max3A_821 = vector.broadcast %max3A_820 : f32 to vector<6x128x128xf32>
    %max3A_822 = arith.maximumf %sub3A_819, %max3A_821 : vector<6x128x128xf32>
    %div3A_823 = arith.divf %mul3A_815, %max3A_822 : vector<6x128x128xf32>
    %gt3A_824 = arith.constant 0.699999988 : f32
    %gt3A_825 = vector.broadcast %gt3A_824 : f32 to vector<6x128x128xf32>
    %gt3A_826 = arith.cmpf ogt, %div3A_823, %gt3A_825 : vector<6x128x128xf32>
    %concatenate3A_827 = tpu.concatenate %mul3A_88, %mul3A_222, %mul3A_359, %mul3A_497, %mul3A_635, %mul3A_773 in 0 : vector<1x128xf32>, vector<1x128xf32>, vector<1x128xf32>, vector<1x128xf32>, vector<1x128xf32>, vector<1x128xf32> -> vector<6x128xf32>
    %broadcast_in_dim3A_828 = vector.shape_cast %concatenate3A_827 : vector<6x128xf32> to vector<6x128x1xf32>
    %jit3A_829 = arith.constant 0.000000e+00 : f32
    %broadcast_in_dim3A_830 = vector.shape_cast %broadcast_in_dim3A_828 : vector<6x128x1xf32> to vector<6x128x1xf32>
    %broadcast_in_dim3A_831 = vector.broadcast %broadcast_in_dim3A_830 : vector<6x128x1xf32> to vector<6x128x128xf32>
    %broadcast_in_dim3A_832 = vector.broadcast %jit3A_829 : f32 to vector<6x128x128xf32>
    %select_n3A_833 = arith.select %gt3A_826, %broadcast_in_dim3A_831, %broadcast_in_dim3A_832 : vector<6x128x128xi1>, vector<6x128x128xf32>
    %reduce_max3A_834 = arith.constant dense<0xFF800000> : vector<128x128xf32>
    %reduce_max3A_835 = vector.multi_reduction <maximumf>, %select_n3A_833, %reduce_max3A_834 [0] : vector<6x128x128xf32> to vector<128x128xf32>
    %reduce_max3A_836 = arith.constant dense<0xFF800000> : vector<128xf32>
    %reduce_max3A_837 = vector.multi_reduction <maximumf>, %reduce_max3A_835, %reduce_max3A_836 [0] : vector<128x128xf32> to vector<128xf32>
    %broadcast_in_dim3A_838 = vector.shape_cast %reduce_max3A_837 : vector<128xf32> to vector<1x128xf32>
    %sub3A_839 = arith.constant 1.000000e+00 : f32
    %sub3A_840 = vector.broadcast %sub3A_839 : f32 to vector<1x128xf32>
    %sub3A_841 = arith.subf %sub3A_840, %broadcast_in_dim3A_838 : vector<1x128xf32>
    %mul3A_842 = arith.mulf %slice3A_779, %sub3A_841 : vector<1x128xf32>
    %transpose3A_843 = tpu.transpose %slice3A_774, [1, 0] : vector<1x128xf32> -> vector<128x1xf32>
    %transpose3A_844 = tpu.transpose %slice3A_775, [1, 0] : vector<1x128xf32> -> vector<128x1xf32>
    %transpose3A_845 = tpu.transpose %slice3A_776, [1, 0] : vector<1x128xf32> -> vector<128x1xf32>
    %transpose3A_846 = tpu.transpose %slice3A_777, [1, 0] : vector<1x128xf32> -> vector<128x1xf32>
    %transpose3A_847 = tpu.transpose %slice3A_778, [1, 0] : vector<1x128xf32> -> vector<128x1xf32>
    %max3A_848 = vector.broadcast %transpose3A_843 : vector<128x1xf32> to vector<128x128xf32>
    %max3A_849 = vector.broadcast %slice3A_774 : vector<1x128xf32> to vector<128x128xf32>
    %max3A_850 = arith.maximumf %max3A_848, %max3A_849 : vector<128x128xf32>
    %max3A_851 = vector.broadcast %transpose3A_844 : vector<128x1xf32> to vector<128x128xf32>
    %max3A_852 = vector.broadcast %slice3A_775 : vector<1x128xf32> to vector<128x128xf32>
    %max3A_853 = arith.maximumf %max3A_851, %max3A_852 : vector<128x128xf32>
    %min3A_854 = vector.broadcast %transpose3A_845 : vector<128x1xf32> to vector<128x128xf32>
    %min3A_855 = vector.broadcast %slice3A_776 : vector<1x128xf32> to vector<128x128xf32>
    %min3A_856 = arith.minimumf %min3A_854, %min3A_855 : vector<128x128xf32>
    %min3A_857 = vector.broadcast %transpose3A_846 : vector<128x1xf32> to vector<128x128xf32>
    %min3A_858 = vector.broadcast %slice3A_777 : vector<1x128xf32> to vector<128x128xf32>
    %min3A_859 = arith.minimumf %min3A_857, %min3A_858 : vector<128x128xf32>
    %sub3A_860 = arith.subf %min3A_856, %max3A_850 : vector<128x128xf32>
    %max3A_861 = arith.constant 0.000000e+00 : f32
    %max3A_862 = vector.broadcast %max3A_861 : f32 to vector<128x128xf32>
    %max3A_863 = arith.maximumf %sub3A_860, %max3A_862 : vector<128x128xf32>
    %sub3A_864 = arith.subf %min3A_859, %max3A_853 : vector<128x128xf32>
    %max3A_865 = arith.constant 0.000000e+00 : f32
    %max3A_866 = vector.broadcast %max3A_865 : f32 to vector<128x128xf32>
    %max3A_867 = arith.maximumf %sub3A_864, %max3A_866 : vector<128x128xf32>
    %mul3A_868 = arith.mulf %max3A_863, %max3A_867 : vector<128x128xf32>
    %add3A_869 = vector.broadcast %transpose3A_847 : vector<128x1xf32> to vector<128x128xf32>
    %add3A_870 = vector.broadcast %slice3A_778 : vector<1x128xf32> to vector<128x128xf32>
    %add3A_871 = arith.addf %add3A_869, %add3A_870 : vector<128x128xf32>
    %sub3A_872 = arith.subf %add3A_871, %mul3A_868 : vector<128x128xf32>
    %max3A_873 = arith.constant 9.99999993E-9 : f32
    %max3A_874 = vector.broadcast %max3A_873 : f32 to vector<128x128xf32>
    %max3A_875 = arith.maximumf %sub3A_872, %max3A_874 : vector<128x128xf32>
    %div3A_876 = arith.divf %mul3A_868, %max3A_875 : vector<128x128xf32>
    %gt3A_877 = arith.constant 0.699999988 : f32
    %gt3A_878 = vector.broadcast %gt3A_877 : f32 to vector<128x128xf32>
    %gt3A_879 = arith.cmpf ogt, %div3A_876, %gt3A_878 : vector<128x128xf32>
    %convert_element_type3A_880 = arith.extui %gt3A_879 : vector<128x128xi1> to vector<128x128xi32>
    %convert_element_type3A_881 = arith.sitofp %convert_element_type3A_880 : vector<128x128xi32> to vector<128x128xf32>
    %mul3A_882 = arith.mulf %convert_element_type3A_881, %convert_element_type3A_22 : vector<128x128xf32>
    %mul3A_883 = vector.broadcast %mul3A_842 : vector<1x128xf32> to vector<128x128xf32>
    %mul3A_884 = arith.mulf %mul3A_882, %mul3A_883 : vector<128x128xf32>
    %transpose3A_885 = tpu.transpose %mul3A_842, [1, 0] : vector<1x128xf32> -> vector<128x1xf32>
    %mul3A_886 = vector.broadcast %transpose3A_885 : vector<128x1xf32> to vector<128x128xf32>
    %mul3A_887 = arith.mulf %mul3A_884, %mul3A_886 : vector<128x128xf32>
    %broadcast_in_dim3A_888 = arith.constant 0.000000e+00 : f32
    %broadcast_in_dim3A_889 = vector.broadcast %broadcast_in_dim3A_888 : f32 to vector<1x128xf32>
    %reduce_sum3A_890 = vector.shape_cast %mul3A_887 : vector<128x128xf32> to vector<1x128x128xf32>
    %reduce_sum3A_891 = arith.constant dense<0.000000e+00> : vector<1xf32>
    %reduce_sum3A_892 = vector.multi_reduction <add>, %reduce_sum3A_890, %reduce_sum3A_891 [1, 2] : vector<1x128x128xf32> to vector<1xf32>
    %reduce_sum3A_893 = vector.shape_cast %reduce_sum3A_892 : vector<1xf32> to vector<1x1x1xf32>
    %reduce_sum3A_894 = vector.extract %reduce_sum3A_893[0, 0, 0] : f32 from vector<1x1x1xf32>
    %gt3A_895 = arith.constant 0.000000e+00 : f32
    %gt3A_896 = arith.cmpf ogt, %reduce_sum3A_894, %gt3A_895 : f32
    %while3A_897:2 = scf.while (%while3A_2473 = %broadcast_in_dim3A_889, %while3A_2474 = %gt3A_896) : (vector<1x128xf32>, i1) -> (vector<1x128xf32>, i1) {
      scf.condition(%while3A_2474) %while3A_2473, %while3A_2474 : vector<1x128xf32>, i1
    } do {
    ^bb0(%while3A_2473: vector<1x128xf32>, %while3A_2474: i1):
      %sub3A_2475 = arith.constant 1.000000e+00 : f32
      %sub3A_2476 = vector.broadcast %sub3A_2475 : f32 to vector<1x128xf32>
      %sub3A_2477 = arith.subf %sub3A_2476, %while3A_2473 : vector<1x128xf32>
      %dot_general3A_2478 = arith.constant dense<0.000000e+00> : vector<1x128xf32>
      %dot_general3A_2479 = tpu.matmul %sub3A_2477, %mul3A_887, %dot_general3A_2478 {dimension_numbers = #tpu.dot_dimension_numbers<[1], [0], [0], [1], [0, 0, 1, 1], [], []>, transpose_lhs_hint = false} : vector<1x128xf32>, vector<128x128xf32>, vector<1x128xf32> -> vector<1x128xf32>
      %eq3A_2480 = arith.constant 0.000000e+00 : f32
      %eq3A_2481 = vector.broadcast %eq3A_2480 : f32 to vector<1x128xf32>
      %eq3A_2482 = arith.cmpf oeq, %dot_general3A_2479, %eq3A_2481 : vector<1x128xf32>
      %convert_element_type3A_2483 = arith.extui %eq3A_2482 : vector<1x128xi1> to vector<1x128xi32>
      %convert_element_type3A_2484 = arith.sitofp %convert_element_type3A_2483 : vector<1x128xi32> to vector<1x128xf32>
      %dot_general3A_2485 = arith.constant dense<0.000000e+00> : vector<1x128xf32>
      %dot_general3A_2486 = tpu.matmul %convert_element_type3A_2484, %mul3A_887, %dot_general3A_2485 {dimension_numbers = #tpu.dot_dimension_numbers<[1], [0], [0], [1], [0, 0, 1, 1], [], []>, transpose_lhs_hint = false} : vector<1x128xf32>, vector<128x128xf32>, vector<1x128xf32> -> vector<1x128xf32>
      %gt3A_2487 = arith.constant 0.000000e+00 : f32
      %gt3A_2488 = vector.broadcast %gt3A_2487 : f32 to vector<1x128xf32>
      %gt3A_2489 = arith.cmpf ogt, %dot_general3A_2486, %gt3A_2488 : vector<1x128xf32>
      %convert_element_type3A_2490 = arith.extui %gt3A_2489 : vector<1x128xi1> to vector<1x128xi32>
      %convert_element_type3A_2491 = arith.sitofp %convert_element_type3A_2490 : vector<1x128xi32> to vector<1x128xf32>
      %max3A_2492 = arith.maximumf %while3A_2473, %convert_element_type3A_2491 : vector<1x128xf32>
      %reduce_sum3A_2493 = vector.shape_cast %max3A_2492 : vector<1x128xf32> to vector<1x1x128xf32>
      %reduce_sum3A_2494 = arith.constant dense<0.000000e+00> : vector<1xf32>
      %reduce_sum3A_2495 = vector.multi_reduction <add>, %reduce_sum3A_2493, %reduce_sum3A_2494 [1, 2] : vector<1x1x128xf32> to vector<1xf32>
      %reduce_sum3A_2496 = vector.shape_cast %reduce_sum3A_2495 : vector<1xf32> to vector<1x1x1xf32>
      %reduce_sum3A_2497 = vector.extract %reduce_sum3A_2496[0, 0, 0] : f32 from vector<1x1x1xf32>
      %reduce_sum3A_2498 = vector.shape_cast %while3A_2473 : vector<1x128xf32> to vector<1x1x128xf32>
      %reduce_sum3A_2499 = arith.constant dense<0.000000e+00> : vector<1xf32>
      %reduce_sum3A_2500 = vector.multi_reduction <add>, %reduce_sum3A_2498, %reduce_sum3A_2499 [1, 2] : vector<1x1x128xf32> to vector<1xf32>
      %reduce_sum3A_2501 = vector.shape_cast %reduce_sum3A_2500 : vector<1xf32> to vector<1x1x1xf32>
      %reduce_sum3A_2502 = vector.extract %reduce_sum3A_2501[0, 0, 0] : f32 from vector<1x1x1xf32>
      %gt3A_2503 = arith.cmpf ogt, %reduce_sum3A_2497, %reduce_sum3A_2502 : f32
      scf.yield %max3A_2492, %gt3A_2503 : vector<1x128xf32>, i1
    }
    %sub3A_898 = arith.constant 1.000000e+00 : f32
    %sub3A_899 = vector.broadcast %sub3A_898 : f32 to vector<1x128xf32>
    %sub3A_900 = arith.subf %sub3A_899, %while3A_897#0 : vector<1x128xf32>
    %dot_general3A_901 = arith.constant dense<0.000000e+00> : vector<1x128xf32>
    %dot_general3A_902 = tpu.matmul %sub3A_900, %mul3A_887, %dot_general3A_901 {dimension_numbers = #tpu.dot_dimension_numbers<[1], [0], [0], [1], [0, 0, 1, 1], [], []>, transpose_lhs_hint = false} : vector<1x128xf32>, vector<128x128xf32>, vector<1x128xf32> -> vector<1x128xf32>
    %gt3A_903 = arith.constant 0.000000e+00 : f32
    %gt3A_904 = vector.broadcast %gt3A_903 : f32 to vector<1x128xf32>
    %gt3A_905 = arith.cmpf ogt, %dot_general3A_902, %gt3A_904 : vector<1x128xf32>
    %convert_element_type3A_906 = arith.extui %gt3A_905 : vector<1x128xi1> to vector<1x128xi32>
    %convert_element_type3A_907 = arith.sitofp %convert_element_type3A_906 : vector<1x128xi32> to vector<1x128xf32>
    %sub3A_908 = arith.constant 1.000000e+00 : f32
    %sub3A_909 = vector.broadcast %sub3A_908 : f32 to vector<1x128xf32>
    %sub3A_910 = arith.subf %sub3A_909, %convert_element_type3A_907 : vector<1x128xf32>
    %mul3A_911 = arith.mulf %mul3A_842, %sub3A_910 : vector<1x128xf32>
    %slice3A_912 = vector.extract_strided_slice %squeeze3A {offsets = [7, 0], sizes = [1, 128], strides = [1, 1]} : vector<16x128xf32> to vector<1x128xf32>
    %slice3A_913 = vector.extract_strided_slice %squeeze3A_11 {offsets = [7, 0], sizes = [1, 128], strides = [1, 1]} : vector<16x128xf32> to vector<1x128xf32>
    %slice3A_914 = vector.extract_strided_slice %squeeze3A_13 {offsets = [7, 0], sizes = [1, 128], strides = [1, 1]} : vector<16x128xf32> to vector<1x128xf32>
    %slice3A_915 = vector.extract_strided_slice %squeeze3A_15 {offsets = [7, 0], sizes = [1, 128], strides = [1, 1]} : vector<16x128xf32> to vector<1x128xf32>
    %slice3A_916 = vector.extract_strided_slice %mul3A {offsets = [7, 0], sizes = [1, 128], strides = [1, 1]} : vector<16x128xf32> to vector<1x128xf32>
    %slice3A_917 = vector.extract_strided_slice %convert_element_type3A_19 {offsets = [7, 0], sizes = [1, 128], strides = [1, 1]} : vector<16x128xf32> to vector<1x128xf32>
    %slice3A_918 = vector.extract_strided_slice %squeeze3A {offsets = [0, 0], sizes = [7, 128], strides = [1, 1]} : vector<16x128xf32> to vector<7x128xf32>
    %broadcast_in_dim3A_919 = vector.shape_cast %slice3A_918 : vector<7x128xf32> to vector<7x128x1xf32>
    %slice3A_920 = vector.extract_strided_slice %squeeze3A_11 {offsets = [0, 0], sizes = [7, 128], strides = [1, 1]} : vector<16x128xf32> to vector<7x128xf32>
    %broadcast_in_dim3A_921 = vector.shape_cast %slice3A_920 : vector<7x128xf32> to vector<7x128x1xf32>
    %slice3A_922 = vector.extract_strided_slice %squeeze3A_13 {offsets = [0, 0], sizes = [7, 128], strides = [1, 1]} : vector<16x128xf32> to vector<7x128xf32>
    %broadcast_in_dim3A_923 = vector.shape_cast %slice3A_922 : vector<7x128xf32> to vector<7x128x1xf32>
    %slice3A_924 = vector.extract_strided_slice %squeeze3A_15 {offsets = [0, 0], sizes = [7, 128], strides = [1, 1]} : vector<16x128xf32> to vector<7x128xf32>
    %broadcast_in_dim3A_925 = vector.shape_cast %slice3A_924 : vector<7x128xf32> to vector<7x128x1xf32>
    %slice3A_926 = vector.extract_strided_slice %mul3A {offsets = [0, 0], sizes = [7, 128], strides = [1, 1]} : vector<16x128xf32> to vector<7x128xf32>
    %broadcast_in_dim3A_927 = vector.shape_cast %slice3A_926 : vector<7x128xf32> to vector<7x128x1xf32>
    %broadcast_in_dim3A_928 = vector.shape_cast %slice3A_912 : vector<1x128xf32> to vector<1x1x128xf32>
    %broadcast_in_dim3A_929 = vector.shape_cast %slice3A_913 : vector<1x128xf32> to vector<1x1x128xf32>
    %broadcast_in_dim3A_930 = vector.shape_cast %slice3A_914 : vector<1x128xf32> to vector<1x1x128xf32>
    %broadcast_in_dim3A_931 = vector.shape_cast %slice3A_915 : vector<1x128xf32> to vector<1x1x128xf32>
    %broadcast_in_dim3A_932 = vector.shape_cast %slice3A_916 : vector<1x128xf32> to vector<1x1x128xf32>
    %max3A_933 = vector.broadcast %broadcast_in_dim3A_919 : vector<7x128x1xf32> to vector<7x128x128xf32>
    %max3A_934 = vector.broadcast %broadcast_in_dim3A_928 : vector<1x1x128xf32> to vector<7x128x128xf32>
    %max3A_935 = arith.maximumf %max3A_933, %max3A_934 : vector<7x128x128xf32>
    %max3A_936 = vector.broadcast %broadcast_in_dim3A_921 : vector<7x128x1xf32> to vector<7x128x128xf32>
    %max3A_937 = vector.broadcast %broadcast_in_dim3A_929 : vector<1x1x128xf32> to vector<7x128x128xf32>
    %max3A_938 = arith.maximumf %max3A_936, %max3A_937 : vector<7x128x128xf32>
    %min3A_939 = vector.broadcast %broadcast_in_dim3A_923 : vector<7x128x1xf32> to vector<7x128x128xf32>
    %min3A_940 = vector.broadcast %broadcast_in_dim3A_930 : vector<1x1x128xf32> to vector<7x128x128xf32>
    %min3A_941 = arith.minimumf %min3A_939, %min3A_940 : vector<7x128x128xf32>
    %min3A_942 = vector.broadcast %broadcast_in_dim3A_925 : vector<7x128x1xf32> to vector<7x128x128xf32>
    %min3A_943 = vector.broadcast %broadcast_in_dim3A_931 : vector<1x1x128xf32> to vector<7x128x128xf32>
    %min3A_944 = arith.minimumf %min3A_942, %min3A_943 : vector<7x128x128xf32>
    %sub3A_945 = arith.subf %min3A_941, %max3A_935 : vector<7x128x128xf32>
    %max3A_946 = arith.constant 0.000000e+00 : f32
    %max3A_947 = vector.broadcast %max3A_946 : f32 to vector<7x128x128xf32>
    %max3A_948 = arith.maximumf %sub3A_945, %max3A_947 : vector<7x128x128xf32>
    %sub3A_949 = arith.subf %min3A_944, %max3A_938 : vector<7x128x128xf32>
    %max3A_950 = arith.constant 0.000000e+00 : f32
    %max3A_951 = vector.broadcast %max3A_950 : f32 to vector<7x128x128xf32>
    %max3A_952 = arith.maximumf %sub3A_949, %max3A_951 : vector<7x128x128xf32>
    %mul3A_953 = arith.mulf %max3A_948, %max3A_952 : vector<7x128x128xf32>
    %add3A_954 = vector.broadcast %broadcast_in_dim3A_927 : vector<7x128x1xf32> to vector<7x128x128xf32>
    %add3A_955 = vector.broadcast %broadcast_in_dim3A_932 : vector<1x1x128xf32> to vector<7x128x128xf32>
    %add3A_956 = arith.addf %add3A_954, %add3A_955 : vector<7x128x128xf32>
    %sub3A_957 = arith.subf %add3A_956, %mul3A_953 : vector<7x128x128xf32>
    %max3A_958 = arith.constant 9.99999993E-9 : f32
    %max3A_959 = vector.broadcast %max3A_958 : f32 to vector<7x128x128xf32>
    %max3A_960 = arith.maximumf %sub3A_957, %max3A_959 : vector<7x128x128xf32>
    %div3A_961 = arith.divf %mul3A_953, %max3A_960 : vector<7x128x128xf32>
    %gt3A_962 = arith.constant 0.699999988 : f32
    %gt3A_963 = vector.broadcast %gt3A_962 : f32 to vector<7x128x128xf32>
    %gt3A_964 = arith.cmpf ogt, %div3A_961, %gt3A_963 : vector<7x128x128xf32>
    %concatenate3A_965 = tpu.concatenate %mul3A_88, %mul3A_222, %mul3A_359, %mul3A_497, %mul3A_635, %mul3A_773, %mul3A_911 in 0 : vector<1x128xf32>, vector<1x128xf32>, vector<1x128xf32>, vector<1x128xf32>, vector<1x128xf32>, vector<1x128xf32>, vector<1x128xf32> -> vector<7x128xf32>
    %broadcast_in_dim3A_966 = vector.shape_cast %concatenate3A_965 : vector<7x128xf32> to vector<7x128x1xf32>
    %jit3A_967 = arith.constant 0.000000e+00 : f32
    %broadcast_in_dim3A_968 = vector.shape_cast %broadcast_in_dim3A_966 : vector<7x128x1xf32> to vector<7x128x1xf32>
    %broadcast_in_dim3A_969 = vector.broadcast %broadcast_in_dim3A_968 : vector<7x128x1xf32> to vector<7x128x128xf32>
    %broadcast_in_dim3A_970 = vector.broadcast %jit3A_967 : f32 to vector<7x128x128xf32>
    %select_n3A_971 = arith.select %gt3A_964, %broadcast_in_dim3A_969, %broadcast_in_dim3A_970 : vector<7x128x128xi1>, vector<7x128x128xf32>
    %reduce_max3A_972 = arith.constant dense<0xFF800000> : vector<128x128xf32>
    %reduce_max3A_973 = vector.multi_reduction <maximumf>, %select_n3A_971, %reduce_max3A_972 [0] : vector<7x128x128xf32> to vector<128x128xf32>
    %reduce_max3A_974 = arith.constant dense<0xFF800000> : vector<128xf32>
    %reduce_max3A_975 = vector.multi_reduction <maximumf>, %reduce_max3A_973, %reduce_max3A_974 [0] : vector<128x128xf32> to vector<128xf32>
    %broadcast_in_dim3A_976 = vector.shape_cast %reduce_max3A_975 : vector<128xf32> to vector<1x128xf32>
    %sub3A_977 = arith.constant 1.000000e+00 : f32
    %sub3A_978 = vector.broadcast %sub3A_977 : f32 to vector<1x128xf32>
    %sub3A_979 = arith.subf %sub3A_978, %broadcast_in_dim3A_976 : vector<1x128xf32>
    %mul3A_980 = arith.mulf %slice3A_917, %sub3A_979 : vector<1x128xf32>
    %transpose3A_981 = tpu.transpose %slice3A_912, [1, 0] : vector<1x128xf32> -> vector<128x1xf32>
    %transpose3A_982 = tpu.transpose %slice3A_913, [1, 0] : vector<1x128xf32> -> vector<128x1xf32>
    %transpose3A_983 = tpu.transpose %slice3A_914, [1, 0] : vector<1x128xf32> -> vector<128x1xf32>
    %transpose3A_984 = tpu.transpose %slice3A_915, [1, 0] : vector<1x128xf32> -> vector<128x1xf32>
    %transpose3A_985 = tpu.transpose %slice3A_916, [1, 0] : vector<1x128xf32> -> vector<128x1xf32>
    %max3A_986 = vector.broadcast %transpose3A_981 : vector<128x1xf32> to vector<128x128xf32>
    %max3A_987 = vector.broadcast %slice3A_912 : vector<1x128xf32> to vector<128x128xf32>
    %max3A_988 = arith.maximumf %max3A_986, %max3A_987 : vector<128x128xf32>
    %max3A_989 = vector.broadcast %transpose3A_982 : vector<128x1xf32> to vector<128x128xf32>
    %max3A_990 = vector.broadcast %slice3A_913 : vector<1x128xf32> to vector<128x128xf32>
    %max3A_991 = arith.maximumf %max3A_989, %max3A_990 : vector<128x128xf32>
    %min3A_992 = vector.broadcast %transpose3A_983 : vector<128x1xf32> to vector<128x128xf32>
    %min3A_993 = vector.broadcast %slice3A_914 : vector<1x128xf32> to vector<128x128xf32>
    %min3A_994 = arith.minimumf %min3A_992, %min3A_993 : vector<128x128xf32>
    %min3A_995 = vector.broadcast %transpose3A_984 : vector<128x1xf32> to vector<128x128xf32>
    %min3A_996 = vector.broadcast %slice3A_915 : vector<1x128xf32> to vector<128x128xf32>
    %min3A_997 = arith.minimumf %min3A_995, %min3A_996 : vector<128x128xf32>
    %sub3A_998 = arith.subf %min3A_994, %max3A_988 : vector<128x128xf32>
    %max3A_999 = arith.constant 0.000000e+00 : f32
    %max3A_1000 = vector.broadcast %max3A_999 : f32 to vector<128x128xf32>
    %max3A_1001 = arith.maximumf %sub3A_998, %max3A_1000 : vector<128x128xf32>
    %sub3A_1002 = arith.subf %min3A_997, %max3A_991 : vector<128x128xf32>
    %max3A_1003 = arith.constant 0.000000e+00 : f32
    %max3A_1004 = vector.broadcast %max3A_1003 : f32 to vector<128x128xf32>
    %max3A_1005 = arith.maximumf %sub3A_1002, %max3A_1004 : vector<128x128xf32>
    %mul3A_1006 = arith.mulf %max3A_1001, %max3A_1005 : vector<128x128xf32>
    %add3A_1007 = vector.broadcast %transpose3A_985 : vector<128x1xf32> to vector<128x128xf32>
    %add3A_1008 = vector.broadcast %slice3A_916 : vector<1x128xf32> to vector<128x128xf32>
    %add3A_1009 = arith.addf %add3A_1007, %add3A_1008 : vector<128x128xf32>
    %sub3A_1010 = arith.subf %add3A_1009, %mul3A_1006 : vector<128x128xf32>
    %max3A_1011 = arith.constant 9.99999993E-9 : f32
    %max3A_1012 = vector.broadcast %max3A_1011 : f32 to vector<128x128xf32>
    %max3A_1013 = arith.maximumf %sub3A_1010, %max3A_1012 : vector<128x128xf32>
    %div3A_1014 = arith.divf %mul3A_1006, %max3A_1013 : vector<128x128xf32>
    %gt3A_1015 = arith.constant 0.699999988 : f32
    %gt3A_1016 = vector.broadcast %gt3A_1015 : f32 to vector<128x128xf32>
    %gt3A_1017 = arith.cmpf ogt, %div3A_1014, %gt3A_1016 : vector<128x128xf32>
    %convert_element_type3A_1018 = arith.extui %gt3A_1017 : vector<128x128xi1> to vector<128x128xi32>
    %convert_element_type3A_1019 = arith.sitofp %convert_element_type3A_1018 : vector<128x128xi32> to vector<128x128xf32>
    %mul3A_1020 = arith.mulf %convert_element_type3A_1019, %convert_element_type3A_22 : vector<128x128xf32>
    %mul3A_1021 = vector.broadcast %mul3A_980 : vector<1x128xf32> to vector<128x128xf32>
    %mul3A_1022 = arith.mulf %mul3A_1020, %mul3A_1021 : vector<128x128xf32>
    %transpose3A_1023 = tpu.transpose %mul3A_980, [1, 0] : vector<1x128xf32> -> vector<128x1xf32>
    %mul3A_1024 = vector.broadcast %transpose3A_1023 : vector<128x1xf32> to vector<128x128xf32>
    %mul3A_1025 = arith.mulf %mul3A_1022, %mul3A_1024 : vector<128x128xf32>
    %broadcast_in_dim3A_1026 = arith.constant 0.000000e+00 : f32
    %broadcast_in_dim3A_1027 = vector.broadcast %broadcast_in_dim3A_1026 : f32 to vector<1x128xf32>
    %reduce_sum3A_1028 = vector.shape_cast %mul3A_1025 : vector<128x128xf32> to vector<1x128x128xf32>
    %reduce_sum3A_1029 = arith.constant dense<0.000000e+00> : vector<1xf32>
    %reduce_sum3A_1030 = vector.multi_reduction <add>, %reduce_sum3A_1028, %reduce_sum3A_1029 [1, 2] : vector<1x128x128xf32> to vector<1xf32>
    %reduce_sum3A_1031 = vector.shape_cast %reduce_sum3A_1030 : vector<1xf32> to vector<1x1x1xf32>
    %reduce_sum3A_1032 = vector.extract %reduce_sum3A_1031[0, 0, 0] : f32 from vector<1x1x1xf32>
    %gt3A_1033 = arith.constant 0.000000e+00 : f32
    %gt3A_1034 = arith.cmpf ogt, %reduce_sum3A_1032, %gt3A_1033 : f32
    %while3A_1035:2 = scf.while (%while3A_2473 = %broadcast_in_dim3A_1027, %while3A_2474 = %gt3A_1034) : (vector<1x128xf32>, i1) -> (vector<1x128xf32>, i1) {
      scf.condition(%while3A_2474) %while3A_2473, %while3A_2474 : vector<1x128xf32>, i1
    } do {
    ^bb0(%while3A_2473: vector<1x128xf32>, %while3A_2474: i1):
      %sub3A_2475 = arith.constant 1.000000e+00 : f32
      %sub3A_2476 = vector.broadcast %sub3A_2475 : f32 to vector<1x128xf32>
      %sub3A_2477 = arith.subf %sub3A_2476, %while3A_2473 : vector<1x128xf32>
      %dot_general3A_2478 = arith.constant dense<0.000000e+00> : vector<1x128xf32>
      %dot_general3A_2479 = tpu.matmul %sub3A_2477, %mul3A_1025, %dot_general3A_2478 {dimension_numbers = #tpu.dot_dimension_numbers<[1], [0], [0], [1], [0, 0, 1, 1], [], []>, transpose_lhs_hint = false} : vector<1x128xf32>, vector<128x128xf32>, vector<1x128xf32> -> vector<1x128xf32>
      %eq3A_2480 = arith.constant 0.000000e+00 : f32
      %eq3A_2481 = vector.broadcast %eq3A_2480 : f32 to vector<1x128xf32>
      %eq3A_2482 = arith.cmpf oeq, %dot_general3A_2479, %eq3A_2481 : vector<1x128xf32>
      %convert_element_type3A_2483 = arith.extui %eq3A_2482 : vector<1x128xi1> to vector<1x128xi32>
      %convert_element_type3A_2484 = arith.sitofp %convert_element_type3A_2483 : vector<1x128xi32> to vector<1x128xf32>
      %dot_general3A_2485 = arith.constant dense<0.000000e+00> : vector<1x128xf32>
      %dot_general3A_2486 = tpu.matmul %convert_element_type3A_2484, %mul3A_1025, %dot_general3A_2485 {dimension_numbers = #tpu.dot_dimension_numbers<[1], [0], [0], [1], [0, 0, 1, 1], [], []>, transpose_lhs_hint = false} : vector<1x128xf32>, vector<128x128xf32>, vector<1x128xf32> -> vector<1x128xf32>
      %gt3A_2487 = arith.constant 0.000000e+00 : f32
      %gt3A_2488 = vector.broadcast %gt3A_2487 : f32 to vector<1x128xf32>
      %gt3A_2489 = arith.cmpf ogt, %dot_general3A_2486, %gt3A_2488 : vector<1x128xf32>
      %convert_element_type3A_2490 = arith.extui %gt3A_2489 : vector<1x128xi1> to vector<1x128xi32>
      %convert_element_type3A_2491 = arith.sitofp %convert_element_type3A_2490 : vector<1x128xi32> to vector<1x128xf32>
      %max3A_2492 = arith.maximumf %while3A_2473, %convert_element_type3A_2491 : vector<1x128xf32>
      %reduce_sum3A_2493 = vector.shape_cast %max3A_2492 : vector<1x128xf32> to vector<1x1x128xf32>
      %reduce_sum3A_2494 = arith.constant dense<0.000000e+00> : vector<1xf32>
      %reduce_sum3A_2495 = vector.multi_reduction <add>, %reduce_sum3A_2493, %reduce_sum3A_2494 [1, 2] : vector<1x1x128xf32> to vector<1xf32>
      %reduce_sum3A_2496 = vector.shape_cast %reduce_sum3A_2495 : vector<1xf32> to vector<1x1x1xf32>
      %reduce_sum3A_2497 = vector.extract %reduce_sum3A_2496[0, 0, 0] : f32 from vector<1x1x1xf32>
      %reduce_sum3A_2498 = vector.shape_cast %while3A_2473 : vector<1x128xf32> to vector<1x1x128xf32>
      %reduce_sum3A_2499 = arith.constant dense<0.000000e+00> : vector<1xf32>
      %reduce_sum3A_2500 = vector.multi_reduction <add>, %reduce_sum3A_2498, %reduce_sum3A_2499 [1, 2] : vector<1x1x128xf32> to vector<1xf32>
      %reduce_sum3A_2501 = vector.shape_cast %reduce_sum3A_2500 : vector<1xf32> to vector<1x1x1xf32>
      %reduce_sum3A_2502 = vector.extract %reduce_sum3A_2501[0, 0, 0] : f32 from vector<1x1x1xf32>
      %gt3A_2503 = arith.cmpf ogt, %reduce_sum3A_2497, %reduce_sum3A_2502 : f32
      scf.yield %max3A_2492, %gt3A_2503 : vector<1x128xf32>, i1
    }
    %sub3A_1036 = arith.constant 1.000000e+00 : f32
    %sub3A_1037 = vector.broadcast %sub3A_1036 : f32 to vector<1x128xf32>
    %sub3A_1038 = arith.subf %sub3A_1037, %while3A_1035#0 : vector<1x128xf32>
    %dot_general3A_1039 = arith.constant dense<0.000000e+00> : vector<1x128xf32>
    %dot_general3A_1040 = tpu.matmul %sub3A_1038, %mul3A_1025, %dot_general3A_1039 {dimension_numbers = #tpu.dot_dimension_numbers<[1], [0], [0], [1], [0, 0, 1, 1], [], []>, transpose_lhs_hint = false} : vector<1x128xf32>, vector<128x128xf32>, vector<1x128xf32> -> vector<1x128xf32>
    %gt3A_1041 = arith.constant 0.000000e+00 : f32
    %gt3A_1042 = vector.broadcast %gt3A_1041 : f32 to vector<1x128xf32>
    %gt3A_1043 = arith.cmpf ogt, %dot_general3A_1040, %gt3A_1042 : vector<1x128xf32>
    %convert_element_type3A_1044 = arith.extui %gt3A_1043 : vector<1x128xi1> to vector<1x128xi32>
    %convert_element_type3A_1045 = arith.sitofp %convert_element_type3A_1044 : vector<1x128xi32> to vector<1x128xf32>
    %sub3A_1046 = arith.constant 1.000000e+00 : f32
    %sub3A_1047 = vector.broadcast %sub3A_1046 : f32 to vector<1x128xf32>
    %sub3A_1048 = arith.subf %sub3A_1047, %convert_element_type3A_1045 : vector<1x128xf32>
    %mul3A_1049 = arith.mulf %mul3A_980, %sub3A_1048 : vector<1x128xf32>
    %slice3A_1050 = vector.extract_strided_slice %squeeze3A {offsets = [8, 0], sizes = [1, 128], strides = [1, 1]} : vector<16x128xf32> to vector<1x128xf32>
    %slice3A_1051 = vector.extract_strided_slice %squeeze3A_11 {offsets = [8, 0], sizes = [1, 128], strides = [1, 1]} : vector<16x128xf32> to vector<1x128xf32>
    %slice3A_1052 = vector.extract_strided_slice %squeeze3A_13 {offsets = [8, 0], sizes = [1, 128], strides = [1, 1]} : vector<16x128xf32> to vector<1x128xf32>
    %slice3A_1053 = vector.extract_strided_slice %squeeze3A_15 {offsets = [8, 0], sizes = [1, 128], strides = [1, 1]} : vector<16x128xf32> to vector<1x128xf32>
    %slice3A_1054 = vector.extract_strided_slice %mul3A {offsets = [8, 0], sizes = [1, 128], strides = [1, 1]} : vector<16x128xf32> to vector<1x128xf32>
    %slice3A_1055 = vector.extract_strided_slice %convert_element_type3A_19 {offsets = [8, 0], sizes = [1, 128], strides = [1, 1]} : vector<16x128xf32> to vector<1x128xf32>
    %slice3A_1056 = vector.extract_strided_slice %squeeze3A {offsets = [0, 0], sizes = [8, 128], strides = [1, 1]} : vector<16x128xf32> to vector<8x128xf32>
    %broadcast_in_dim3A_1057 = vector.shape_cast %slice3A_1056 : vector<8x128xf32> to vector<8x128x1xf32>
    %slice3A_1058 = vector.extract_strided_slice %squeeze3A_11 {offsets = [0, 0], sizes = [8, 128], strides = [1, 1]} : vector<16x128xf32> to vector<8x128xf32>
    %broadcast_in_dim3A_1059 = vector.shape_cast %slice3A_1058 : vector<8x128xf32> to vector<8x128x1xf32>
    %slice3A_1060 = vector.extract_strided_slice %squeeze3A_13 {offsets = [0, 0], sizes = [8, 128], strides = [1, 1]} : vector<16x128xf32> to vector<8x128xf32>
    %broadcast_in_dim3A_1061 = vector.shape_cast %slice3A_1060 : vector<8x128xf32> to vector<8x128x1xf32>
    %slice3A_1062 = vector.extract_strided_slice %squeeze3A_15 {offsets = [0, 0], sizes = [8, 128], strides = [1, 1]} : vector<16x128xf32> to vector<8x128xf32>
    %broadcast_in_dim3A_1063 = vector.shape_cast %slice3A_1062 : vector<8x128xf32> to vector<8x128x1xf32>
    %slice3A_1064 = vector.extract_strided_slice %mul3A {offsets = [0, 0], sizes = [8, 128], strides = [1, 1]} : vector<16x128xf32> to vector<8x128xf32>
    %broadcast_in_dim3A_1065 = vector.shape_cast %slice3A_1064 : vector<8x128xf32> to vector<8x128x1xf32>
    %broadcast_in_dim3A_1066 = vector.shape_cast %slice3A_1050 : vector<1x128xf32> to vector<1x1x128xf32>
    %broadcast_in_dim3A_1067 = vector.shape_cast %slice3A_1051 : vector<1x128xf32> to vector<1x1x128xf32>
    %broadcast_in_dim3A_1068 = vector.shape_cast %slice3A_1052 : vector<1x128xf32> to vector<1x1x128xf32>
    %broadcast_in_dim3A_1069 = vector.shape_cast %slice3A_1053 : vector<1x128xf32> to vector<1x1x128xf32>
    %broadcast_in_dim3A_1070 = vector.shape_cast %slice3A_1054 : vector<1x128xf32> to vector<1x1x128xf32>
    %max3A_1071 = vector.broadcast %broadcast_in_dim3A_1057 : vector<8x128x1xf32> to vector<8x128x128xf32>
    %max3A_1072 = vector.broadcast %broadcast_in_dim3A_1066 : vector<1x1x128xf32> to vector<8x128x128xf32>
    %max3A_1073 = arith.maximumf %max3A_1071, %max3A_1072 : vector<8x128x128xf32>
    %max3A_1074 = vector.broadcast %broadcast_in_dim3A_1059 : vector<8x128x1xf32> to vector<8x128x128xf32>
    %max3A_1075 = vector.broadcast %broadcast_in_dim3A_1067 : vector<1x1x128xf32> to vector<8x128x128xf32>
    %max3A_1076 = arith.maximumf %max3A_1074, %max3A_1075 : vector<8x128x128xf32>
    %min3A_1077 = vector.broadcast %broadcast_in_dim3A_1061 : vector<8x128x1xf32> to vector<8x128x128xf32>
    %min3A_1078 = vector.broadcast %broadcast_in_dim3A_1068 : vector<1x1x128xf32> to vector<8x128x128xf32>
    %min3A_1079 = arith.minimumf %min3A_1077, %min3A_1078 : vector<8x128x128xf32>
    %min3A_1080 = vector.broadcast %broadcast_in_dim3A_1063 : vector<8x128x1xf32> to vector<8x128x128xf32>
    %min3A_1081 = vector.broadcast %broadcast_in_dim3A_1069 : vector<1x1x128xf32> to vector<8x128x128xf32>
    %min3A_1082 = arith.minimumf %min3A_1080, %min3A_1081 : vector<8x128x128xf32>
    %sub3A_1083 = arith.subf %min3A_1079, %max3A_1073 : vector<8x128x128xf32>
    %max3A_1084 = arith.constant 0.000000e+00 : f32
    %max3A_1085 = vector.broadcast %max3A_1084 : f32 to vector<8x128x128xf32>
    %max3A_1086 = arith.maximumf %sub3A_1083, %max3A_1085 : vector<8x128x128xf32>
    %sub3A_1087 = arith.subf %min3A_1082, %max3A_1076 : vector<8x128x128xf32>
    %max3A_1088 = arith.constant 0.000000e+00 : f32
    %max3A_1089 = vector.broadcast %max3A_1088 : f32 to vector<8x128x128xf32>
    %max3A_1090 = arith.maximumf %sub3A_1087, %max3A_1089 : vector<8x128x128xf32>
    %mul3A_1091 = arith.mulf %max3A_1086, %max3A_1090 : vector<8x128x128xf32>
    %add3A_1092 = vector.broadcast %broadcast_in_dim3A_1065 : vector<8x128x1xf32> to vector<8x128x128xf32>
    %add3A_1093 = vector.broadcast %broadcast_in_dim3A_1070 : vector<1x1x128xf32> to vector<8x128x128xf32>
    %add3A_1094 = arith.addf %add3A_1092, %add3A_1093 : vector<8x128x128xf32>
    %sub3A_1095 = arith.subf %add3A_1094, %mul3A_1091 : vector<8x128x128xf32>
    %max3A_1096 = arith.constant 9.99999993E-9 : f32
    %max3A_1097 = vector.broadcast %max3A_1096 : f32 to vector<8x128x128xf32>
    %max3A_1098 = arith.maximumf %sub3A_1095, %max3A_1097 : vector<8x128x128xf32>
    %div3A_1099 = arith.divf %mul3A_1091, %max3A_1098 : vector<8x128x128xf32>
    %gt3A_1100 = arith.constant 0.699999988 : f32
    %gt3A_1101 = vector.broadcast %gt3A_1100 : f32 to vector<8x128x128xf32>
    %gt3A_1102 = arith.cmpf ogt, %div3A_1099, %gt3A_1101 : vector<8x128x128xf32>
    %concatenate3A_1103 = tpu.concatenate %mul3A_88, %mul3A_222, %mul3A_359, %mul3A_497, %mul3A_635, %mul3A_773, %mul3A_911, %mul3A_1049 in 0 : vector<1x128xf32>, vector<1x128xf32>, vector<1x128xf32>, vector<1x128xf32>, vector<1x128xf32>, vector<1x128xf32>, vector<1x128xf32>, vector<1x128xf32> -> vector<8x128xf32>
    %broadcast_in_dim3A_1104 = vector.shape_cast %concatenate3A_1103 : vector<8x128xf32> to vector<8x128x1xf32>
    %jit3A_1105 = arith.constant 0.000000e+00 : f32
    %broadcast_in_dim3A_1106 = vector.shape_cast %broadcast_in_dim3A_1104 : vector<8x128x1xf32> to vector<8x128x1xf32>
    %broadcast_in_dim3A_1107 = vector.broadcast %broadcast_in_dim3A_1106 : vector<8x128x1xf32> to vector<8x128x128xf32>
    %broadcast_in_dim3A_1108 = vector.broadcast %jit3A_1105 : f32 to vector<8x128x128xf32>
    %select_n3A_1109 = arith.select %gt3A_1102, %broadcast_in_dim3A_1107, %broadcast_in_dim3A_1108 : vector<8x128x128xi1>, vector<8x128x128xf32>
    %reduce_max3A_1110 = arith.constant dense<0xFF800000> : vector<128x128xf32>
    %reduce_max3A_1111 = vector.multi_reduction <maximumf>, %select_n3A_1109, %reduce_max3A_1110 [0] : vector<8x128x128xf32> to vector<128x128xf32>
    %reduce_max3A_1112 = arith.constant dense<0xFF800000> : vector<128xf32>
    %reduce_max3A_1113 = vector.multi_reduction <maximumf>, %reduce_max3A_1111, %reduce_max3A_1112 [0] : vector<128x128xf32> to vector<128xf32>
    %broadcast_in_dim3A_1114 = vector.shape_cast %reduce_max3A_1113 : vector<128xf32> to vector<1x128xf32>
    %sub3A_1115 = arith.constant 1.000000e+00 : f32
    %sub3A_1116 = vector.broadcast %sub3A_1115 : f32 to vector<1x128xf32>
    %sub3A_1117 = arith.subf %sub3A_1116, %broadcast_in_dim3A_1114 : vector<1x128xf32>
    %mul3A_1118 = arith.mulf %slice3A_1055, %sub3A_1117 : vector<1x128xf32>
    %transpose3A_1119 = tpu.transpose %slice3A_1050, [1, 0] : vector<1x128xf32> -> vector<128x1xf32>
    %transpose3A_1120 = tpu.transpose %slice3A_1051, [1, 0] : vector<1x128xf32> -> vector<128x1xf32>
    %transpose3A_1121 = tpu.transpose %slice3A_1052, [1, 0] : vector<1x128xf32> -> vector<128x1xf32>
    %transpose3A_1122 = tpu.transpose %slice3A_1053, [1, 0] : vector<1x128xf32> -> vector<128x1xf32>
    %transpose3A_1123 = tpu.transpose %slice3A_1054, [1, 0] : vector<1x128xf32> -> vector<128x1xf32>
    %max3A_1124 = vector.broadcast %transpose3A_1119 : vector<128x1xf32> to vector<128x128xf32>
    %max3A_1125 = vector.broadcast %slice3A_1050 : vector<1x128xf32> to vector<128x128xf32>
    %max3A_1126 = arith.maximumf %max3A_1124, %max3A_1125 : vector<128x128xf32>
    %max3A_1127 = vector.broadcast %transpose3A_1120 : vector<128x1xf32> to vector<128x128xf32>
    %max3A_1128 = vector.broadcast %slice3A_1051 : vector<1x128xf32> to vector<128x128xf32>
    %max3A_1129 = arith.maximumf %max3A_1127, %max3A_1128 : vector<128x128xf32>
    %min3A_1130 = vector.broadcast %transpose3A_1121 : vector<128x1xf32> to vector<128x128xf32>
    %min3A_1131 = vector.broadcast %slice3A_1052 : vector<1x128xf32> to vector<128x128xf32>
    %min3A_1132 = arith.minimumf %min3A_1130, %min3A_1131 : vector<128x128xf32>
    %min3A_1133 = vector.broadcast %transpose3A_1122 : vector<128x1xf32> to vector<128x128xf32>
    %min3A_1134 = vector.broadcast %slice3A_1053 : vector<1x128xf32> to vector<128x128xf32>
    %min3A_1135 = arith.minimumf %min3A_1133, %min3A_1134 : vector<128x128xf32>
    %sub3A_1136 = arith.subf %min3A_1132, %max3A_1126 : vector<128x128xf32>
    %max3A_1137 = arith.constant 0.000000e+00 : f32
    %max3A_1138 = vector.broadcast %max3A_1137 : f32 to vector<128x128xf32>
    %max3A_1139 = arith.maximumf %sub3A_1136, %max3A_1138 : vector<128x128xf32>
    %sub3A_1140 = arith.subf %min3A_1135, %max3A_1129 : vector<128x128xf32>
    %max3A_1141 = arith.constant 0.000000e+00 : f32
    %max3A_1142 = vector.broadcast %max3A_1141 : f32 to vector<128x128xf32>
    %max3A_1143 = arith.maximumf %sub3A_1140, %max3A_1142 : vector<128x128xf32>
    %mul3A_1144 = arith.mulf %max3A_1139, %max3A_1143 : vector<128x128xf32>
    %add3A_1145 = vector.broadcast %transpose3A_1123 : vector<128x1xf32> to vector<128x128xf32>
    %add3A_1146 = vector.broadcast %slice3A_1054 : vector<1x128xf32> to vector<128x128xf32>
    %add3A_1147 = arith.addf %add3A_1145, %add3A_1146 : vector<128x128xf32>
    %sub3A_1148 = arith.subf %add3A_1147, %mul3A_1144 : vector<128x128xf32>
    %max3A_1149 = arith.constant 9.99999993E-9 : f32
    %max3A_1150 = vector.broadcast %max3A_1149 : f32 to vector<128x128xf32>
    %max3A_1151 = arith.maximumf %sub3A_1148, %max3A_1150 : vector<128x128xf32>
    %div3A_1152 = arith.divf %mul3A_1144, %max3A_1151 : vector<128x128xf32>
    %gt3A_1153 = arith.constant 0.699999988 : f32
    %gt3A_1154 = vector.broadcast %gt3A_1153 : f32 to vector<128x128xf32>
    %gt3A_1155 = arith.cmpf ogt, %div3A_1152, %gt3A_1154 : vector<128x128xf32>
    %convert_element_type3A_1156 = arith.extui %gt3A_1155 : vector<128x128xi1> to vector<128x128xi32>
    %convert_element_type3A_1157 = arith.sitofp %convert_element_type3A_1156 : vector<128x128xi32> to vector<128x128xf32>
    %mul3A_1158 = arith.mulf %convert_element_type3A_1157, %convert_element_type3A_22 : vector<128x128xf32>
    %mul3A_1159 = vector.broadcast %mul3A_1118 : vector<1x128xf32> to vector<128x128xf32>
    %mul3A_1160 = arith.mulf %mul3A_1158, %mul3A_1159 : vector<128x128xf32>
    %transpose3A_1161 = tpu.transpose %mul3A_1118, [1, 0] : vector<1x128xf32> -> vector<128x1xf32>
    %mul3A_1162 = vector.broadcast %transpose3A_1161 : vector<128x1xf32> to vector<128x128xf32>
    %mul3A_1163 = arith.mulf %mul3A_1160, %mul3A_1162 : vector<128x128xf32>
    %broadcast_in_dim3A_1164 = arith.constant 0.000000e+00 : f32
    %broadcast_in_dim3A_1165 = vector.broadcast %broadcast_in_dim3A_1164 : f32 to vector<1x128xf32>
    %reduce_sum3A_1166 = vector.shape_cast %mul3A_1163 : vector<128x128xf32> to vector<1x128x128xf32>
    %reduce_sum3A_1167 = arith.constant dense<0.000000e+00> : vector<1xf32>
    %reduce_sum3A_1168 = vector.multi_reduction <add>, %reduce_sum3A_1166, %reduce_sum3A_1167 [1, 2] : vector<1x128x128xf32> to vector<1xf32>
    %reduce_sum3A_1169 = vector.shape_cast %reduce_sum3A_1168 : vector<1xf32> to vector<1x1x1xf32>
    %reduce_sum3A_1170 = vector.extract %reduce_sum3A_1169[0, 0, 0] : f32 from vector<1x1x1xf32>
    %gt3A_1171 = arith.constant 0.000000e+00 : f32
    %gt3A_1172 = arith.cmpf ogt, %reduce_sum3A_1170, %gt3A_1171 : f32
    %while3A_1173:2 = scf.while (%while3A_2473 = %broadcast_in_dim3A_1165, %while3A_2474 = %gt3A_1172) : (vector<1x128xf32>, i1) -> (vector<1x128xf32>, i1) {
      scf.condition(%while3A_2474) %while3A_2473, %while3A_2474 : vector<1x128xf32>, i1
    } do {
    ^bb0(%while3A_2473: vector<1x128xf32>, %while3A_2474: i1):
      %sub3A_2475 = arith.constant 1.000000e+00 : f32
      %sub3A_2476 = vector.broadcast %sub3A_2475 : f32 to vector<1x128xf32>
      %sub3A_2477 = arith.subf %sub3A_2476, %while3A_2473 : vector<1x128xf32>
      %dot_general3A_2478 = arith.constant dense<0.000000e+00> : vector<1x128xf32>
      %dot_general3A_2479 = tpu.matmul %sub3A_2477, %mul3A_1163, %dot_general3A_2478 {dimension_numbers = #tpu.dot_dimension_numbers<[1], [0], [0], [1], [0, 0, 1, 1], [], []>, transpose_lhs_hint = false} : vector<1x128xf32>, vector<128x128xf32>, vector<1x128xf32> -> vector<1x128xf32>
      %eq3A_2480 = arith.constant 0.000000e+00 : f32
      %eq3A_2481 = vector.broadcast %eq3A_2480 : f32 to vector<1x128xf32>
      %eq3A_2482 = arith.cmpf oeq, %dot_general3A_2479, %eq3A_2481 : vector<1x128xf32>
      %convert_element_type3A_2483 = arith.extui %eq3A_2482 : vector<1x128xi1> to vector<1x128xi32>
      %convert_element_type3A_2484 = arith.sitofp %convert_element_type3A_2483 : vector<1x128xi32> to vector<1x128xf32>
      %dot_general3A_2485 = arith.constant dense<0.000000e+00> : vector<1x128xf32>
      %dot_general3A_2486 = tpu.matmul %convert_element_type3A_2484, %mul3A_1163, %dot_general3A_2485 {dimension_numbers = #tpu.dot_dimension_numbers<[1], [0], [0], [1], [0, 0, 1, 1], [], []>, transpose_lhs_hint = false} : vector<1x128xf32>, vector<128x128xf32>, vector<1x128xf32> -> vector<1x128xf32>
      %gt3A_2487 = arith.constant 0.000000e+00 : f32
      %gt3A_2488 = vector.broadcast %gt3A_2487 : f32 to vector<1x128xf32>
      %gt3A_2489 = arith.cmpf ogt, %dot_general3A_2486, %gt3A_2488 : vector<1x128xf32>
      %convert_element_type3A_2490 = arith.extui %gt3A_2489 : vector<1x128xi1> to vector<1x128xi32>
      %convert_element_type3A_2491 = arith.sitofp %convert_element_type3A_2490 : vector<1x128xi32> to vector<1x128xf32>
      %max3A_2492 = arith.maximumf %while3A_2473, %convert_element_type3A_2491 : vector<1x128xf32>
      %reduce_sum3A_2493 = vector.shape_cast %max3A_2492 : vector<1x128xf32> to vector<1x1x128xf32>
      %reduce_sum3A_2494 = arith.constant dense<0.000000e+00> : vector<1xf32>
      %reduce_sum3A_2495 = vector.multi_reduction <add>, %reduce_sum3A_2493, %reduce_sum3A_2494 [1, 2] : vector<1x1x128xf32> to vector<1xf32>
      %reduce_sum3A_2496 = vector.shape_cast %reduce_sum3A_2495 : vector<1xf32> to vector<1x1x1xf32>
      %reduce_sum3A_2497 = vector.extract %reduce_sum3A_2496[0, 0, 0] : f32 from vector<1x1x1xf32>
      %reduce_sum3A_2498 = vector.shape_cast %while3A_2473 : vector<1x128xf32> to vector<1x1x128xf32>
      %reduce_sum3A_2499 = arith.constant dense<0.000000e+00> : vector<1xf32>
      %reduce_sum3A_2500 = vector.multi_reduction <add>, %reduce_sum3A_2498, %reduce_sum3A_2499 [1, 2] : vector<1x1x128xf32> to vector<1xf32>
      %reduce_sum3A_2501 = vector.shape_cast %reduce_sum3A_2500 : vector<1xf32> to vector<1x1x1xf32>
      %reduce_sum3A_2502 = vector.extract %reduce_sum3A_2501[0, 0, 0] : f32 from vector<1x1x1xf32>
      %gt3A_2503 = arith.cmpf ogt, %reduce_sum3A_2497, %reduce_sum3A_2502 : f32
      scf.yield %max3A_2492, %gt3A_2503 : vector<1x128xf32>, i1
    }
    %sub3A_1174 = arith.constant 1.000000e+00 : f32
    %sub3A_1175 = vector.broadcast %sub3A_1174 : f32 to vector<1x128xf32>
    %sub3A_1176 = arith.subf %sub3A_1175, %while3A_1173#0 : vector<1x128xf32>
    %dot_general3A_1177 = arith.constant dense<0.000000e+00> : vector<1x128xf32>
    %dot_general3A_1178 = tpu.matmul %sub3A_1176, %mul3A_1163, %dot_general3A_1177 {dimension_numbers = #tpu.dot_dimension_numbers<[1], [0], [0], [1], [0, 0, 1, 1], [], []>, transpose_lhs_hint = false} : vector<1x128xf32>, vector<128x128xf32>, vector<1x128xf32> -> vector<1x128xf32>
    %gt3A_1179 = arith.constant 0.000000e+00 : f32
    %gt3A_1180 = vector.broadcast %gt3A_1179 : f32 to vector<1x128xf32>
    %gt3A_1181 = arith.cmpf ogt, %dot_general3A_1178, %gt3A_1180 : vector<1x128xf32>
    %convert_element_type3A_1182 = arith.extui %gt3A_1181 : vector<1x128xi1> to vector<1x128xi32>
    %convert_element_type3A_1183 = arith.sitofp %convert_element_type3A_1182 : vector<1x128xi32> to vector<1x128xf32>
    %sub3A_1184 = arith.constant 1.000000e+00 : f32
    %sub3A_1185 = vector.broadcast %sub3A_1184 : f32 to vector<1x128xf32>
    %sub3A_1186 = arith.subf %sub3A_1185, %convert_element_type3A_1183 : vector<1x128xf32>
    %mul3A_1187 = arith.mulf %mul3A_1118, %sub3A_1186 : vector<1x128xf32>
    %slice3A_1188 = vector.extract_strided_slice %squeeze3A {offsets = [9, 0], sizes = [1, 128], strides = [1, 1]} : vector<16x128xf32> to vector<1x128xf32>
    %slice3A_1189 = vector.extract_strided_slice %squeeze3A_11 {offsets = [9, 0], sizes = [1, 128], strides = [1, 1]} : vector<16x128xf32> to vector<1x128xf32>
    %slice3A_1190 = vector.extract_strided_slice %squeeze3A_13 {offsets = [9, 0], sizes = [1, 128], strides = [1, 1]} : vector<16x128xf32> to vector<1x128xf32>
    %slice3A_1191 = vector.extract_strided_slice %squeeze3A_15 {offsets = [9, 0], sizes = [1, 128], strides = [1, 1]} : vector<16x128xf32> to vector<1x128xf32>
    %slice3A_1192 = vector.extract_strided_slice %mul3A {offsets = [9, 0], sizes = [1, 128], strides = [1, 1]} : vector<16x128xf32> to vector<1x128xf32>
    %slice3A_1193 = vector.extract_strided_slice %convert_element_type3A_19 {offsets = [9, 0], sizes = [1, 128], strides = [1, 1]} : vector<16x128xf32> to vector<1x128xf32>
    %slice3A_1194 = vector.extract_strided_slice %squeeze3A {offsets = [0, 0], sizes = [9, 128], strides = [1, 1]} : vector<16x128xf32> to vector<9x128xf32>
    %broadcast_in_dim3A_1195 = vector.shape_cast %slice3A_1194 : vector<9x128xf32> to vector<9x128x1xf32>
    %slice3A_1196 = vector.extract_strided_slice %squeeze3A_11 {offsets = [0, 0], sizes = [9, 128], strides = [1, 1]} : vector<16x128xf32> to vector<9x128xf32>
    %broadcast_in_dim3A_1197 = vector.shape_cast %slice3A_1196 : vector<9x128xf32> to vector<9x128x1xf32>
    %slice3A_1198 = vector.extract_strided_slice %squeeze3A_13 {offsets = [0, 0], sizes = [9, 128], strides = [1, 1]} : vector<16x128xf32> to vector<9x128xf32>
    %broadcast_in_dim3A_1199 = vector.shape_cast %slice3A_1198 : vector<9x128xf32> to vector<9x128x1xf32>
    %slice3A_1200 = vector.extract_strided_slice %squeeze3A_15 {offsets = [0, 0], sizes = [9, 128], strides = [1, 1]} : vector<16x128xf32> to vector<9x128xf32>
    %broadcast_in_dim3A_1201 = vector.shape_cast %slice3A_1200 : vector<9x128xf32> to vector<9x128x1xf32>
    %slice3A_1202 = vector.extract_strided_slice %mul3A {offsets = [0, 0], sizes = [9, 128], strides = [1, 1]} : vector<16x128xf32> to vector<9x128xf32>
    %broadcast_in_dim3A_1203 = vector.shape_cast %slice3A_1202 : vector<9x128xf32> to vector<9x128x1xf32>
    %broadcast_in_dim3A_1204 = vector.shape_cast %slice3A_1188 : vector<1x128xf32> to vector<1x1x128xf32>
    %broadcast_in_dim3A_1205 = vector.shape_cast %slice3A_1189 : vector<1x128xf32> to vector<1x1x128xf32>
    %broadcast_in_dim3A_1206 = vector.shape_cast %slice3A_1190 : vector<1x128xf32> to vector<1x1x128xf32>
    %broadcast_in_dim3A_1207 = vector.shape_cast %slice3A_1191 : vector<1x128xf32> to vector<1x1x128xf32>
    %broadcast_in_dim3A_1208 = vector.shape_cast %slice3A_1192 : vector<1x128xf32> to vector<1x1x128xf32>
    %max3A_1209 = vector.broadcast %broadcast_in_dim3A_1195 : vector<9x128x1xf32> to vector<9x128x128xf32>
    %max3A_1210 = vector.broadcast %broadcast_in_dim3A_1204 : vector<1x1x128xf32> to vector<9x128x128xf32>
    %max3A_1211 = arith.maximumf %max3A_1209, %max3A_1210 : vector<9x128x128xf32>
    %max3A_1212 = vector.broadcast %broadcast_in_dim3A_1197 : vector<9x128x1xf32> to vector<9x128x128xf32>
    %max3A_1213 = vector.broadcast %broadcast_in_dim3A_1205 : vector<1x1x128xf32> to vector<9x128x128xf32>
    %max3A_1214 = arith.maximumf %max3A_1212, %max3A_1213 : vector<9x128x128xf32>
    %min3A_1215 = vector.broadcast %broadcast_in_dim3A_1199 : vector<9x128x1xf32> to vector<9x128x128xf32>
    %min3A_1216 = vector.broadcast %broadcast_in_dim3A_1206 : vector<1x1x128xf32> to vector<9x128x128xf32>
    %min3A_1217 = arith.minimumf %min3A_1215, %min3A_1216 : vector<9x128x128xf32>
    %min3A_1218 = vector.broadcast %broadcast_in_dim3A_1201 : vector<9x128x1xf32> to vector<9x128x128xf32>
    %min3A_1219 = vector.broadcast %broadcast_in_dim3A_1207 : vector<1x1x128xf32> to vector<9x128x128xf32>
    %min3A_1220 = arith.minimumf %min3A_1218, %min3A_1219 : vector<9x128x128xf32>
    %sub3A_1221 = arith.subf %min3A_1217, %max3A_1211 : vector<9x128x128xf32>
    %max3A_1222 = arith.constant 0.000000e+00 : f32
    %max3A_1223 = vector.broadcast %max3A_1222 : f32 to vector<9x128x128xf32>
    %max3A_1224 = arith.maximumf %sub3A_1221, %max3A_1223 : vector<9x128x128xf32>
    %sub3A_1225 = arith.subf %min3A_1220, %max3A_1214 : vector<9x128x128xf32>
    %max3A_1226 = arith.constant 0.000000e+00 : f32
    %max3A_1227 = vector.broadcast %max3A_1226 : f32 to vector<9x128x128xf32>
    %max3A_1228 = arith.maximumf %sub3A_1225, %max3A_1227 : vector<9x128x128xf32>
    %mul3A_1229 = arith.mulf %max3A_1224, %max3A_1228 : vector<9x128x128xf32>
    %add3A_1230 = vector.broadcast %broadcast_in_dim3A_1203 : vector<9x128x1xf32> to vector<9x128x128xf32>
    %add3A_1231 = vector.broadcast %broadcast_in_dim3A_1208 : vector<1x1x128xf32> to vector<9x128x128xf32>
    %add3A_1232 = arith.addf %add3A_1230, %add3A_1231 : vector<9x128x128xf32>
    %sub3A_1233 = arith.subf %add3A_1232, %mul3A_1229 : vector<9x128x128xf32>
    %max3A_1234 = arith.constant 9.99999993E-9 : f32
    %max3A_1235 = vector.broadcast %max3A_1234 : f32 to vector<9x128x128xf32>
    %max3A_1236 = arith.maximumf %sub3A_1233, %max3A_1235 : vector<9x128x128xf32>
    %div3A_1237 = arith.divf %mul3A_1229, %max3A_1236 : vector<9x128x128xf32>
    %gt3A_1238 = arith.constant 0.699999988 : f32
    %gt3A_1239 = vector.broadcast %gt3A_1238 : f32 to vector<9x128x128xf32>
    %gt3A_1240 = arith.cmpf ogt, %div3A_1237, %gt3A_1239 : vector<9x128x128xf32>
    %concatenate3A_1241 = tpu.concatenate %mul3A_88, %mul3A_222, %mul3A_359, %mul3A_497, %mul3A_635, %mul3A_773, %mul3A_911, %mul3A_1049, %mul3A_1187 in 0 : vector<1x128xf32>, vector<1x128xf32>, vector<1x128xf32>, vector<1x128xf32>, vector<1x128xf32>, vector<1x128xf32>, vector<1x128xf32>, vector<1x128xf32>, vector<1x128xf32> -> vector<9x128xf32>
    %broadcast_in_dim3A_1242 = vector.shape_cast %concatenate3A_1241 : vector<9x128xf32> to vector<9x128x1xf32>
    %jit3A_1243 = arith.constant 0.000000e+00 : f32
    %broadcast_in_dim3A_1244 = vector.shape_cast %broadcast_in_dim3A_1242 : vector<9x128x1xf32> to vector<9x128x1xf32>
    %broadcast_in_dim3A_1245 = vector.broadcast %broadcast_in_dim3A_1244 : vector<9x128x1xf32> to vector<9x128x128xf32>
    %broadcast_in_dim3A_1246 = vector.broadcast %jit3A_1243 : f32 to vector<9x128x128xf32>
    %select_n3A_1247 = arith.select %gt3A_1240, %broadcast_in_dim3A_1245, %broadcast_in_dim3A_1246 : vector<9x128x128xi1>, vector<9x128x128xf32>
    %reduce_max3A_1248 = arith.constant dense<0xFF800000> : vector<128x128xf32>
    %reduce_max3A_1249 = vector.multi_reduction <maximumf>, %select_n3A_1247, %reduce_max3A_1248 [0] : vector<9x128x128xf32> to vector<128x128xf32>
    %reduce_max3A_1250 = arith.constant dense<0xFF800000> : vector<128xf32>
    %reduce_max3A_1251 = vector.multi_reduction <maximumf>, %reduce_max3A_1249, %reduce_max3A_1250 [0] : vector<128x128xf32> to vector<128xf32>
    %broadcast_in_dim3A_1252 = vector.shape_cast %reduce_max3A_1251 : vector<128xf32> to vector<1x128xf32>
    %sub3A_1253 = arith.constant 1.000000e+00 : f32
    %sub3A_1254 = vector.broadcast %sub3A_1253 : f32 to vector<1x128xf32>
    %sub3A_1255 = arith.subf %sub3A_1254, %broadcast_in_dim3A_1252 : vector<1x128xf32>
    %mul3A_1256 = arith.mulf %slice3A_1193, %sub3A_1255 : vector<1x128xf32>
    %transpose3A_1257 = tpu.transpose %slice3A_1188, [1, 0] : vector<1x128xf32> -> vector<128x1xf32>
    %transpose3A_1258 = tpu.transpose %slice3A_1189, [1, 0] : vector<1x128xf32> -> vector<128x1xf32>
    %transpose3A_1259 = tpu.transpose %slice3A_1190, [1, 0] : vector<1x128xf32> -> vector<128x1xf32>
    %transpose3A_1260 = tpu.transpose %slice3A_1191, [1, 0] : vector<1x128xf32> -> vector<128x1xf32>
    %transpose3A_1261 = tpu.transpose %slice3A_1192, [1, 0] : vector<1x128xf32> -> vector<128x1xf32>
    %max3A_1262 = vector.broadcast %transpose3A_1257 : vector<128x1xf32> to vector<128x128xf32>
    %max3A_1263 = vector.broadcast %slice3A_1188 : vector<1x128xf32> to vector<128x128xf32>
    %max3A_1264 = arith.maximumf %max3A_1262, %max3A_1263 : vector<128x128xf32>
    %max3A_1265 = vector.broadcast %transpose3A_1258 : vector<128x1xf32> to vector<128x128xf32>
    %max3A_1266 = vector.broadcast %slice3A_1189 : vector<1x128xf32> to vector<128x128xf32>
    %max3A_1267 = arith.maximumf %max3A_1265, %max3A_1266 : vector<128x128xf32>
    %min3A_1268 = vector.broadcast %transpose3A_1259 : vector<128x1xf32> to vector<128x128xf32>
    %min3A_1269 = vector.broadcast %slice3A_1190 : vector<1x128xf32> to vector<128x128xf32>
    %min3A_1270 = arith.minimumf %min3A_1268, %min3A_1269 : vector<128x128xf32>
    %min3A_1271 = vector.broadcast %transpose3A_1260 : vector<128x1xf32> to vector<128x128xf32>
    %min3A_1272 = vector.broadcast %slice3A_1191 : vector<1x128xf32> to vector<128x128xf32>
    %min3A_1273 = arith.minimumf %min3A_1271, %min3A_1272 : vector<128x128xf32>
    %sub3A_1274 = arith.subf %min3A_1270, %max3A_1264 : vector<128x128xf32>
    %max3A_1275 = arith.constant 0.000000e+00 : f32
    %max3A_1276 = vector.broadcast %max3A_1275 : f32 to vector<128x128xf32>
    %max3A_1277 = arith.maximumf %sub3A_1274, %max3A_1276 : vector<128x128xf32>
    %sub3A_1278 = arith.subf %min3A_1273, %max3A_1267 : vector<128x128xf32>
    %max3A_1279 = arith.constant 0.000000e+00 : f32
    %max3A_1280 = vector.broadcast %max3A_1279 : f32 to vector<128x128xf32>
    %max3A_1281 = arith.maximumf %sub3A_1278, %max3A_1280 : vector<128x128xf32>
    %mul3A_1282 = arith.mulf %max3A_1277, %max3A_1281 : vector<128x128xf32>
    %add3A_1283 = vector.broadcast %transpose3A_1261 : vector<128x1xf32> to vector<128x128xf32>
    %add3A_1284 = vector.broadcast %slice3A_1192 : vector<1x128xf32> to vector<128x128xf32>
    %add3A_1285 = arith.addf %add3A_1283, %add3A_1284 : vector<128x128xf32>
    %sub3A_1286 = arith.subf %add3A_1285, %mul3A_1282 : vector<128x128xf32>
    %max3A_1287 = arith.constant 9.99999993E-9 : f32
    %max3A_1288 = vector.broadcast %max3A_1287 : f32 to vector<128x128xf32>
    %max3A_1289 = arith.maximumf %sub3A_1286, %max3A_1288 : vector<128x128xf32>
    %div3A_1290 = arith.divf %mul3A_1282, %max3A_1289 : vector<128x128xf32>
    %gt3A_1291 = arith.constant 0.699999988 : f32
    %gt3A_1292 = vector.broadcast %gt3A_1291 : f32 to vector<128x128xf32>
    %gt3A_1293 = arith.cmpf ogt, %div3A_1290, %gt3A_1292 : vector<128x128xf32>
    %convert_element_type3A_1294 = arith.extui %gt3A_1293 : vector<128x128xi1> to vector<128x128xi32>
    %convert_element_type3A_1295 = arith.sitofp %convert_element_type3A_1294 : vector<128x128xi32> to vector<128x128xf32>
    %mul3A_1296 = arith.mulf %convert_element_type3A_1295, %convert_element_type3A_22 : vector<128x128xf32>
    %mul3A_1297 = vector.broadcast %mul3A_1256 : vector<1x128xf32> to vector<128x128xf32>
    %mul3A_1298 = arith.mulf %mul3A_1296, %mul3A_1297 : vector<128x128xf32>
    %transpose3A_1299 = tpu.transpose %mul3A_1256, [1, 0] : vector<1x128xf32> -> vector<128x1xf32>
    %mul3A_1300 = vector.broadcast %transpose3A_1299 : vector<128x1xf32> to vector<128x128xf32>
    %mul3A_1301 = arith.mulf %mul3A_1298, %mul3A_1300 : vector<128x128xf32>
    %broadcast_in_dim3A_1302 = arith.constant 0.000000e+00 : f32
    %broadcast_in_dim3A_1303 = vector.broadcast %broadcast_in_dim3A_1302 : f32 to vector<1x128xf32>
    %reduce_sum3A_1304 = vector.shape_cast %mul3A_1301 : vector<128x128xf32> to vector<1x128x128xf32>
    %reduce_sum3A_1305 = arith.constant dense<0.000000e+00> : vector<1xf32>
    %reduce_sum3A_1306 = vector.multi_reduction <add>, %reduce_sum3A_1304, %reduce_sum3A_1305 [1, 2] : vector<1x128x128xf32> to vector<1xf32>
    %reduce_sum3A_1307 = vector.shape_cast %reduce_sum3A_1306 : vector<1xf32> to vector<1x1x1xf32>
    %reduce_sum3A_1308 = vector.extract %reduce_sum3A_1307[0, 0, 0] : f32 from vector<1x1x1xf32>
    %gt3A_1309 = arith.constant 0.000000e+00 : f32
    %gt3A_1310 = arith.cmpf ogt, %reduce_sum3A_1308, %gt3A_1309 : f32
    %while3A_1311:2 = scf.while (%while3A_2473 = %broadcast_in_dim3A_1303, %while3A_2474 = %gt3A_1310) : (vector<1x128xf32>, i1) -> (vector<1x128xf32>, i1) {
      scf.condition(%while3A_2474) %while3A_2473, %while3A_2474 : vector<1x128xf32>, i1
    } do {
    ^bb0(%while3A_2473: vector<1x128xf32>, %while3A_2474: i1):
      %sub3A_2475 = arith.constant 1.000000e+00 : f32
      %sub3A_2476 = vector.broadcast %sub3A_2475 : f32 to vector<1x128xf32>
      %sub3A_2477 = arith.subf %sub3A_2476, %while3A_2473 : vector<1x128xf32>
      %dot_general3A_2478 = arith.constant dense<0.000000e+00> : vector<1x128xf32>
      %dot_general3A_2479 = tpu.matmul %sub3A_2477, %mul3A_1301, %dot_general3A_2478 {dimension_numbers = #tpu.dot_dimension_numbers<[1], [0], [0], [1], [0, 0, 1, 1], [], []>, transpose_lhs_hint = false} : vector<1x128xf32>, vector<128x128xf32>, vector<1x128xf32> -> vector<1x128xf32>
      %eq3A_2480 = arith.constant 0.000000e+00 : f32
      %eq3A_2481 = vector.broadcast %eq3A_2480 : f32 to vector<1x128xf32>
      %eq3A_2482 = arith.cmpf oeq, %dot_general3A_2479, %eq3A_2481 : vector<1x128xf32>
      %convert_element_type3A_2483 = arith.extui %eq3A_2482 : vector<1x128xi1> to vector<1x128xi32>
      %convert_element_type3A_2484 = arith.sitofp %convert_element_type3A_2483 : vector<1x128xi32> to vector<1x128xf32>
      %dot_general3A_2485 = arith.constant dense<0.000000e+00> : vector<1x128xf32>
      %dot_general3A_2486 = tpu.matmul %convert_element_type3A_2484, %mul3A_1301, %dot_general3A_2485 {dimension_numbers = #tpu.dot_dimension_numbers<[1], [0], [0], [1], [0, 0, 1, 1], [], []>, transpose_lhs_hint = false} : vector<1x128xf32>, vector<128x128xf32>, vector<1x128xf32> -> vector<1x128xf32>
      %gt3A_2487 = arith.constant 0.000000e+00 : f32
      %gt3A_2488 = vector.broadcast %gt3A_2487 : f32 to vector<1x128xf32>
      %gt3A_2489 = arith.cmpf ogt, %dot_general3A_2486, %gt3A_2488 : vector<1x128xf32>
      %convert_element_type3A_2490 = arith.extui %gt3A_2489 : vector<1x128xi1> to vector<1x128xi32>
      %convert_element_type3A_2491 = arith.sitofp %convert_element_type3A_2490 : vector<1x128xi32> to vector<1x128xf32>
      %max3A_2492 = arith.maximumf %while3A_2473, %convert_element_type3A_2491 : vector<1x128xf32>
      %reduce_sum3A_2493 = vector.shape_cast %max3A_2492 : vector<1x128xf32> to vector<1x1x128xf32>
      %reduce_sum3A_2494 = arith.constant dense<0.000000e+00> : vector<1xf32>
      %reduce_sum3A_2495 = vector.multi_reduction <add>, %reduce_sum3A_2493, %reduce_sum3A_2494 [1, 2] : vector<1x1x128xf32> to vector<1xf32>
      %reduce_sum3A_2496 = vector.shape_cast %reduce_sum3A_2495 : vector<1xf32> to vector<1x1x1xf32>
      %reduce_sum3A_2497 = vector.extract %reduce_sum3A_2496[0, 0, 0] : f32 from vector<1x1x1xf32>
      %reduce_sum3A_2498 = vector.shape_cast %while3A_2473 : vector<1x128xf32> to vector<1x1x128xf32>
      %reduce_sum3A_2499 = arith.constant dense<0.000000e+00> : vector<1xf32>
      %reduce_sum3A_2500 = vector.multi_reduction <add>, %reduce_sum3A_2498, %reduce_sum3A_2499 [1, 2] : vector<1x1x128xf32> to vector<1xf32>
      %reduce_sum3A_2501 = vector.shape_cast %reduce_sum3A_2500 : vector<1xf32> to vector<1x1x1xf32>
      %reduce_sum3A_2502 = vector.extract %reduce_sum3A_2501[0, 0, 0] : f32 from vector<1x1x1xf32>
      %gt3A_2503 = arith.cmpf ogt, %reduce_sum3A_2497, %reduce_sum3A_2502 : f32
      scf.yield %max3A_2492, %gt3A_2503 : vector<1x128xf32>, i1
    }
    %sub3A_1312 = arith.constant 1.000000e+00 : f32
    %sub3A_1313 = vector.broadcast %sub3A_1312 : f32 to vector<1x128xf32>
    %sub3A_1314 = arith.subf %sub3A_1313, %while3A_1311#0 : vector<1x128xf32>
    %dot_general3A_1315 = arith.constant dense<0.000000e+00> : vector<1x128xf32>
    %dot_general3A_1316 = tpu.matmul %sub3A_1314, %mul3A_1301, %dot_general3A_1315 {dimension_numbers = #tpu.dot_dimension_numbers<[1], [0], [0], [1], [0, 0, 1, 1], [], []>, transpose_lhs_hint = false} : vector<1x128xf32>, vector<128x128xf32>, vector<1x128xf32> -> vector<1x128xf32>
    %gt3A_1317 = arith.constant 0.000000e+00 : f32
    %gt3A_1318 = vector.broadcast %gt3A_1317 : f32 to vector<1x128xf32>
    %gt3A_1319 = arith.cmpf ogt, %dot_general3A_1316, %gt3A_1318 : vector<1x128xf32>
    %convert_element_type3A_1320 = arith.extui %gt3A_1319 : vector<1x128xi1> to vector<1x128xi32>
    %convert_element_type3A_1321 = arith.sitofp %convert_element_type3A_1320 : vector<1x128xi32> to vector<1x128xf32>
    %sub3A_1322 = arith.constant 1.000000e+00 : f32
    %sub3A_1323 = vector.broadcast %sub3A_1322 : f32 to vector<1x128xf32>
    %sub3A_1324 = arith.subf %sub3A_1323, %convert_element_type3A_1321 : vector<1x128xf32>
    %mul3A_1325 = arith.mulf %mul3A_1256, %sub3A_1324 : vector<1x128xf32>
    %slice3A_1326 = vector.extract_strided_slice %squeeze3A {offsets = [10, 0], sizes = [1, 128], strides = [1, 1]} : vector<16x128xf32> to vector<1x128xf32>
    %slice3A_1327 = vector.extract_strided_slice %squeeze3A_11 {offsets = [10, 0], sizes = [1, 128], strides = [1, 1]} : vector<16x128xf32> to vector<1x128xf32>
    %slice3A_1328 = vector.extract_strided_slice %squeeze3A_13 {offsets = [10, 0], sizes = [1, 128], strides = [1, 1]} : vector<16x128xf32> to vector<1x128xf32>
    %slice3A_1329 = vector.extract_strided_slice %squeeze3A_15 {offsets = [10, 0], sizes = [1, 128], strides = [1, 1]} : vector<16x128xf32> to vector<1x128xf32>
    %slice3A_1330 = vector.extract_strided_slice %mul3A {offsets = [10, 0], sizes = [1, 128], strides = [1, 1]} : vector<16x128xf32> to vector<1x128xf32>
    %slice3A_1331 = vector.extract_strided_slice %convert_element_type3A_19 {offsets = [10, 0], sizes = [1, 128], strides = [1, 1]} : vector<16x128xf32> to vector<1x128xf32>
    %slice3A_1332 = vector.extract_strided_slice %squeeze3A {offsets = [0, 0], sizes = [10, 128], strides = [1, 1]} : vector<16x128xf32> to vector<10x128xf32>
    %broadcast_in_dim3A_1333 = vector.shape_cast %slice3A_1332 : vector<10x128xf32> to vector<10x128x1xf32>
    %slice3A_1334 = vector.extract_strided_slice %squeeze3A_11 {offsets = [0, 0], sizes = [10, 128], strides = [1, 1]} : vector<16x128xf32> to vector<10x128xf32>
    %broadcast_in_dim3A_1335 = vector.shape_cast %slice3A_1334 : vector<10x128xf32> to vector<10x128x1xf32>
    %slice3A_1336 = vector.extract_strided_slice %squeeze3A_13 {offsets = [0, 0], sizes = [10, 128], strides = [1, 1]} : vector<16x128xf32> to vector<10x128xf32>
    %broadcast_in_dim3A_1337 = vector.shape_cast %slice3A_1336 : vector<10x128xf32> to vector<10x128x1xf32>
    %slice3A_1338 = vector.extract_strided_slice %squeeze3A_15 {offsets = [0, 0], sizes = [10, 128], strides = [1, 1]} : vector<16x128xf32> to vector<10x128xf32>
    %broadcast_in_dim3A_1339 = vector.shape_cast %slice3A_1338 : vector<10x128xf32> to vector<10x128x1xf32>
    %slice3A_1340 = vector.extract_strided_slice %mul3A {offsets = [0, 0], sizes = [10, 128], strides = [1, 1]} : vector<16x128xf32> to vector<10x128xf32>
    %broadcast_in_dim3A_1341 = vector.shape_cast %slice3A_1340 : vector<10x128xf32> to vector<10x128x1xf32>
    %broadcast_in_dim3A_1342 = vector.shape_cast %slice3A_1326 : vector<1x128xf32> to vector<1x1x128xf32>
    %broadcast_in_dim3A_1343 = vector.shape_cast %slice3A_1327 : vector<1x128xf32> to vector<1x1x128xf32>
    %broadcast_in_dim3A_1344 = vector.shape_cast %slice3A_1328 : vector<1x128xf32> to vector<1x1x128xf32>
    %broadcast_in_dim3A_1345 = vector.shape_cast %slice3A_1329 : vector<1x128xf32> to vector<1x1x128xf32>
    %broadcast_in_dim3A_1346 = vector.shape_cast %slice3A_1330 : vector<1x128xf32> to vector<1x1x128xf32>
    %max3A_1347 = vector.broadcast %broadcast_in_dim3A_1333 : vector<10x128x1xf32> to vector<10x128x128xf32>
    %max3A_1348 = vector.broadcast %broadcast_in_dim3A_1342 : vector<1x1x128xf32> to vector<10x128x128xf32>
    %max3A_1349 = arith.maximumf %max3A_1347, %max3A_1348 : vector<10x128x128xf32>
    %max3A_1350 = vector.broadcast %broadcast_in_dim3A_1335 : vector<10x128x1xf32> to vector<10x128x128xf32>
    %max3A_1351 = vector.broadcast %broadcast_in_dim3A_1343 : vector<1x1x128xf32> to vector<10x128x128xf32>
    %max3A_1352 = arith.maximumf %max3A_1350, %max3A_1351 : vector<10x128x128xf32>
    %min3A_1353 = vector.broadcast %broadcast_in_dim3A_1337 : vector<10x128x1xf32> to vector<10x128x128xf32>
    %min3A_1354 = vector.broadcast %broadcast_in_dim3A_1344 : vector<1x1x128xf32> to vector<10x128x128xf32>
    %min3A_1355 = arith.minimumf %min3A_1353, %min3A_1354 : vector<10x128x128xf32>
    %min3A_1356 = vector.broadcast %broadcast_in_dim3A_1339 : vector<10x128x1xf32> to vector<10x128x128xf32>
    %min3A_1357 = vector.broadcast %broadcast_in_dim3A_1345 : vector<1x1x128xf32> to vector<10x128x128xf32>
    %min3A_1358 = arith.minimumf %min3A_1356, %min3A_1357 : vector<10x128x128xf32>
    %sub3A_1359 = arith.subf %min3A_1355, %max3A_1349 : vector<10x128x128xf32>
    %max3A_1360 = arith.constant 0.000000e+00 : f32
    %max3A_1361 = vector.broadcast %max3A_1360 : f32 to vector<10x128x128xf32>
    %max3A_1362 = arith.maximumf %sub3A_1359, %max3A_1361 : vector<10x128x128xf32>
    %sub3A_1363 = arith.subf %min3A_1358, %max3A_1352 : vector<10x128x128xf32>
    %max3A_1364 = arith.constant 0.000000e+00 : f32
    %max3A_1365 = vector.broadcast %max3A_1364 : f32 to vector<10x128x128xf32>
    %max3A_1366 = arith.maximumf %sub3A_1363, %max3A_1365 : vector<10x128x128xf32>
    %mul3A_1367 = arith.mulf %max3A_1362, %max3A_1366 : vector<10x128x128xf32>
    %add3A_1368 = vector.broadcast %broadcast_in_dim3A_1341 : vector<10x128x1xf32> to vector<10x128x128xf32>
    %add3A_1369 = vector.broadcast %broadcast_in_dim3A_1346 : vector<1x1x128xf32> to vector<10x128x128xf32>
    %add3A_1370 = arith.addf %add3A_1368, %add3A_1369 : vector<10x128x128xf32>
    %sub3A_1371 = arith.subf %add3A_1370, %mul3A_1367 : vector<10x128x128xf32>
    %max3A_1372 = arith.constant 9.99999993E-9 : f32
    %max3A_1373 = vector.broadcast %max3A_1372 : f32 to vector<10x128x128xf32>
    %max3A_1374 = arith.maximumf %sub3A_1371, %max3A_1373 : vector<10x128x128xf32>
    %div3A_1375 = arith.divf %mul3A_1367, %max3A_1374 : vector<10x128x128xf32>
    %gt3A_1376 = arith.constant 0.699999988 : f32
    %gt3A_1377 = vector.broadcast %gt3A_1376 : f32 to vector<10x128x128xf32>
    %gt3A_1378 = arith.cmpf ogt, %div3A_1375, %gt3A_1377 : vector<10x128x128xf32>
    %concatenate3A_1379 = tpu.concatenate %mul3A_88, %mul3A_222, %mul3A_359, %mul3A_497, %mul3A_635, %mul3A_773, %mul3A_911, %mul3A_1049, %mul3A_1187, %mul3A_1325 in 0 : vector<1x128xf32>, vector<1x128xf32>, vector<1x128xf32>, vector<1x128xf32>, vector<1x128xf32>, vector<1x128xf32>, vector<1x128xf32>, vector<1x128xf32>, vector<1x128xf32>, vector<1x128xf32> -> vector<10x128xf32>
    %broadcast_in_dim3A_1380 = vector.shape_cast %concatenate3A_1379 : vector<10x128xf32> to vector<10x128x1xf32>
    %jit3A_1381 = arith.constant 0.000000e+00 : f32
    %broadcast_in_dim3A_1382 = vector.shape_cast %broadcast_in_dim3A_1380 : vector<10x128x1xf32> to vector<10x128x1xf32>
    %broadcast_in_dim3A_1383 = vector.broadcast %broadcast_in_dim3A_1382 : vector<10x128x1xf32> to vector<10x128x128xf32>
    %broadcast_in_dim3A_1384 = vector.broadcast %jit3A_1381 : f32 to vector<10x128x128xf32>
    %select_n3A_1385 = arith.select %gt3A_1378, %broadcast_in_dim3A_1383, %broadcast_in_dim3A_1384 : vector<10x128x128xi1>, vector<10x128x128xf32>
    %reduce_max3A_1386 = arith.constant dense<0xFF800000> : vector<128x128xf32>
    %reduce_max3A_1387 = vector.multi_reduction <maximumf>, %select_n3A_1385, %reduce_max3A_1386 [0] : vector<10x128x128xf32> to vector<128x128xf32>
    %reduce_max3A_1388 = arith.constant dense<0xFF800000> : vector<128xf32>
    %reduce_max3A_1389 = vector.multi_reduction <maximumf>, %reduce_max3A_1387, %reduce_max3A_1388 [0] : vector<128x128xf32> to vector<128xf32>
    %broadcast_in_dim3A_1390 = vector.shape_cast %reduce_max3A_1389 : vector<128xf32> to vector<1x128xf32>
    %sub3A_1391 = arith.constant 1.000000e+00 : f32
    %sub3A_1392 = vector.broadcast %sub3A_1391 : f32 to vector<1x128xf32>
    %sub3A_1393 = arith.subf %sub3A_1392, %broadcast_in_dim3A_1390 : vector<1x128xf32>
    %mul3A_1394 = arith.mulf %slice3A_1331, %sub3A_1393 : vector<1x128xf32>
    %transpose3A_1395 = tpu.transpose %slice3A_1326, [1, 0] : vector<1x128xf32> -> vector<128x1xf32>
    %transpose3A_1396 = tpu.transpose %slice3A_1327, [1, 0] : vector<1x128xf32> -> vector<128x1xf32>
    %transpose3A_1397 = tpu.transpose %slice3A_1328, [1, 0] : vector<1x128xf32> -> vector<128x1xf32>
    %transpose3A_1398 = tpu.transpose %slice3A_1329, [1, 0] : vector<1x128xf32> -> vector<128x1xf32>
    %transpose3A_1399 = tpu.transpose %slice3A_1330, [1, 0] : vector<1x128xf32> -> vector<128x1xf32>
    %max3A_1400 = vector.broadcast %transpose3A_1395 : vector<128x1xf32> to vector<128x128xf32>
    %max3A_1401 = vector.broadcast %slice3A_1326 : vector<1x128xf32> to vector<128x128xf32>
    %max3A_1402 = arith.maximumf %max3A_1400, %max3A_1401 : vector<128x128xf32>
    %max3A_1403 = vector.broadcast %transpose3A_1396 : vector<128x1xf32> to vector<128x128xf32>
    %max3A_1404 = vector.broadcast %slice3A_1327 : vector<1x128xf32> to vector<128x128xf32>
    %max3A_1405 = arith.maximumf %max3A_1403, %max3A_1404 : vector<128x128xf32>
    %min3A_1406 = vector.broadcast %transpose3A_1397 : vector<128x1xf32> to vector<128x128xf32>
    %min3A_1407 = vector.broadcast %slice3A_1328 : vector<1x128xf32> to vector<128x128xf32>
    %min3A_1408 = arith.minimumf %min3A_1406, %min3A_1407 : vector<128x128xf32>
    %min3A_1409 = vector.broadcast %transpose3A_1398 : vector<128x1xf32> to vector<128x128xf32>
    %min3A_1410 = vector.broadcast %slice3A_1329 : vector<1x128xf32> to vector<128x128xf32>
    %min3A_1411 = arith.minimumf %min3A_1409, %min3A_1410 : vector<128x128xf32>
    %sub3A_1412 = arith.subf %min3A_1408, %max3A_1402 : vector<128x128xf32>
    %max3A_1413 = arith.constant 0.000000e+00 : f32
    %max3A_1414 = vector.broadcast %max3A_1413 : f32 to vector<128x128xf32>
    %max3A_1415 = arith.maximumf %sub3A_1412, %max3A_1414 : vector<128x128xf32>
    %sub3A_1416 = arith.subf %min3A_1411, %max3A_1405 : vector<128x128xf32>
    %max3A_1417 = arith.constant 0.000000e+00 : f32
    %max3A_1418 = vector.broadcast %max3A_1417 : f32 to vector<128x128xf32>
    %max3A_1419 = arith.maximumf %sub3A_1416, %max3A_1418 : vector<128x128xf32>
    %mul3A_1420 = arith.mulf %max3A_1415, %max3A_1419 : vector<128x128xf32>
    %add3A_1421 = vector.broadcast %transpose3A_1399 : vector<128x1xf32> to vector<128x128xf32>
    %add3A_1422 = vector.broadcast %slice3A_1330 : vector<1x128xf32> to vector<128x128xf32>
    %add3A_1423 = arith.addf %add3A_1421, %add3A_1422 : vector<128x128xf32>
    %sub3A_1424 = arith.subf %add3A_1423, %mul3A_1420 : vector<128x128xf32>
    %max3A_1425 = arith.constant 9.99999993E-9 : f32
    %max3A_1426 = vector.broadcast %max3A_1425 : f32 to vector<128x128xf32>
    %max3A_1427 = arith.maximumf %sub3A_1424, %max3A_1426 : vector<128x128xf32>
    %div3A_1428 = arith.divf %mul3A_1420, %max3A_1427 : vector<128x128xf32>
    %gt3A_1429 = arith.constant 0.699999988 : f32
    %gt3A_1430 = vector.broadcast %gt3A_1429 : f32 to vector<128x128xf32>
    %gt3A_1431 = arith.cmpf ogt, %div3A_1428, %gt3A_1430 : vector<128x128xf32>
    %convert_element_type3A_1432 = arith.extui %gt3A_1431 : vector<128x128xi1> to vector<128x128xi32>
    %convert_element_type3A_1433 = arith.sitofp %convert_element_type3A_1432 : vector<128x128xi32> to vector<128x128xf32>
    %mul3A_1434 = arith.mulf %convert_element_type3A_1433, %convert_element_type3A_22 : vector<128x128xf32>
    %mul3A_1435 = vector.broadcast %mul3A_1394 : vector<1x128xf32> to vector<128x128xf32>
    %mul3A_1436 = arith.mulf %mul3A_1434, %mul3A_1435 : vector<128x128xf32>
    %transpose3A_1437 = tpu.transpose %mul3A_1394, [1, 0] : vector<1x128xf32> -> vector<128x1xf32>
    %mul3A_1438 = vector.broadcast %transpose3A_1437 : vector<128x1xf32> to vector<128x128xf32>
    %mul3A_1439 = arith.mulf %mul3A_1436, %mul3A_1438 : vector<128x128xf32>
    %broadcast_in_dim3A_1440 = arith.constant 0.000000e+00 : f32
    %broadcast_in_dim3A_1441 = vector.broadcast %broadcast_in_dim3A_1440 : f32 to vector<1x128xf32>
    %reduce_sum3A_1442 = vector.shape_cast %mul3A_1439 : vector<128x128xf32> to vector<1x128x128xf32>
    %reduce_sum3A_1443 = arith.constant dense<0.000000e+00> : vector<1xf32>
    %reduce_sum3A_1444 = vector.multi_reduction <add>, %reduce_sum3A_1442, %reduce_sum3A_1443 [1, 2] : vector<1x128x128xf32> to vector<1xf32>
    %reduce_sum3A_1445 = vector.shape_cast %reduce_sum3A_1444 : vector<1xf32> to vector<1x1x1xf32>
    %reduce_sum3A_1446 = vector.extract %reduce_sum3A_1445[0, 0, 0] : f32 from vector<1x1x1xf32>
    %gt3A_1447 = arith.constant 0.000000e+00 : f32
    %gt3A_1448 = arith.cmpf ogt, %reduce_sum3A_1446, %gt3A_1447 : f32
    %while3A_1449:2 = scf.while (%while3A_2473 = %broadcast_in_dim3A_1441, %while3A_2474 = %gt3A_1448) : (vector<1x128xf32>, i1) -> (vector<1x128xf32>, i1) {
      scf.condition(%while3A_2474) %while3A_2473, %while3A_2474 : vector<1x128xf32>, i1
    } do {
    ^bb0(%while3A_2473: vector<1x128xf32>, %while3A_2474: i1):
      %sub3A_2475 = arith.constant 1.000000e+00 : f32
      %sub3A_2476 = vector.broadcast %sub3A_2475 : f32 to vector<1x128xf32>
      %sub3A_2477 = arith.subf %sub3A_2476, %while3A_2473 : vector<1x128xf32>
      %dot_general3A_2478 = arith.constant dense<0.000000e+00> : vector<1x128xf32>
      %dot_general3A_2479 = tpu.matmul %sub3A_2477, %mul3A_1439, %dot_general3A_2478 {dimension_numbers = #tpu.dot_dimension_numbers<[1], [0], [0], [1], [0, 0, 1, 1], [], []>, transpose_lhs_hint = false} : vector<1x128xf32>, vector<128x128xf32>, vector<1x128xf32> -> vector<1x128xf32>
      %eq3A_2480 = arith.constant 0.000000e+00 : f32
      %eq3A_2481 = vector.broadcast %eq3A_2480 : f32 to vector<1x128xf32>
      %eq3A_2482 = arith.cmpf oeq, %dot_general3A_2479, %eq3A_2481 : vector<1x128xf32>
      %convert_element_type3A_2483 = arith.extui %eq3A_2482 : vector<1x128xi1> to vector<1x128xi32>
      %convert_element_type3A_2484 = arith.sitofp %convert_element_type3A_2483 : vector<1x128xi32> to vector<1x128xf32>
      %dot_general3A_2485 = arith.constant dense<0.000000e+00> : vector<1x128xf32>
      %dot_general3A_2486 = tpu.matmul %convert_element_type3A_2484, %mul3A_1439, %dot_general3A_2485 {dimension_numbers = #tpu.dot_dimension_numbers<[1], [0], [0], [1], [0, 0, 1, 1], [], []>, transpose_lhs_hint = false} : vector<1x128xf32>, vector<128x128xf32>, vector<1x128xf32> -> vector<1x128xf32>
      %gt3A_2487 = arith.constant 0.000000e+00 : f32
      %gt3A_2488 = vector.broadcast %gt3A_2487 : f32 to vector<1x128xf32>
      %gt3A_2489 = arith.cmpf ogt, %dot_general3A_2486, %gt3A_2488 : vector<1x128xf32>
      %convert_element_type3A_2490 = arith.extui %gt3A_2489 : vector<1x128xi1> to vector<1x128xi32>
      %convert_element_type3A_2491 = arith.sitofp %convert_element_type3A_2490 : vector<1x128xi32> to vector<1x128xf32>
      %max3A_2492 = arith.maximumf %while3A_2473, %convert_element_type3A_2491 : vector<1x128xf32>
      %reduce_sum3A_2493 = vector.shape_cast %max3A_2492 : vector<1x128xf32> to vector<1x1x128xf32>
      %reduce_sum3A_2494 = arith.constant dense<0.000000e+00> : vector<1xf32>
      %reduce_sum3A_2495 = vector.multi_reduction <add>, %reduce_sum3A_2493, %reduce_sum3A_2494 [1, 2] : vector<1x1x128xf32> to vector<1xf32>
      %reduce_sum3A_2496 = vector.shape_cast %reduce_sum3A_2495 : vector<1xf32> to vector<1x1x1xf32>
      %reduce_sum3A_2497 = vector.extract %reduce_sum3A_2496[0, 0, 0] : f32 from vector<1x1x1xf32>
      %reduce_sum3A_2498 = vector.shape_cast %while3A_2473 : vector<1x128xf32> to vector<1x1x128xf32>
      %reduce_sum3A_2499 = arith.constant dense<0.000000e+00> : vector<1xf32>
      %reduce_sum3A_2500 = vector.multi_reduction <add>, %reduce_sum3A_2498, %reduce_sum3A_2499 [1, 2] : vector<1x1x128xf32> to vector<1xf32>
      %reduce_sum3A_2501 = vector.shape_cast %reduce_sum3A_2500 : vector<1xf32> to vector<1x1x1xf32>
      %reduce_sum3A_2502 = vector.extract %reduce_sum3A_2501[0, 0, 0] : f32 from vector<1x1x1xf32>
      %gt3A_2503 = arith.cmpf ogt, %reduce_sum3A_2497, %reduce_sum3A_2502 : f32
      scf.yield %max3A_2492, %gt3A_2503 : vector<1x128xf32>, i1
    }
    %sub3A_1450 = arith.constant 1.000000e+00 : f32
    %sub3A_1451 = vector.broadcast %sub3A_1450 : f32 to vector<1x128xf32>
    %sub3A_1452 = arith.subf %sub3A_1451, %while3A_1449#0 : vector<1x128xf32>
    %dot_general3A_1453 = arith.constant dense<0.000000e+00> : vector<1x128xf32>
    %dot_general3A_1454 = tpu.matmul %sub3A_1452, %mul3A_1439, %dot_general3A_1453 {dimension_numbers = #tpu.dot_dimension_numbers<[1], [0], [0], [1], [0, 0, 1, 1], [], []>, transpose_lhs_hint = false} : vector<1x128xf32>, vector<128x128xf32>, vector<1x128xf32> -> vector<1x128xf32>
    %gt3A_1455 = arith.constant 0.000000e+00 : f32
    %gt3A_1456 = vector.broadcast %gt3A_1455 : f32 to vector<1x128xf32>
    %gt3A_1457 = arith.cmpf ogt, %dot_general3A_1454, %gt3A_1456 : vector<1x128xf32>
    %convert_element_type3A_1458 = arith.extui %gt3A_1457 : vector<1x128xi1> to vector<1x128xi32>
    %convert_element_type3A_1459 = arith.sitofp %convert_element_type3A_1458 : vector<1x128xi32> to vector<1x128xf32>
    %sub3A_1460 = arith.constant 1.000000e+00 : f32
    %sub3A_1461 = vector.broadcast %sub3A_1460 : f32 to vector<1x128xf32>
    %sub3A_1462 = arith.subf %sub3A_1461, %convert_element_type3A_1459 : vector<1x128xf32>
    %mul3A_1463 = arith.mulf %mul3A_1394, %sub3A_1462 : vector<1x128xf32>
    %slice3A_1464 = vector.extract_strided_slice %squeeze3A {offsets = [11, 0], sizes = [1, 128], strides = [1, 1]} : vector<16x128xf32> to vector<1x128xf32>
    %slice3A_1465 = vector.extract_strided_slice %squeeze3A_11 {offsets = [11, 0], sizes = [1, 128], strides = [1, 1]} : vector<16x128xf32> to vector<1x128xf32>
    %slice3A_1466 = vector.extract_strided_slice %squeeze3A_13 {offsets = [11, 0], sizes = [1, 128], strides = [1, 1]} : vector<16x128xf32> to vector<1x128xf32>
    %slice3A_1467 = vector.extract_strided_slice %squeeze3A_15 {offsets = [11, 0], sizes = [1, 128], strides = [1, 1]} : vector<16x128xf32> to vector<1x128xf32>
    %slice3A_1468 = vector.extract_strided_slice %mul3A {offsets = [11, 0], sizes = [1, 128], strides = [1, 1]} : vector<16x128xf32> to vector<1x128xf32>
    %slice3A_1469 = vector.extract_strided_slice %convert_element_type3A_19 {offsets = [11, 0], sizes = [1, 128], strides = [1, 1]} : vector<16x128xf32> to vector<1x128xf32>
    %slice3A_1470 = vector.extract_strided_slice %squeeze3A {offsets = [0, 0], sizes = [11, 128], strides = [1, 1]} : vector<16x128xf32> to vector<11x128xf32>
    %broadcast_in_dim3A_1471 = vector.shape_cast %slice3A_1470 : vector<11x128xf32> to vector<11x128x1xf32>
    %slice3A_1472 = vector.extract_strided_slice %squeeze3A_11 {offsets = [0, 0], sizes = [11, 128], strides = [1, 1]} : vector<16x128xf32> to vector<11x128xf32>
    %broadcast_in_dim3A_1473 = vector.shape_cast %slice3A_1472 : vector<11x128xf32> to vector<11x128x1xf32>
    %slice3A_1474 = vector.extract_strided_slice %squeeze3A_13 {offsets = [0, 0], sizes = [11, 128], strides = [1, 1]} : vector<16x128xf32> to vector<11x128xf32>
    %broadcast_in_dim3A_1475 = vector.shape_cast %slice3A_1474 : vector<11x128xf32> to vector<11x128x1xf32>
    %slice3A_1476 = vector.extract_strided_slice %squeeze3A_15 {offsets = [0, 0], sizes = [11, 128], strides = [1, 1]} : vector<16x128xf32> to vector<11x128xf32>
    %broadcast_in_dim3A_1477 = vector.shape_cast %slice3A_1476 : vector<11x128xf32> to vector<11x128x1xf32>
    %slice3A_1478 = vector.extract_strided_slice %mul3A {offsets = [0, 0], sizes = [11, 128], strides = [1, 1]} : vector<16x128xf32> to vector<11x128xf32>
    %broadcast_in_dim3A_1479 = vector.shape_cast %slice3A_1478 : vector<11x128xf32> to vector<11x128x1xf32>
    %broadcast_in_dim3A_1480 = vector.shape_cast %slice3A_1464 : vector<1x128xf32> to vector<1x1x128xf32>
    %broadcast_in_dim3A_1481 = vector.shape_cast %slice3A_1465 : vector<1x128xf32> to vector<1x1x128xf32>
    %broadcast_in_dim3A_1482 = vector.shape_cast %slice3A_1466 : vector<1x128xf32> to vector<1x1x128xf32>
    %broadcast_in_dim3A_1483 = vector.shape_cast %slice3A_1467 : vector<1x128xf32> to vector<1x1x128xf32>
    %broadcast_in_dim3A_1484 = vector.shape_cast %slice3A_1468 : vector<1x128xf32> to vector<1x1x128xf32>
    %max3A_1485 = vector.broadcast %broadcast_in_dim3A_1471 : vector<11x128x1xf32> to vector<11x128x128xf32>
    %max3A_1486 = vector.broadcast %broadcast_in_dim3A_1480 : vector<1x1x128xf32> to vector<11x128x128xf32>
    %max3A_1487 = arith.maximumf %max3A_1485, %max3A_1486 : vector<11x128x128xf32>
    %max3A_1488 = vector.broadcast %broadcast_in_dim3A_1473 : vector<11x128x1xf32> to vector<11x128x128xf32>
    %max3A_1489 = vector.broadcast %broadcast_in_dim3A_1481 : vector<1x1x128xf32> to vector<11x128x128xf32>
    %max3A_1490 = arith.maximumf %max3A_1488, %max3A_1489 : vector<11x128x128xf32>
    %min3A_1491 = vector.broadcast %broadcast_in_dim3A_1475 : vector<11x128x1xf32> to vector<11x128x128xf32>
    %min3A_1492 = vector.broadcast %broadcast_in_dim3A_1482 : vector<1x1x128xf32> to vector<11x128x128xf32>
    %min3A_1493 = arith.minimumf %min3A_1491, %min3A_1492 : vector<11x128x128xf32>
    %min3A_1494 = vector.broadcast %broadcast_in_dim3A_1477 : vector<11x128x1xf32> to vector<11x128x128xf32>
    %min3A_1495 = vector.broadcast %broadcast_in_dim3A_1483 : vector<1x1x128xf32> to vector<11x128x128xf32>
    %min3A_1496 = arith.minimumf %min3A_1494, %min3A_1495 : vector<11x128x128xf32>
    %sub3A_1497 = arith.subf %min3A_1493, %max3A_1487 : vector<11x128x128xf32>
    %max3A_1498 = arith.constant 0.000000e+00 : f32
    %max3A_1499 = vector.broadcast %max3A_1498 : f32 to vector<11x128x128xf32>
    %max3A_1500 = arith.maximumf %sub3A_1497, %max3A_1499 : vector<11x128x128xf32>
    %sub3A_1501 = arith.subf %min3A_1496, %max3A_1490 : vector<11x128x128xf32>
    %max3A_1502 = arith.constant 0.000000e+00 : f32
    %max3A_1503 = vector.broadcast %max3A_1502 : f32 to vector<11x128x128xf32>
    %max3A_1504 = arith.maximumf %sub3A_1501, %max3A_1503 : vector<11x128x128xf32>
    %mul3A_1505 = arith.mulf %max3A_1500, %max3A_1504 : vector<11x128x128xf32>
    %add3A_1506 = vector.broadcast %broadcast_in_dim3A_1479 : vector<11x128x1xf32> to vector<11x128x128xf32>
    %add3A_1507 = vector.broadcast %broadcast_in_dim3A_1484 : vector<1x1x128xf32> to vector<11x128x128xf32>
    %add3A_1508 = arith.addf %add3A_1506, %add3A_1507 : vector<11x128x128xf32>
    %sub3A_1509 = arith.subf %add3A_1508, %mul3A_1505 : vector<11x128x128xf32>
    %max3A_1510 = arith.constant 9.99999993E-9 : f32
    %max3A_1511 = vector.broadcast %max3A_1510 : f32 to vector<11x128x128xf32>
    %max3A_1512 = arith.maximumf %sub3A_1509, %max3A_1511 : vector<11x128x128xf32>
    %div3A_1513 = arith.divf %mul3A_1505, %max3A_1512 : vector<11x128x128xf32>
    %gt3A_1514 = arith.constant 0.699999988 : f32
    %gt3A_1515 = vector.broadcast %gt3A_1514 : f32 to vector<11x128x128xf32>
    %gt3A_1516 = arith.cmpf ogt, %div3A_1513, %gt3A_1515 : vector<11x128x128xf32>
    %concatenate3A_1517 = tpu.concatenate %mul3A_88, %mul3A_222, %mul3A_359, %mul3A_497, %mul3A_635, %mul3A_773, %mul3A_911, %mul3A_1049, %mul3A_1187, %mul3A_1325, %mul3A_1463 in 0 : vector<1x128xf32>, vector<1x128xf32>, vector<1x128xf32>, vector<1x128xf32>, vector<1x128xf32>, vector<1x128xf32>, vector<1x128xf32>, vector<1x128xf32>, vector<1x128xf32>, vector<1x128xf32>, vector<1x128xf32> -> vector<11x128xf32>
    %broadcast_in_dim3A_1518 = vector.shape_cast %concatenate3A_1517 : vector<11x128xf32> to vector<11x128x1xf32>
    %jit3A_1519 = arith.constant 0.000000e+00 : f32
    %broadcast_in_dim3A_1520 = vector.shape_cast %broadcast_in_dim3A_1518 : vector<11x128x1xf32> to vector<11x128x1xf32>
    %broadcast_in_dim3A_1521 = vector.broadcast %broadcast_in_dim3A_1520 : vector<11x128x1xf32> to vector<11x128x128xf32>
    %broadcast_in_dim3A_1522 = vector.broadcast %jit3A_1519 : f32 to vector<11x128x128xf32>
    %select_n3A_1523 = arith.select %gt3A_1516, %broadcast_in_dim3A_1521, %broadcast_in_dim3A_1522 : vector<11x128x128xi1>, vector<11x128x128xf32>
    %reduce_max3A_1524 = arith.constant dense<0xFF800000> : vector<128x128xf32>
    %reduce_max3A_1525 = vector.multi_reduction <maximumf>, %select_n3A_1523, %reduce_max3A_1524 [0] : vector<11x128x128xf32> to vector<128x128xf32>
    %reduce_max3A_1526 = arith.constant dense<0xFF800000> : vector<128xf32>
    %reduce_max3A_1527 = vector.multi_reduction <maximumf>, %reduce_max3A_1525, %reduce_max3A_1526 [0] : vector<128x128xf32> to vector<128xf32>
    %broadcast_in_dim3A_1528 = vector.shape_cast %reduce_max3A_1527 : vector<128xf32> to vector<1x128xf32>
    %sub3A_1529 = arith.constant 1.000000e+00 : f32
    %sub3A_1530 = vector.broadcast %sub3A_1529 : f32 to vector<1x128xf32>
    %sub3A_1531 = arith.subf %sub3A_1530, %broadcast_in_dim3A_1528 : vector<1x128xf32>
    %mul3A_1532 = arith.mulf %slice3A_1469, %sub3A_1531 : vector<1x128xf32>
    %transpose3A_1533 = tpu.transpose %slice3A_1464, [1, 0] : vector<1x128xf32> -> vector<128x1xf32>
    %transpose3A_1534 = tpu.transpose %slice3A_1465, [1, 0] : vector<1x128xf32> -> vector<128x1xf32>
    %transpose3A_1535 = tpu.transpose %slice3A_1466, [1, 0] : vector<1x128xf32> -> vector<128x1xf32>
    %transpose3A_1536 = tpu.transpose %slice3A_1467, [1, 0] : vector<1x128xf32> -> vector<128x1xf32>
    %transpose3A_1537 = tpu.transpose %slice3A_1468, [1, 0] : vector<1x128xf32> -> vector<128x1xf32>
    %max3A_1538 = vector.broadcast %transpose3A_1533 : vector<128x1xf32> to vector<128x128xf32>
    %max3A_1539 = vector.broadcast %slice3A_1464 : vector<1x128xf32> to vector<128x128xf32>
    %max3A_1540 = arith.maximumf %max3A_1538, %max3A_1539 : vector<128x128xf32>
    %max3A_1541 = vector.broadcast %transpose3A_1534 : vector<128x1xf32> to vector<128x128xf32>
    %max3A_1542 = vector.broadcast %slice3A_1465 : vector<1x128xf32> to vector<128x128xf32>
    %max3A_1543 = arith.maximumf %max3A_1541, %max3A_1542 : vector<128x128xf32>
    %min3A_1544 = vector.broadcast %transpose3A_1535 : vector<128x1xf32> to vector<128x128xf32>
    %min3A_1545 = vector.broadcast %slice3A_1466 : vector<1x128xf32> to vector<128x128xf32>
    %min3A_1546 = arith.minimumf %min3A_1544, %min3A_1545 : vector<128x128xf32>
    %min3A_1547 = vector.broadcast %transpose3A_1536 : vector<128x1xf32> to vector<128x128xf32>
    %min3A_1548 = vector.broadcast %slice3A_1467 : vector<1x128xf32> to vector<128x128xf32>
    %min3A_1549 = arith.minimumf %min3A_1547, %min3A_1548 : vector<128x128xf32>
    %sub3A_1550 = arith.subf %min3A_1546, %max3A_1540 : vector<128x128xf32>
    %max3A_1551 = arith.constant 0.000000e+00 : f32
    %max3A_1552 = vector.broadcast %max3A_1551 : f32 to vector<128x128xf32>
    %max3A_1553 = arith.maximumf %sub3A_1550, %max3A_1552 : vector<128x128xf32>
    %sub3A_1554 = arith.subf %min3A_1549, %max3A_1543 : vector<128x128xf32>
    %max3A_1555 = arith.constant 0.000000e+00 : f32
    %max3A_1556 = vector.broadcast %max3A_1555 : f32 to vector<128x128xf32>
    %max3A_1557 = arith.maximumf %sub3A_1554, %max3A_1556 : vector<128x128xf32>
    %mul3A_1558 = arith.mulf %max3A_1553, %max3A_1557 : vector<128x128xf32>
    %add3A_1559 = vector.broadcast %transpose3A_1537 : vector<128x1xf32> to vector<128x128xf32>
    %add3A_1560 = vector.broadcast %slice3A_1468 : vector<1x128xf32> to vector<128x128xf32>
    %add3A_1561 = arith.addf %add3A_1559, %add3A_1560 : vector<128x128xf32>
    %sub3A_1562 = arith.subf %add3A_1561, %mul3A_1558 : vector<128x128xf32>
    %max3A_1563 = arith.constant 9.99999993E-9 : f32
    %max3A_1564 = vector.broadcast %max3A_1563 : f32 to vector<128x128xf32>
    %max3A_1565 = arith.maximumf %sub3A_1562, %max3A_1564 : vector<128x128xf32>
    %div3A_1566 = arith.divf %mul3A_1558, %max3A_1565 : vector<128x128xf32>
    %gt3A_1567 = arith.constant 0.699999988 : f32
    %gt3A_1568 = vector.broadcast %gt3A_1567 : f32 to vector<128x128xf32>
    %gt3A_1569 = arith.cmpf ogt, %div3A_1566, %gt3A_1568 : vector<128x128xf32>
    %convert_element_type3A_1570 = arith.extui %gt3A_1569 : vector<128x128xi1> to vector<128x128xi32>
    %convert_element_type3A_1571 = arith.sitofp %convert_element_type3A_1570 : vector<128x128xi32> to vector<128x128xf32>
    %mul3A_1572 = arith.mulf %convert_element_type3A_1571, %convert_element_type3A_22 : vector<128x128xf32>
    %mul3A_1573 = vector.broadcast %mul3A_1532 : vector<1x128xf32> to vector<128x128xf32>
    %mul3A_1574 = arith.mulf %mul3A_1572, %mul3A_1573 : vector<128x128xf32>
    %transpose3A_1575 = tpu.transpose %mul3A_1532, [1, 0] : vector<1x128xf32> -> vector<128x1xf32>
    %mul3A_1576 = vector.broadcast %transpose3A_1575 : vector<128x1xf32> to vector<128x128xf32>
    %mul3A_1577 = arith.mulf %mul3A_1574, %mul3A_1576 : vector<128x128xf32>
    %broadcast_in_dim3A_1578 = arith.constant 0.000000e+00 : f32
    %broadcast_in_dim3A_1579 = vector.broadcast %broadcast_in_dim3A_1578 : f32 to vector<1x128xf32>
    %reduce_sum3A_1580 = vector.shape_cast %mul3A_1577 : vector<128x128xf32> to vector<1x128x128xf32>
    %reduce_sum3A_1581 = arith.constant dense<0.000000e+00> : vector<1xf32>
    %reduce_sum3A_1582 = vector.multi_reduction <add>, %reduce_sum3A_1580, %reduce_sum3A_1581 [1, 2] : vector<1x128x128xf32> to vector<1xf32>
    %reduce_sum3A_1583 = vector.shape_cast %reduce_sum3A_1582 : vector<1xf32> to vector<1x1x1xf32>
    %reduce_sum3A_1584 = vector.extract %reduce_sum3A_1583[0, 0, 0] : f32 from vector<1x1x1xf32>
    %gt3A_1585 = arith.constant 0.000000e+00 : f32
    %gt3A_1586 = arith.cmpf ogt, %reduce_sum3A_1584, %gt3A_1585 : f32
    %while3A_1587:2 = scf.while (%while3A_2473 = %broadcast_in_dim3A_1579, %while3A_2474 = %gt3A_1586) : (vector<1x128xf32>, i1) -> (vector<1x128xf32>, i1) {
      scf.condition(%while3A_2474) %while3A_2473, %while3A_2474 : vector<1x128xf32>, i1
    } do {
    ^bb0(%while3A_2473: vector<1x128xf32>, %while3A_2474: i1):
      %sub3A_2475 = arith.constant 1.000000e+00 : f32
      %sub3A_2476 = vector.broadcast %sub3A_2475 : f32 to vector<1x128xf32>
      %sub3A_2477 = arith.subf %sub3A_2476, %while3A_2473 : vector<1x128xf32>
      %dot_general3A_2478 = arith.constant dense<0.000000e+00> : vector<1x128xf32>
      %dot_general3A_2479 = tpu.matmul %sub3A_2477, %mul3A_1577, %dot_general3A_2478 {dimension_numbers = #tpu.dot_dimension_numbers<[1], [0], [0], [1], [0, 0, 1, 1], [], []>, transpose_lhs_hint = false} : vector<1x128xf32>, vector<128x128xf32>, vector<1x128xf32> -> vector<1x128xf32>
      %eq3A_2480 = arith.constant 0.000000e+00 : f32
      %eq3A_2481 = vector.broadcast %eq3A_2480 : f32 to vector<1x128xf32>
      %eq3A_2482 = arith.cmpf oeq, %dot_general3A_2479, %eq3A_2481 : vector<1x128xf32>
      %convert_element_type3A_2483 = arith.extui %eq3A_2482 : vector<1x128xi1> to vector<1x128xi32>
      %convert_element_type3A_2484 = arith.sitofp %convert_element_type3A_2483 : vector<1x128xi32> to vector<1x128xf32>
      %dot_general3A_2485 = arith.constant dense<0.000000e+00> : vector<1x128xf32>
      %dot_general3A_2486 = tpu.matmul %convert_element_type3A_2484, %mul3A_1577, %dot_general3A_2485 {dimension_numbers = #tpu.dot_dimension_numbers<[1], [0], [0], [1], [0, 0, 1, 1], [], []>, transpose_lhs_hint = false} : vector<1x128xf32>, vector<128x128xf32>, vector<1x128xf32> -> vector<1x128xf32>
      %gt3A_2487 = arith.constant 0.000000e+00 : f32
      %gt3A_2488 = vector.broadcast %gt3A_2487 : f32 to vector<1x128xf32>
      %gt3A_2489 = arith.cmpf ogt, %dot_general3A_2486, %gt3A_2488 : vector<1x128xf32>
      %convert_element_type3A_2490 = arith.extui %gt3A_2489 : vector<1x128xi1> to vector<1x128xi32>
      %convert_element_type3A_2491 = arith.sitofp %convert_element_type3A_2490 : vector<1x128xi32> to vector<1x128xf32>
      %max3A_2492 = arith.maximumf %while3A_2473, %convert_element_type3A_2491 : vector<1x128xf32>
      %reduce_sum3A_2493 = vector.shape_cast %max3A_2492 : vector<1x128xf32> to vector<1x1x128xf32>
      %reduce_sum3A_2494 = arith.constant dense<0.000000e+00> : vector<1xf32>
      %reduce_sum3A_2495 = vector.multi_reduction <add>, %reduce_sum3A_2493, %reduce_sum3A_2494 [1, 2] : vector<1x1x128xf32> to vector<1xf32>
      %reduce_sum3A_2496 = vector.shape_cast %reduce_sum3A_2495 : vector<1xf32> to vector<1x1x1xf32>
      %reduce_sum3A_2497 = vector.extract %reduce_sum3A_2496[0, 0, 0] : f32 from vector<1x1x1xf32>
      %reduce_sum3A_2498 = vector.shape_cast %while3A_2473 : vector<1x128xf32> to vector<1x1x128xf32>
      %reduce_sum3A_2499 = arith.constant dense<0.000000e+00> : vector<1xf32>
      %reduce_sum3A_2500 = vector.multi_reduction <add>, %reduce_sum3A_2498, %reduce_sum3A_2499 [1, 2] : vector<1x1x128xf32> to vector<1xf32>
      %reduce_sum3A_2501 = vector.shape_cast %reduce_sum3A_2500 : vector<1xf32> to vector<1x1x1xf32>
      %reduce_sum3A_2502 = vector.extract %reduce_sum3A_2501[0, 0, 0] : f32 from vector<1x1x1xf32>
      %gt3A_2503 = arith.cmpf ogt, %reduce_sum3A_2497, %reduce_sum3A_2502 : f32
      scf.yield %max3A_2492, %gt3A_2503 : vector<1x128xf32>, i1
    }
    %sub3A_1588 = arith.constant 1.000000e+00 : f32
    %sub3A_1589 = vector.broadcast %sub3A_1588 : f32 to vector<1x128xf32>
    %sub3A_1590 = arith.subf %sub3A_1589, %while3A_1587#0 : vector<1x128xf32>
    %dot_general3A_1591 = arith.constant dense<0.000000e+00> : vector<1x128xf32>
    %dot_general3A_1592 = tpu.matmul %sub3A_1590, %mul3A_1577, %dot_general3A_1591 {dimension_numbers = #tpu.dot_dimension_numbers<[1], [0], [0], [1], [0, 0, 1, 1], [], []>, transpose_lhs_hint = false} : vector<1x128xf32>, vector<128x128xf32>, vector<1x128xf32> -> vector<1x128xf32>
    %gt3A_1593 = arith.constant 0.000000e+00 : f32
    %gt3A_1594 = vector.broadcast %gt3A_1593 : f32 to vector<1x128xf32>
    %gt3A_1595 = arith.cmpf ogt, %dot_general3A_1592, %gt3A_1594 : vector<1x128xf32>
    %convert_element_type3A_1596 = arith.extui %gt3A_1595 : vector<1x128xi1> to vector<1x128xi32>
    %convert_element_type3A_1597 = arith.sitofp %convert_element_type3A_1596 : vector<1x128xi32> to vector<1x128xf32>
    %sub3A_1598 = arith.constant 1.000000e+00 : f32
    %sub3A_1599 = vector.broadcast %sub3A_1598 : f32 to vector<1x128xf32>
    %sub3A_1600 = arith.subf %sub3A_1599, %convert_element_type3A_1597 : vector<1x128xf32>
    %mul3A_1601 = arith.mulf %mul3A_1532, %sub3A_1600 : vector<1x128xf32>
    %slice3A_1602 = vector.extract_strided_slice %squeeze3A {offsets = [12, 0], sizes = [1, 128], strides = [1, 1]} : vector<16x128xf32> to vector<1x128xf32>
    %slice3A_1603 = vector.extract_strided_slice %squeeze3A_11 {offsets = [12, 0], sizes = [1, 128], strides = [1, 1]} : vector<16x128xf32> to vector<1x128xf32>
    %slice3A_1604 = vector.extract_strided_slice %squeeze3A_13 {offsets = [12, 0], sizes = [1, 128], strides = [1, 1]} : vector<16x128xf32> to vector<1x128xf32>
    %slice3A_1605 = vector.extract_strided_slice %squeeze3A_15 {offsets = [12, 0], sizes = [1, 128], strides = [1, 1]} : vector<16x128xf32> to vector<1x128xf32>
    %slice3A_1606 = vector.extract_strided_slice %mul3A {offsets = [12, 0], sizes = [1, 128], strides = [1, 1]} : vector<16x128xf32> to vector<1x128xf32>
    %slice3A_1607 = vector.extract_strided_slice %convert_element_type3A_19 {offsets = [12, 0], sizes = [1, 128], strides = [1, 1]} : vector<16x128xf32> to vector<1x128xf32>
    %slice3A_1608 = vector.extract_strided_slice %squeeze3A {offsets = [0, 0], sizes = [12, 128], strides = [1, 1]} : vector<16x128xf32> to vector<12x128xf32>
    %broadcast_in_dim3A_1609 = vector.shape_cast %slice3A_1608 : vector<12x128xf32> to vector<12x128x1xf32>
    %slice3A_1610 = vector.extract_strided_slice %squeeze3A_11 {offsets = [0, 0], sizes = [12, 128], strides = [1, 1]} : vector<16x128xf32> to vector<12x128xf32>
    %broadcast_in_dim3A_1611 = vector.shape_cast %slice3A_1610 : vector<12x128xf32> to vector<12x128x1xf32>
    %slice3A_1612 = vector.extract_strided_slice %squeeze3A_13 {offsets = [0, 0], sizes = [12, 128], strides = [1, 1]} : vector<16x128xf32> to vector<12x128xf32>
    %broadcast_in_dim3A_1613 = vector.shape_cast %slice3A_1612 : vector<12x128xf32> to vector<12x128x1xf32>
    %slice3A_1614 = vector.extract_strided_slice %squeeze3A_15 {offsets = [0, 0], sizes = [12, 128], strides = [1, 1]} : vector<16x128xf32> to vector<12x128xf32>
    %broadcast_in_dim3A_1615 = vector.shape_cast %slice3A_1614 : vector<12x128xf32> to vector<12x128x1xf32>
    %slice3A_1616 = vector.extract_strided_slice %mul3A {offsets = [0, 0], sizes = [12, 128], strides = [1, 1]} : vector<16x128xf32> to vector<12x128xf32>
    %broadcast_in_dim3A_1617 = vector.shape_cast %slice3A_1616 : vector<12x128xf32> to vector<12x128x1xf32>
    %broadcast_in_dim3A_1618 = vector.shape_cast %slice3A_1602 : vector<1x128xf32> to vector<1x1x128xf32>
    %broadcast_in_dim3A_1619 = vector.shape_cast %slice3A_1603 : vector<1x128xf32> to vector<1x1x128xf32>
    %broadcast_in_dim3A_1620 = vector.shape_cast %slice3A_1604 : vector<1x128xf32> to vector<1x1x128xf32>
    %broadcast_in_dim3A_1621 = vector.shape_cast %slice3A_1605 : vector<1x128xf32> to vector<1x1x128xf32>
    %broadcast_in_dim3A_1622 = vector.shape_cast %slice3A_1606 : vector<1x128xf32> to vector<1x1x128xf32>
    %max3A_1623 = vector.broadcast %broadcast_in_dim3A_1609 : vector<12x128x1xf32> to vector<12x128x128xf32>
    %max3A_1624 = vector.broadcast %broadcast_in_dim3A_1618 : vector<1x1x128xf32> to vector<12x128x128xf32>
    %max3A_1625 = arith.maximumf %max3A_1623, %max3A_1624 : vector<12x128x128xf32>
    %max3A_1626 = vector.broadcast %broadcast_in_dim3A_1611 : vector<12x128x1xf32> to vector<12x128x128xf32>
    %max3A_1627 = vector.broadcast %broadcast_in_dim3A_1619 : vector<1x1x128xf32> to vector<12x128x128xf32>
    %max3A_1628 = arith.maximumf %max3A_1626, %max3A_1627 : vector<12x128x128xf32>
    %min3A_1629 = vector.broadcast %broadcast_in_dim3A_1613 : vector<12x128x1xf32> to vector<12x128x128xf32>
    %min3A_1630 = vector.broadcast %broadcast_in_dim3A_1620 : vector<1x1x128xf32> to vector<12x128x128xf32>
    %min3A_1631 = arith.minimumf %min3A_1629, %min3A_1630 : vector<12x128x128xf32>
    %min3A_1632 = vector.broadcast %broadcast_in_dim3A_1615 : vector<12x128x1xf32> to vector<12x128x128xf32>
    %min3A_1633 = vector.broadcast %broadcast_in_dim3A_1621 : vector<1x1x128xf32> to vector<12x128x128xf32>
    %min3A_1634 = arith.minimumf %min3A_1632, %min3A_1633 : vector<12x128x128xf32>
    %sub3A_1635 = arith.subf %min3A_1631, %max3A_1625 : vector<12x128x128xf32>
    %max3A_1636 = arith.constant 0.000000e+00 : f32
    %max3A_1637 = vector.broadcast %max3A_1636 : f32 to vector<12x128x128xf32>
    %max3A_1638 = arith.maximumf %sub3A_1635, %max3A_1637 : vector<12x128x128xf32>
    %sub3A_1639 = arith.subf %min3A_1634, %max3A_1628 : vector<12x128x128xf32>
    %max3A_1640 = arith.constant 0.000000e+00 : f32
    %max3A_1641 = vector.broadcast %max3A_1640 : f32 to vector<12x128x128xf32>
    %max3A_1642 = arith.maximumf %sub3A_1639, %max3A_1641 : vector<12x128x128xf32>
    %mul3A_1643 = arith.mulf %max3A_1638, %max3A_1642 : vector<12x128x128xf32>
    %add3A_1644 = vector.broadcast %broadcast_in_dim3A_1617 : vector<12x128x1xf32> to vector<12x128x128xf32>
    %add3A_1645 = vector.broadcast %broadcast_in_dim3A_1622 : vector<1x1x128xf32> to vector<12x128x128xf32>
    %add3A_1646 = arith.addf %add3A_1644, %add3A_1645 : vector<12x128x128xf32>
    %sub3A_1647 = arith.subf %add3A_1646, %mul3A_1643 : vector<12x128x128xf32>
    %max3A_1648 = arith.constant 9.99999993E-9 : f32
    %max3A_1649 = vector.broadcast %max3A_1648 : f32 to vector<12x128x128xf32>
    %max3A_1650 = arith.maximumf %sub3A_1647, %max3A_1649 : vector<12x128x128xf32>
    %div3A_1651 = arith.divf %mul3A_1643, %max3A_1650 : vector<12x128x128xf32>
    %gt3A_1652 = arith.constant 0.699999988 : f32
    %gt3A_1653 = vector.broadcast %gt3A_1652 : f32 to vector<12x128x128xf32>
    %gt3A_1654 = arith.cmpf ogt, %div3A_1651, %gt3A_1653 : vector<12x128x128xf32>
    %concatenate3A_1655 = tpu.concatenate %mul3A_88, %mul3A_222, %mul3A_359, %mul3A_497, %mul3A_635, %mul3A_773, %mul3A_911, %mul3A_1049, %mul3A_1187, %mul3A_1325, %mul3A_1463, %mul3A_1601 in 0 : vector<1x128xf32>, vector<1x128xf32>, vector<1x128xf32>, vector<1x128xf32>, vector<1x128xf32>, vector<1x128xf32>, vector<1x128xf32>, vector<1x128xf32>, vector<1x128xf32>, vector<1x128xf32>, vector<1x128xf32>, vector<1x128xf32> -> vector<12x128xf32>
    %broadcast_in_dim3A_1656 = vector.shape_cast %concatenate3A_1655 : vector<12x128xf32> to vector<12x128x1xf32>
    %jit3A_1657 = arith.constant 0.000000e+00 : f32
    %broadcast_in_dim3A_1658 = vector.shape_cast %broadcast_in_dim3A_1656 : vector<12x128x1xf32> to vector<12x128x1xf32>
    %broadcast_in_dim3A_1659 = vector.broadcast %broadcast_in_dim3A_1658 : vector<12x128x1xf32> to vector<12x128x128xf32>
    %broadcast_in_dim3A_1660 = vector.broadcast %jit3A_1657 : f32 to vector<12x128x128xf32>
    %select_n3A_1661 = arith.select %gt3A_1654, %broadcast_in_dim3A_1659, %broadcast_in_dim3A_1660 : vector<12x128x128xi1>, vector<12x128x128xf32>
    %reduce_max3A_1662 = arith.constant dense<0xFF800000> : vector<128x128xf32>
    %reduce_max3A_1663 = vector.multi_reduction <maximumf>, %select_n3A_1661, %reduce_max3A_1662 [0] : vector<12x128x128xf32> to vector<128x128xf32>
    %reduce_max3A_1664 = arith.constant dense<0xFF800000> : vector<128xf32>
    %reduce_max3A_1665 = vector.multi_reduction <maximumf>, %reduce_max3A_1663, %reduce_max3A_1664 [0] : vector<128x128xf32> to vector<128xf32>
    %broadcast_in_dim3A_1666 = vector.shape_cast %reduce_max3A_1665 : vector<128xf32> to vector<1x128xf32>
    %sub3A_1667 = arith.constant 1.000000e+00 : f32
    %sub3A_1668 = vector.broadcast %sub3A_1667 : f32 to vector<1x128xf32>
    %sub3A_1669 = arith.subf %sub3A_1668, %broadcast_in_dim3A_1666 : vector<1x128xf32>
    %mul3A_1670 = arith.mulf %slice3A_1607, %sub3A_1669 : vector<1x128xf32>
    %transpose3A_1671 = tpu.transpose %slice3A_1602, [1, 0] : vector<1x128xf32> -> vector<128x1xf32>
    %transpose3A_1672 = tpu.transpose %slice3A_1603, [1, 0] : vector<1x128xf32> -> vector<128x1xf32>
    %transpose3A_1673 = tpu.transpose %slice3A_1604, [1, 0] : vector<1x128xf32> -> vector<128x1xf32>
    %transpose3A_1674 = tpu.transpose %slice3A_1605, [1, 0] : vector<1x128xf32> -> vector<128x1xf32>
    %transpose3A_1675 = tpu.transpose %slice3A_1606, [1, 0] : vector<1x128xf32> -> vector<128x1xf32>
    %max3A_1676 = vector.broadcast %transpose3A_1671 : vector<128x1xf32> to vector<128x128xf32>
    %max3A_1677 = vector.broadcast %slice3A_1602 : vector<1x128xf32> to vector<128x128xf32>
    %max3A_1678 = arith.maximumf %max3A_1676, %max3A_1677 : vector<128x128xf32>
    %max3A_1679 = vector.broadcast %transpose3A_1672 : vector<128x1xf32> to vector<128x128xf32>
    %max3A_1680 = vector.broadcast %slice3A_1603 : vector<1x128xf32> to vector<128x128xf32>
    %max3A_1681 = arith.maximumf %max3A_1679, %max3A_1680 : vector<128x128xf32>
    %min3A_1682 = vector.broadcast %transpose3A_1673 : vector<128x1xf32> to vector<128x128xf32>
    %min3A_1683 = vector.broadcast %slice3A_1604 : vector<1x128xf32> to vector<128x128xf32>
    %min3A_1684 = arith.minimumf %min3A_1682, %min3A_1683 : vector<128x128xf32>
    %min3A_1685 = vector.broadcast %transpose3A_1674 : vector<128x1xf32> to vector<128x128xf32>
    %min3A_1686 = vector.broadcast %slice3A_1605 : vector<1x128xf32> to vector<128x128xf32>
    %min3A_1687 = arith.minimumf %min3A_1685, %min3A_1686 : vector<128x128xf32>
    %sub3A_1688 = arith.subf %min3A_1684, %max3A_1678 : vector<128x128xf32>
    %max3A_1689 = arith.constant 0.000000e+00 : f32
    %max3A_1690 = vector.broadcast %max3A_1689 : f32 to vector<128x128xf32>
    %max3A_1691 = arith.maximumf %sub3A_1688, %max3A_1690 : vector<128x128xf32>
    %sub3A_1692 = arith.subf %min3A_1687, %max3A_1681 : vector<128x128xf32>
    %max3A_1693 = arith.constant 0.000000e+00 : f32
    %max3A_1694 = vector.broadcast %max3A_1693 : f32 to vector<128x128xf32>
    %max3A_1695 = arith.maximumf %sub3A_1692, %max3A_1694 : vector<128x128xf32>
    %mul3A_1696 = arith.mulf %max3A_1691, %max3A_1695 : vector<128x128xf32>
    %add3A_1697 = vector.broadcast %transpose3A_1675 : vector<128x1xf32> to vector<128x128xf32>
    %add3A_1698 = vector.broadcast %slice3A_1606 : vector<1x128xf32> to vector<128x128xf32>
    %add3A_1699 = arith.addf %add3A_1697, %add3A_1698 : vector<128x128xf32>
    %sub3A_1700 = arith.subf %add3A_1699, %mul3A_1696 : vector<128x128xf32>
    %max3A_1701 = arith.constant 9.99999993E-9 : f32
    %max3A_1702 = vector.broadcast %max3A_1701 : f32 to vector<128x128xf32>
    %max3A_1703 = arith.maximumf %sub3A_1700, %max3A_1702 : vector<128x128xf32>
    %div3A_1704 = arith.divf %mul3A_1696, %max3A_1703 : vector<128x128xf32>
    %gt3A_1705 = arith.constant 0.699999988 : f32
    %gt3A_1706 = vector.broadcast %gt3A_1705 : f32 to vector<128x128xf32>
    %gt3A_1707 = arith.cmpf ogt, %div3A_1704, %gt3A_1706 : vector<128x128xf32>
    %convert_element_type3A_1708 = arith.extui %gt3A_1707 : vector<128x128xi1> to vector<128x128xi32>
    %convert_element_type3A_1709 = arith.sitofp %convert_element_type3A_1708 : vector<128x128xi32> to vector<128x128xf32>
    %mul3A_1710 = arith.mulf %convert_element_type3A_1709, %convert_element_type3A_22 : vector<128x128xf32>
    %mul3A_1711 = vector.broadcast %mul3A_1670 : vector<1x128xf32> to vector<128x128xf32>
    %mul3A_1712 = arith.mulf %mul3A_1710, %mul3A_1711 : vector<128x128xf32>
    %transpose3A_1713 = tpu.transpose %mul3A_1670, [1, 0] : vector<1x128xf32> -> vector<128x1xf32>
    %mul3A_1714 = vector.broadcast %transpose3A_1713 : vector<128x1xf32> to vector<128x128xf32>
    %mul3A_1715 = arith.mulf %mul3A_1712, %mul3A_1714 : vector<128x128xf32>
    %broadcast_in_dim3A_1716 = arith.constant 0.000000e+00 : f32
    %broadcast_in_dim3A_1717 = vector.broadcast %broadcast_in_dim3A_1716 : f32 to vector<1x128xf32>
    %reduce_sum3A_1718 = vector.shape_cast %mul3A_1715 : vector<128x128xf32> to vector<1x128x128xf32>
    %reduce_sum3A_1719 = arith.constant dense<0.000000e+00> : vector<1xf32>
    %reduce_sum3A_1720 = vector.multi_reduction <add>, %reduce_sum3A_1718, %reduce_sum3A_1719 [1, 2] : vector<1x128x128xf32> to vector<1xf32>
    %reduce_sum3A_1721 = vector.shape_cast %reduce_sum3A_1720 : vector<1xf32> to vector<1x1x1xf32>
    %reduce_sum3A_1722 = vector.extract %reduce_sum3A_1721[0, 0, 0] : f32 from vector<1x1x1xf32>
    %gt3A_1723 = arith.constant 0.000000e+00 : f32
    %gt3A_1724 = arith.cmpf ogt, %reduce_sum3A_1722, %gt3A_1723 : f32
    %while3A_1725:2 = scf.while (%while3A_2473 = %broadcast_in_dim3A_1717, %while3A_2474 = %gt3A_1724) : (vector<1x128xf32>, i1) -> (vector<1x128xf32>, i1) {
      scf.condition(%while3A_2474) %while3A_2473, %while3A_2474 : vector<1x128xf32>, i1
    } do {
    ^bb0(%while3A_2473: vector<1x128xf32>, %while3A_2474: i1):
      %sub3A_2475 = arith.constant 1.000000e+00 : f32
      %sub3A_2476 = vector.broadcast %sub3A_2475 : f32 to vector<1x128xf32>
      %sub3A_2477 = arith.subf %sub3A_2476, %while3A_2473 : vector<1x128xf32>
      %dot_general3A_2478 = arith.constant dense<0.000000e+00> : vector<1x128xf32>
      %dot_general3A_2479 = tpu.matmul %sub3A_2477, %mul3A_1715, %dot_general3A_2478 {dimension_numbers = #tpu.dot_dimension_numbers<[1], [0], [0], [1], [0, 0, 1, 1], [], []>, transpose_lhs_hint = false} : vector<1x128xf32>, vector<128x128xf32>, vector<1x128xf32> -> vector<1x128xf32>
      %eq3A_2480 = arith.constant 0.000000e+00 : f32
      %eq3A_2481 = vector.broadcast %eq3A_2480 : f32 to vector<1x128xf32>
      %eq3A_2482 = arith.cmpf oeq, %dot_general3A_2479, %eq3A_2481 : vector<1x128xf32>
      %convert_element_type3A_2483 = arith.extui %eq3A_2482 : vector<1x128xi1> to vector<1x128xi32>
      %convert_element_type3A_2484 = arith.sitofp %convert_element_type3A_2483 : vector<1x128xi32> to vector<1x128xf32>
      %dot_general3A_2485 = arith.constant dense<0.000000e+00> : vector<1x128xf32>
      %dot_general3A_2486 = tpu.matmul %convert_element_type3A_2484, %mul3A_1715, %dot_general3A_2485 {dimension_numbers = #tpu.dot_dimension_numbers<[1], [0], [0], [1], [0, 0, 1, 1], [], []>, transpose_lhs_hint = false} : vector<1x128xf32>, vector<128x128xf32>, vector<1x128xf32> -> vector<1x128xf32>
      %gt3A_2487 = arith.constant 0.000000e+00 : f32
      %gt3A_2488 = vector.broadcast %gt3A_2487 : f32 to vector<1x128xf32>
      %gt3A_2489 = arith.cmpf ogt, %dot_general3A_2486, %gt3A_2488 : vector<1x128xf32>
      %convert_element_type3A_2490 = arith.extui %gt3A_2489 : vector<1x128xi1> to vector<1x128xi32>
      %convert_element_type3A_2491 = arith.sitofp %convert_element_type3A_2490 : vector<1x128xi32> to vector<1x128xf32>
      %max3A_2492 = arith.maximumf %while3A_2473, %convert_element_type3A_2491 : vector<1x128xf32>
      %reduce_sum3A_2493 = vector.shape_cast %max3A_2492 : vector<1x128xf32> to vector<1x1x128xf32>
      %reduce_sum3A_2494 = arith.constant dense<0.000000e+00> : vector<1xf32>
      %reduce_sum3A_2495 = vector.multi_reduction <add>, %reduce_sum3A_2493, %reduce_sum3A_2494 [1, 2] : vector<1x1x128xf32> to vector<1xf32>
      %reduce_sum3A_2496 = vector.shape_cast %reduce_sum3A_2495 : vector<1xf32> to vector<1x1x1xf32>
      %reduce_sum3A_2497 = vector.extract %reduce_sum3A_2496[0, 0, 0] : f32 from vector<1x1x1xf32>
      %reduce_sum3A_2498 = vector.shape_cast %while3A_2473 : vector<1x128xf32> to vector<1x1x128xf32>
      %reduce_sum3A_2499 = arith.constant dense<0.000000e+00> : vector<1xf32>
      %reduce_sum3A_2500 = vector.multi_reduction <add>, %reduce_sum3A_2498, %reduce_sum3A_2499 [1, 2] : vector<1x1x128xf32> to vector<1xf32>
      %reduce_sum3A_2501 = vector.shape_cast %reduce_sum3A_2500 : vector<1xf32> to vector<1x1x1xf32>
      %reduce_sum3A_2502 = vector.extract %reduce_sum3A_2501[0, 0, 0] : f32 from vector<1x1x1xf32>
      %gt3A_2503 = arith.cmpf ogt, %reduce_sum3A_2497, %reduce_sum3A_2502 : f32
      scf.yield %max3A_2492, %gt3A_2503 : vector<1x128xf32>, i1
    }
    %sub3A_1726 = arith.constant 1.000000e+00 : f32
    %sub3A_1727 = vector.broadcast %sub3A_1726 : f32 to vector<1x128xf32>
    %sub3A_1728 = arith.subf %sub3A_1727, %while3A_1725#0 : vector<1x128xf32>
    %dot_general3A_1729 = arith.constant dense<0.000000e+00> : vector<1x128xf32>
    %dot_general3A_1730 = tpu.matmul %sub3A_1728, %mul3A_1715, %dot_general3A_1729 {dimension_numbers = #tpu.dot_dimension_numbers<[1], [0], [0], [1], [0, 0, 1, 1], [], []>, transpose_lhs_hint = false} : vector<1x128xf32>, vector<128x128xf32>, vector<1x128xf32> -> vector<1x128xf32>
    %gt3A_1731 = arith.constant 0.000000e+00 : f32
    %gt3A_1732 = vector.broadcast %gt3A_1731 : f32 to vector<1x128xf32>
    %gt3A_1733 = arith.cmpf ogt, %dot_general3A_1730, %gt3A_1732 : vector<1x128xf32>
    %convert_element_type3A_1734 = arith.extui %gt3A_1733 : vector<1x128xi1> to vector<1x128xi32>
    %convert_element_type3A_1735 = arith.sitofp %convert_element_type3A_1734 : vector<1x128xi32> to vector<1x128xf32>
    %sub3A_1736 = arith.constant 1.000000e+00 : f32
    %sub3A_1737 = vector.broadcast %sub3A_1736 : f32 to vector<1x128xf32>
    %sub3A_1738 = arith.subf %sub3A_1737, %convert_element_type3A_1735 : vector<1x128xf32>
    %mul3A_1739 = arith.mulf %mul3A_1670, %sub3A_1738 : vector<1x128xf32>
    %slice3A_1740 = vector.extract_strided_slice %squeeze3A {offsets = [13, 0], sizes = [1, 128], strides = [1, 1]} : vector<16x128xf32> to vector<1x128xf32>
    %slice3A_1741 = vector.extract_strided_slice %squeeze3A_11 {offsets = [13, 0], sizes = [1, 128], strides = [1, 1]} : vector<16x128xf32> to vector<1x128xf32>
    %slice3A_1742 = vector.extract_strided_slice %squeeze3A_13 {offsets = [13, 0], sizes = [1, 128], strides = [1, 1]} : vector<16x128xf32> to vector<1x128xf32>
    %slice3A_1743 = vector.extract_strided_slice %squeeze3A_15 {offsets = [13, 0], sizes = [1, 128], strides = [1, 1]} : vector<16x128xf32> to vector<1x128xf32>
    %slice3A_1744 = vector.extract_strided_slice %mul3A {offsets = [13, 0], sizes = [1, 128], strides = [1, 1]} : vector<16x128xf32> to vector<1x128xf32>
    %slice3A_1745 = vector.extract_strided_slice %convert_element_type3A_19 {offsets = [13, 0], sizes = [1, 128], strides = [1, 1]} : vector<16x128xf32> to vector<1x128xf32>
    %slice3A_1746 = vector.extract_strided_slice %squeeze3A {offsets = [0, 0], sizes = [13, 128], strides = [1, 1]} : vector<16x128xf32> to vector<13x128xf32>
    %broadcast_in_dim3A_1747 = vector.shape_cast %slice3A_1746 : vector<13x128xf32> to vector<13x128x1xf32>
    %slice3A_1748 = vector.extract_strided_slice %squeeze3A_11 {offsets = [0, 0], sizes = [13, 128], strides = [1, 1]} : vector<16x128xf32> to vector<13x128xf32>
    %broadcast_in_dim3A_1749 = vector.shape_cast %slice3A_1748 : vector<13x128xf32> to vector<13x128x1xf32>
    %slice3A_1750 = vector.extract_strided_slice %squeeze3A_13 {offsets = [0, 0], sizes = [13, 128], strides = [1, 1]} : vector<16x128xf32> to vector<13x128xf32>
    %broadcast_in_dim3A_1751 = vector.shape_cast %slice3A_1750 : vector<13x128xf32> to vector<13x128x1xf32>
    %slice3A_1752 = vector.extract_strided_slice %squeeze3A_15 {offsets = [0, 0], sizes = [13, 128], strides = [1, 1]} : vector<16x128xf32> to vector<13x128xf32>
    %broadcast_in_dim3A_1753 = vector.shape_cast %slice3A_1752 : vector<13x128xf32> to vector<13x128x1xf32>
    %slice3A_1754 = vector.extract_strided_slice %mul3A {offsets = [0, 0], sizes = [13, 128], strides = [1, 1]} : vector<16x128xf32> to vector<13x128xf32>
    %broadcast_in_dim3A_1755 = vector.shape_cast %slice3A_1754 : vector<13x128xf32> to vector<13x128x1xf32>
    %broadcast_in_dim3A_1756 = vector.shape_cast %slice3A_1740 : vector<1x128xf32> to vector<1x1x128xf32>
    %broadcast_in_dim3A_1757 = vector.shape_cast %slice3A_1741 : vector<1x128xf32> to vector<1x1x128xf32>
    %broadcast_in_dim3A_1758 = vector.shape_cast %slice3A_1742 : vector<1x128xf32> to vector<1x1x128xf32>
    %broadcast_in_dim3A_1759 = vector.shape_cast %slice3A_1743 : vector<1x128xf32> to vector<1x1x128xf32>
    %broadcast_in_dim3A_1760 = vector.shape_cast %slice3A_1744 : vector<1x128xf32> to vector<1x1x128xf32>
    %max3A_1761 = vector.broadcast %broadcast_in_dim3A_1747 : vector<13x128x1xf32> to vector<13x128x128xf32>
    %max3A_1762 = vector.broadcast %broadcast_in_dim3A_1756 : vector<1x1x128xf32> to vector<13x128x128xf32>
    %max3A_1763 = arith.maximumf %max3A_1761, %max3A_1762 : vector<13x128x128xf32>
    %max3A_1764 = vector.broadcast %broadcast_in_dim3A_1749 : vector<13x128x1xf32> to vector<13x128x128xf32>
    %max3A_1765 = vector.broadcast %broadcast_in_dim3A_1757 : vector<1x1x128xf32> to vector<13x128x128xf32>
    %max3A_1766 = arith.maximumf %max3A_1764, %max3A_1765 : vector<13x128x128xf32>
    %min3A_1767 = vector.broadcast %broadcast_in_dim3A_1751 : vector<13x128x1xf32> to vector<13x128x128xf32>
    %min3A_1768 = vector.broadcast %broadcast_in_dim3A_1758 : vector<1x1x128xf32> to vector<13x128x128xf32>
    %min3A_1769 = arith.minimumf %min3A_1767, %min3A_1768 : vector<13x128x128xf32>
    %min3A_1770 = vector.broadcast %broadcast_in_dim3A_1753 : vector<13x128x1xf32> to vector<13x128x128xf32>
    %min3A_1771 = vector.broadcast %broadcast_in_dim3A_1759 : vector<1x1x128xf32> to vector<13x128x128xf32>
    %min3A_1772 = arith.minimumf %min3A_1770, %min3A_1771 : vector<13x128x128xf32>
    %sub3A_1773 = arith.subf %min3A_1769, %max3A_1763 : vector<13x128x128xf32>
    %max3A_1774 = arith.constant 0.000000e+00 : f32
    %max3A_1775 = vector.broadcast %max3A_1774 : f32 to vector<13x128x128xf32>
    %max3A_1776 = arith.maximumf %sub3A_1773, %max3A_1775 : vector<13x128x128xf32>
    %sub3A_1777 = arith.subf %min3A_1772, %max3A_1766 : vector<13x128x128xf32>
    %max3A_1778 = arith.constant 0.000000e+00 : f32
    %max3A_1779 = vector.broadcast %max3A_1778 : f32 to vector<13x128x128xf32>
    %max3A_1780 = arith.maximumf %sub3A_1777, %max3A_1779 : vector<13x128x128xf32>
    %mul3A_1781 = arith.mulf %max3A_1776, %max3A_1780 : vector<13x128x128xf32>
    %add3A_1782 = vector.broadcast %broadcast_in_dim3A_1755 : vector<13x128x1xf32> to vector<13x128x128xf32>
    %add3A_1783 = vector.broadcast %broadcast_in_dim3A_1760 : vector<1x1x128xf32> to vector<13x128x128xf32>
    %add3A_1784 = arith.addf %add3A_1782, %add3A_1783 : vector<13x128x128xf32>
    %sub3A_1785 = arith.subf %add3A_1784, %mul3A_1781 : vector<13x128x128xf32>
    %max3A_1786 = arith.constant 9.99999993E-9 : f32
    %max3A_1787 = vector.broadcast %max3A_1786 : f32 to vector<13x128x128xf32>
    %max3A_1788 = arith.maximumf %sub3A_1785, %max3A_1787 : vector<13x128x128xf32>
    %div3A_1789 = arith.divf %mul3A_1781, %max3A_1788 : vector<13x128x128xf32>
    %gt3A_1790 = arith.constant 0.699999988 : f32
    %gt3A_1791 = vector.broadcast %gt3A_1790 : f32 to vector<13x128x128xf32>
    %gt3A_1792 = arith.cmpf ogt, %div3A_1789, %gt3A_1791 : vector<13x128x128xf32>
    %concatenate3A_1793 = tpu.concatenate %mul3A_88, %mul3A_222, %mul3A_359, %mul3A_497, %mul3A_635, %mul3A_773, %mul3A_911, %mul3A_1049, %mul3A_1187, %mul3A_1325, %mul3A_1463, %mul3A_1601, %mul3A_1739 in 0 : vector<1x128xf32>, vector<1x128xf32>, vector<1x128xf32>, vector<1x128xf32>, vector<1x128xf32>, vector<1x128xf32>, vector<1x128xf32>, vector<1x128xf32>, vector<1x128xf32>, vector<1x128xf32>, vector<1x128xf32>, vector<1x128xf32>, vector<1x128xf32> -> vector<13x128xf32>
    %broadcast_in_dim3A_1794 = vector.shape_cast %concatenate3A_1793 : vector<13x128xf32> to vector<13x128x1xf32>
    %jit3A_1795 = arith.constant 0.000000e+00 : f32
    %broadcast_in_dim3A_1796 = vector.shape_cast %broadcast_in_dim3A_1794 : vector<13x128x1xf32> to vector<13x128x1xf32>
    %broadcast_in_dim3A_1797 = vector.broadcast %broadcast_in_dim3A_1796 : vector<13x128x1xf32> to vector<13x128x128xf32>
    %broadcast_in_dim3A_1798 = vector.broadcast %jit3A_1795 : f32 to vector<13x128x128xf32>
    %select_n3A_1799 = arith.select %gt3A_1792, %broadcast_in_dim3A_1797, %broadcast_in_dim3A_1798 : vector<13x128x128xi1>, vector<13x128x128xf32>
    %reduce_max3A_1800 = arith.constant dense<0xFF800000> : vector<128x128xf32>
    %reduce_max3A_1801 = vector.multi_reduction <maximumf>, %select_n3A_1799, %reduce_max3A_1800 [0] : vector<13x128x128xf32> to vector<128x128xf32>
    %reduce_max3A_1802 = arith.constant dense<0xFF800000> : vector<128xf32>
    %reduce_max3A_1803 = vector.multi_reduction <maximumf>, %reduce_max3A_1801, %reduce_max3A_1802 [0] : vector<128x128xf32> to vector<128xf32>
    %broadcast_in_dim3A_1804 = vector.shape_cast %reduce_max3A_1803 : vector<128xf32> to vector<1x128xf32>
    %sub3A_1805 = arith.constant 1.000000e+00 : f32
    %sub3A_1806 = vector.broadcast %sub3A_1805 : f32 to vector<1x128xf32>
    %sub3A_1807 = arith.subf %sub3A_1806, %broadcast_in_dim3A_1804 : vector<1x128xf32>
    %mul3A_1808 = arith.mulf %slice3A_1745, %sub3A_1807 : vector<1x128xf32>
    %transpose3A_1809 = tpu.transpose %slice3A_1740, [1, 0] : vector<1x128xf32> -> vector<128x1xf32>
    %transpose3A_1810 = tpu.transpose %slice3A_1741, [1, 0] : vector<1x128xf32> -> vector<128x1xf32>
    %transpose3A_1811 = tpu.transpose %slice3A_1742, [1, 0] : vector<1x128xf32> -> vector<128x1xf32>
    %transpose3A_1812 = tpu.transpose %slice3A_1743, [1, 0] : vector<1x128xf32> -> vector<128x1xf32>
    %transpose3A_1813 = tpu.transpose %slice3A_1744, [1, 0] : vector<1x128xf32> -> vector<128x1xf32>
    %max3A_1814 = vector.broadcast %transpose3A_1809 : vector<128x1xf32> to vector<128x128xf32>
    %max3A_1815 = vector.broadcast %slice3A_1740 : vector<1x128xf32> to vector<128x128xf32>
    %max3A_1816 = arith.maximumf %max3A_1814, %max3A_1815 : vector<128x128xf32>
    %max3A_1817 = vector.broadcast %transpose3A_1810 : vector<128x1xf32> to vector<128x128xf32>
    %max3A_1818 = vector.broadcast %slice3A_1741 : vector<1x128xf32> to vector<128x128xf32>
    %max3A_1819 = arith.maximumf %max3A_1817, %max3A_1818 : vector<128x128xf32>
    %min3A_1820 = vector.broadcast %transpose3A_1811 : vector<128x1xf32> to vector<128x128xf32>
    %min3A_1821 = vector.broadcast %slice3A_1742 : vector<1x128xf32> to vector<128x128xf32>
    %min3A_1822 = arith.minimumf %min3A_1820, %min3A_1821 : vector<128x128xf32>
    %min3A_1823 = vector.broadcast %transpose3A_1812 : vector<128x1xf32> to vector<128x128xf32>
    %min3A_1824 = vector.broadcast %slice3A_1743 : vector<1x128xf32> to vector<128x128xf32>
    %min3A_1825 = arith.minimumf %min3A_1823, %min3A_1824 : vector<128x128xf32>
    %sub3A_1826 = arith.subf %min3A_1822, %max3A_1816 : vector<128x128xf32>
    %max3A_1827 = arith.constant 0.000000e+00 : f32
    %max3A_1828 = vector.broadcast %max3A_1827 : f32 to vector<128x128xf32>
    %max3A_1829 = arith.maximumf %sub3A_1826, %max3A_1828 : vector<128x128xf32>
    %sub3A_1830 = arith.subf %min3A_1825, %max3A_1819 : vector<128x128xf32>
    %max3A_1831 = arith.constant 0.000000e+00 : f32
    %max3A_1832 = vector.broadcast %max3A_1831 : f32 to vector<128x128xf32>
    %max3A_1833 = arith.maximumf %sub3A_1830, %max3A_1832 : vector<128x128xf32>
    %mul3A_1834 = arith.mulf %max3A_1829, %max3A_1833 : vector<128x128xf32>
    %add3A_1835 = vector.broadcast %transpose3A_1813 : vector<128x1xf32> to vector<128x128xf32>
    %add3A_1836 = vector.broadcast %slice3A_1744 : vector<1x128xf32> to vector<128x128xf32>
    %add3A_1837 = arith.addf %add3A_1835, %add3A_1836 : vector<128x128xf32>
    %sub3A_1838 = arith.subf %add3A_1837, %mul3A_1834 : vector<128x128xf32>
    %max3A_1839 = arith.constant 9.99999993E-9 : f32
    %max3A_1840 = vector.broadcast %max3A_1839 : f32 to vector<128x128xf32>
    %max3A_1841 = arith.maximumf %sub3A_1838, %max3A_1840 : vector<128x128xf32>
    %div3A_1842 = arith.divf %mul3A_1834, %max3A_1841 : vector<128x128xf32>
    %gt3A_1843 = arith.constant 0.699999988 : f32
    %gt3A_1844 = vector.broadcast %gt3A_1843 : f32 to vector<128x128xf32>
    %gt3A_1845 = arith.cmpf ogt, %div3A_1842, %gt3A_1844 : vector<128x128xf32>
    %convert_element_type3A_1846 = arith.extui %gt3A_1845 : vector<128x128xi1> to vector<128x128xi32>
    %convert_element_type3A_1847 = arith.sitofp %convert_element_type3A_1846 : vector<128x128xi32> to vector<128x128xf32>
    %mul3A_1848 = arith.mulf %convert_element_type3A_1847, %convert_element_type3A_22 : vector<128x128xf32>
    %mul3A_1849 = vector.broadcast %mul3A_1808 : vector<1x128xf32> to vector<128x128xf32>
    %mul3A_1850 = arith.mulf %mul3A_1848, %mul3A_1849 : vector<128x128xf32>
    %transpose3A_1851 = tpu.transpose %mul3A_1808, [1, 0] : vector<1x128xf32> -> vector<128x1xf32>
    %mul3A_1852 = vector.broadcast %transpose3A_1851 : vector<128x1xf32> to vector<128x128xf32>
    %mul3A_1853 = arith.mulf %mul3A_1850, %mul3A_1852 : vector<128x128xf32>
    %broadcast_in_dim3A_1854 = arith.constant 0.000000e+00 : f32
    %broadcast_in_dim3A_1855 = vector.broadcast %broadcast_in_dim3A_1854 : f32 to vector<1x128xf32>
    %reduce_sum3A_1856 = vector.shape_cast %mul3A_1853 : vector<128x128xf32> to vector<1x128x128xf32>
    %reduce_sum3A_1857 = arith.constant dense<0.000000e+00> : vector<1xf32>
    %reduce_sum3A_1858 = vector.multi_reduction <add>, %reduce_sum3A_1856, %reduce_sum3A_1857 [1, 2] : vector<1x128x128xf32> to vector<1xf32>
    %reduce_sum3A_1859 = vector.shape_cast %reduce_sum3A_1858 : vector<1xf32> to vector<1x1x1xf32>
    %reduce_sum3A_1860 = vector.extract %reduce_sum3A_1859[0, 0, 0] : f32 from vector<1x1x1xf32>
    %gt3A_1861 = arith.constant 0.000000e+00 : f32
    %gt3A_1862 = arith.cmpf ogt, %reduce_sum3A_1860, %gt3A_1861 : f32
    %while3A_1863:2 = scf.while (%while3A_2473 = %broadcast_in_dim3A_1855, %while3A_2474 = %gt3A_1862) : (vector<1x128xf32>, i1) -> (vector<1x128xf32>, i1) {
      scf.condition(%while3A_2474) %while3A_2473, %while3A_2474 : vector<1x128xf32>, i1
    } do {
    ^bb0(%while3A_2473: vector<1x128xf32>, %while3A_2474: i1):
      %sub3A_2475 = arith.constant 1.000000e+00 : f32
      %sub3A_2476 = vector.broadcast %sub3A_2475 : f32 to vector<1x128xf32>
      %sub3A_2477 = arith.subf %sub3A_2476, %while3A_2473 : vector<1x128xf32>
      %dot_general3A_2478 = arith.constant dense<0.000000e+00> : vector<1x128xf32>
      %dot_general3A_2479 = tpu.matmul %sub3A_2477, %mul3A_1853, %dot_general3A_2478 {dimension_numbers = #tpu.dot_dimension_numbers<[1], [0], [0], [1], [0, 0, 1, 1], [], []>, transpose_lhs_hint = false} : vector<1x128xf32>, vector<128x128xf32>, vector<1x128xf32> -> vector<1x128xf32>
      %eq3A_2480 = arith.constant 0.000000e+00 : f32
      %eq3A_2481 = vector.broadcast %eq3A_2480 : f32 to vector<1x128xf32>
      %eq3A_2482 = arith.cmpf oeq, %dot_general3A_2479, %eq3A_2481 : vector<1x128xf32>
      %convert_element_type3A_2483 = arith.extui %eq3A_2482 : vector<1x128xi1> to vector<1x128xi32>
      %convert_element_type3A_2484 = arith.sitofp %convert_element_type3A_2483 : vector<1x128xi32> to vector<1x128xf32>
      %dot_general3A_2485 = arith.constant dense<0.000000e+00> : vector<1x128xf32>
      %dot_general3A_2486 = tpu.matmul %convert_element_type3A_2484, %mul3A_1853, %dot_general3A_2485 {dimension_numbers = #tpu.dot_dimension_numbers<[1], [0], [0], [1], [0, 0, 1, 1], [], []>, transpose_lhs_hint = false} : vector<1x128xf32>, vector<128x128xf32>, vector<1x128xf32> -> vector<1x128xf32>
      %gt3A_2487 = arith.constant 0.000000e+00 : f32
      %gt3A_2488 = vector.broadcast %gt3A_2487 : f32 to vector<1x128xf32>
      %gt3A_2489 = arith.cmpf ogt, %dot_general3A_2486, %gt3A_2488 : vector<1x128xf32>
      %convert_element_type3A_2490 = arith.extui %gt3A_2489 : vector<1x128xi1> to vector<1x128xi32>
      %convert_element_type3A_2491 = arith.sitofp %convert_element_type3A_2490 : vector<1x128xi32> to vector<1x128xf32>
      %max3A_2492 = arith.maximumf %while3A_2473, %convert_element_type3A_2491 : vector<1x128xf32>
      %reduce_sum3A_2493 = vector.shape_cast %max3A_2492 : vector<1x128xf32> to vector<1x1x128xf32>
      %reduce_sum3A_2494 = arith.constant dense<0.000000e+00> : vector<1xf32>
      %reduce_sum3A_2495 = vector.multi_reduction <add>, %reduce_sum3A_2493, %reduce_sum3A_2494 [1, 2] : vector<1x1x128xf32> to vector<1xf32>
      %reduce_sum3A_2496 = vector.shape_cast %reduce_sum3A_2495 : vector<1xf32> to vector<1x1x1xf32>
      %reduce_sum3A_2497 = vector.extract %reduce_sum3A_2496[0, 0, 0] : f32 from vector<1x1x1xf32>
      %reduce_sum3A_2498 = vector.shape_cast %while3A_2473 : vector<1x128xf32> to vector<1x1x128xf32>
      %reduce_sum3A_2499 = arith.constant dense<0.000000e+00> : vector<1xf32>
      %reduce_sum3A_2500 = vector.multi_reduction <add>, %reduce_sum3A_2498, %reduce_sum3A_2499 [1, 2] : vector<1x1x128xf32> to vector<1xf32>
      %reduce_sum3A_2501 = vector.shape_cast %reduce_sum3A_2500 : vector<1xf32> to vector<1x1x1xf32>
      %reduce_sum3A_2502 = vector.extract %reduce_sum3A_2501[0, 0, 0] : f32 from vector<1x1x1xf32>
      %gt3A_2503 = arith.cmpf ogt, %reduce_sum3A_2497, %reduce_sum3A_2502 : f32
      scf.yield %max3A_2492, %gt3A_2503 : vector<1x128xf32>, i1
    }
    %sub3A_1864 = arith.constant 1.000000e+00 : f32
    %sub3A_1865 = vector.broadcast %sub3A_1864 : f32 to vector<1x128xf32>
    %sub3A_1866 = arith.subf %sub3A_1865, %while3A_1863#0 : vector<1x128xf32>
    %dot_general3A_1867 = arith.constant dense<0.000000e+00> : vector<1x128xf32>
    %dot_general3A_1868 = tpu.matmul %sub3A_1866, %mul3A_1853, %dot_general3A_1867 {dimension_numbers = #tpu.dot_dimension_numbers<[1], [0], [0], [1], [0, 0, 1, 1], [], []>, transpose_lhs_hint = false} : vector<1x128xf32>, vector<128x128xf32>, vector<1x128xf32> -> vector<1x128xf32>
    %gt3A_1869 = arith.constant 0.000000e+00 : f32
    %gt3A_1870 = vector.broadcast %gt3A_1869 : f32 to vector<1x128xf32>
    %gt3A_1871 = arith.cmpf ogt, %dot_general3A_1868, %gt3A_1870 : vector<1x128xf32>
    %convert_element_type3A_1872 = arith.extui %gt3A_1871 : vector<1x128xi1> to vector<1x128xi32>
    %convert_element_type3A_1873 = arith.sitofp %convert_element_type3A_1872 : vector<1x128xi32> to vector<1x128xf32>
    %sub3A_1874 = arith.constant 1.000000e+00 : f32
    %sub3A_1875 = vector.broadcast %sub3A_1874 : f32 to vector<1x128xf32>
    %sub3A_1876 = arith.subf %sub3A_1875, %convert_element_type3A_1873 : vector<1x128xf32>
    %mul3A_1877 = arith.mulf %mul3A_1808, %sub3A_1876 : vector<1x128xf32>
    %slice3A_1878 = vector.extract_strided_slice %squeeze3A {offsets = [14, 0], sizes = [1, 128], strides = [1, 1]} : vector<16x128xf32> to vector<1x128xf32>
    %slice3A_1879 = vector.extract_strided_slice %squeeze3A_11 {offsets = [14, 0], sizes = [1, 128], strides = [1, 1]} : vector<16x128xf32> to vector<1x128xf32>
    %slice3A_1880 = vector.extract_strided_slice %squeeze3A_13 {offsets = [14, 0], sizes = [1, 128], strides = [1, 1]} : vector<16x128xf32> to vector<1x128xf32>
    %slice3A_1881 = vector.extract_strided_slice %squeeze3A_15 {offsets = [14, 0], sizes = [1, 128], strides = [1, 1]} : vector<16x128xf32> to vector<1x128xf32>
    %slice3A_1882 = vector.extract_strided_slice %mul3A {offsets = [14, 0], sizes = [1, 128], strides = [1, 1]} : vector<16x128xf32> to vector<1x128xf32>
    %slice3A_1883 = vector.extract_strided_slice %convert_element_type3A_19 {offsets = [14, 0], sizes = [1, 128], strides = [1, 1]} : vector<16x128xf32> to vector<1x128xf32>
    %slice3A_1884 = vector.extract_strided_slice %squeeze3A {offsets = [0, 0], sizes = [14, 128], strides = [1, 1]} : vector<16x128xf32> to vector<14x128xf32>
    %broadcast_in_dim3A_1885 = vector.shape_cast %slice3A_1884 : vector<14x128xf32> to vector<14x128x1xf32>
    %slice3A_1886 = vector.extract_strided_slice %squeeze3A_11 {offsets = [0, 0], sizes = [14, 128], strides = [1, 1]} : vector<16x128xf32> to vector<14x128xf32>
    %broadcast_in_dim3A_1887 = vector.shape_cast %slice3A_1886 : vector<14x128xf32> to vector<14x128x1xf32>
    %slice3A_1888 = vector.extract_strided_slice %squeeze3A_13 {offsets = [0, 0], sizes = [14, 128], strides = [1, 1]} : vector<16x128xf32> to vector<14x128xf32>
    %broadcast_in_dim3A_1889 = vector.shape_cast %slice3A_1888 : vector<14x128xf32> to vector<14x128x1xf32>
    %slice3A_1890 = vector.extract_strided_slice %squeeze3A_15 {offsets = [0, 0], sizes = [14, 128], strides = [1, 1]} : vector<16x128xf32> to vector<14x128xf32>
    %broadcast_in_dim3A_1891 = vector.shape_cast %slice3A_1890 : vector<14x128xf32> to vector<14x128x1xf32>
    %slice3A_1892 = vector.extract_strided_slice %mul3A {offsets = [0, 0], sizes = [14, 128], strides = [1, 1]} : vector<16x128xf32> to vector<14x128xf32>
    %broadcast_in_dim3A_1893 = vector.shape_cast %slice3A_1892 : vector<14x128xf32> to vector<14x128x1xf32>
    %broadcast_in_dim3A_1894 = vector.shape_cast %slice3A_1878 : vector<1x128xf32> to vector<1x1x128xf32>
    %broadcast_in_dim3A_1895 = vector.shape_cast %slice3A_1879 : vector<1x128xf32> to vector<1x1x128xf32>
    %broadcast_in_dim3A_1896 = vector.shape_cast %slice3A_1880 : vector<1x128xf32> to vector<1x1x128xf32>
    %broadcast_in_dim3A_1897 = vector.shape_cast %slice3A_1881 : vector<1x128xf32> to vector<1x1x128xf32>
    %broadcast_in_dim3A_1898 = vector.shape_cast %slice3A_1882 : vector<1x128xf32> to vector<1x1x128xf32>
    %max3A_1899 = vector.broadcast %broadcast_in_dim3A_1885 : vector<14x128x1xf32> to vector<14x128x128xf32>
    %max3A_1900 = vector.broadcast %broadcast_in_dim3A_1894 : vector<1x1x128xf32> to vector<14x128x128xf32>
    %max3A_1901 = arith.maximumf %max3A_1899, %max3A_1900 : vector<14x128x128xf32>
    %max3A_1902 = vector.broadcast %broadcast_in_dim3A_1887 : vector<14x128x1xf32> to vector<14x128x128xf32>
    %max3A_1903 = vector.broadcast %broadcast_in_dim3A_1895 : vector<1x1x128xf32> to vector<14x128x128xf32>
    %max3A_1904 = arith.maximumf %max3A_1902, %max3A_1903 : vector<14x128x128xf32>
    %min3A_1905 = vector.broadcast %broadcast_in_dim3A_1889 : vector<14x128x1xf32> to vector<14x128x128xf32>
    %min3A_1906 = vector.broadcast %broadcast_in_dim3A_1896 : vector<1x1x128xf32> to vector<14x128x128xf32>
    %min3A_1907 = arith.minimumf %min3A_1905, %min3A_1906 : vector<14x128x128xf32>
    %min3A_1908 = vector.broadcast %broadcast_in_dim3A_1891 : vector<14x128x1xf32> to vector<14x128x128xf32>
    %min3A_1909 = vector.broadcast %broadcast_in_dim3A_1897 : vector<1x1x128xf32> to vector<14x128x128xf32>
    %min3A_1910 = arith.minimumf %min3A_1908, %min3A_1909 : vector<14x128x128xf32>
    %sub3A_1911 = arith.subf %min3A_1907, %max3A_1901 : vector<14x128x128xf32>
    %max3A_1912 = arith.constant 0.000000e+00 : f32
    %max3A_1913 = vector.broadcast %max3A_1912 : f32 to vector<14x128x128xf32>
    %max3A_1914 = arith.maximumf %sub3A_1911, %max3A_1913 : vector<14x128x128xf32>
    %sub3A_1915 = arith.subf %min3A_1910, %max3A_1904 : vector<14x128x128xf32>
    %max3A_1916 = arith.constant 0.000000e+00 : f32
    %max3A_1917 = vector.broadcast %max3A_1916 : f32 to vector<14x128x128xf32>
    %max3A_1918 = arith.maximumf %sub3A_1915, %max3A_1917 : vector<14x128x128xf32>
    %mul3A_1919 = arith.mulf %max3A_1914, %max3A_1918 : vector<14x128x128xf32>
    %add3A_1920 = vector.broadcast %broadcast_in_dim3A_1893 : vector<14x128x1xf32> to vector<14x128x128xf32>
    %add3A_1921 = vector.broadcast %broadcast_in_dim3A_1898 : vector<1x1x128xf32> to vector<14x128x128xf32>
    %add3A_1922 = arith.addf %add3A_1920, %add3A_1921 : vector<14x128x128xf32>
    %sub3A_1923 = arith.subf %add3A_1922, %mul3A_1919 : vector<14x128x128xf32>
    %max3A_1924 = arith.constant 9.99999993E-9 : f32
    %max3A_1925 = vector.broadcast %max3A_1924 : f32 to vector<14x128x128xf32>
    %max3A_1926 = arith.maximumf %sub3A_1923, %max3A_1925 : vector<14x128x128xf32>
    %div3A_1927 = arith.divf %mul3A_1919, %max3A_1926 : vector<14x128x128xf32>
    %gt3A_1928 = arith.constant 0.699999988 : f32
    %gt3A_1929 = vector.broadcast %gt3A_1928 : f32 to vector<14x128x128xf32>
    %gt3A_1930 = arith.cmpf ogt, %div3A_1927, %gt3A_1929 : vector<14x128x128xf32>
    %concatenate3A_1931 = tpu.concatenate %mul3A_88, %mul3A_222, %mul3A_359, %mul3A_497, %mul3A_635, %mul3A_773, %mul3A_911, %mul3A_1049, %mul3A_1187, %mul3A_1325, %mul3A_1463, %mul3A_1601, %mul3A_1739, %mul3A_1877 in 0 : vector<1x128xf32>, vector<1x128xf32>, vector<1x128xf32>, vector<1x128xf32>, vector<1x128xf32>, vector<1x128xf32>, vector<1x128xf32>, vector<1x128xf32>, vector<1x128xf32>, vector<1x128xf32>, vector<1x128xf32>, vector<1x128xf32>, vector<1x128xf32>, vector<1x128xf32> -> vector<14x128xf32>
    %broadcast_in_dim3A_1932 = vector.shape_cast %concatenate3A_1931 : vector<14x128xf32> to vector<14x128x1xf32>
    %jit3A_1933 = arith.constant 0.000000e+00 : f32
    %broadcast_in_dim3A_1934 = vector.shape_cast %broadcast_in_dim3A_1932 : vector<14x128x1xf32> to vector<14x128x1xf32>
    %broadcast_in_dim3A_1935 = vector.broadcast %broadcast_in_dim3A_1934 : vector<14x128x1xf32> to vector<14x128x128xf32>
    %broadcast_in_dim3A_1936 = vector.broadcast %jit3A_1933 : f32 to vector<14x128x128xf32>
    %select_n3A_1937 = arith.select %gt3A_1930, %broadcast_in_dim3A_1935, %broadcast_in_dim3A_1936 : vector<14x128x128xi1>, vector<14x128x128xf32>
    %reduce_max3A_1938 = arith.constant dense<0xFF800000> : vector<128x128xf32>
    %reduce_max3A_1939 = vector.multi_reduction <maximumf>, %select_n3A_1937, %reduce_max3A_1938 [0] : vector<14x128x128xf32> to vector<128x128xf32>
    %reduce_max3A_1940 = arith.constant dense<0xFF800000> : vector<128xf32>
    %reduce_max3A_1941 = vector.multi_reduction <maximumf>, %reduce_max3A_1939, %reduce_max3A_1940 [0] : vector<128x128xf32> to vector<128xf32>
    %broadcast_in_dim3A_1942 = vector.shape_cast %reduce_max3A_1941 : vector<128xf32> to vector<1x128xf32>
    %sub3A_1943 = arith.constant 1.000000e+00 : f32
    %sub3A_1944 = vector.broadcast %sub3A_1943 : f32 to vector<1x128xf32>
    %sub3A_1945 = arith.subf %sub3A_1944, %broadcast_in_dim3A_1942 : vector<1x128xf32>
    %mul3A_1946 = arith.mulf %slice3A_1883, %sub3A_1945 : vector<1x128xf32>
    %transpose3A_1947 = tpu.transpose %slice3A_1878, [1, 0] : vector<1x128xf32> -> vector<128x1xf32>
    %transpose3A_1948 = tpu.transpose %slice3A_1879, [1, 0] : vector<1x128xf32> -> vector<128x1xf32>
    %transpose3A_1949 = tpu.transpose %slice3A_1880, [1, 0] : vector<1x128xf32> -> vector<128x1xf32>
    %transpose3A_1950 = tpu.transpose %slice3A_1881, [1, 0] : vector<1x128xf32> -> vector<128x1xf32>
    %transpose3A_1951 = tpu.transpose %slice3A_1882, [1, 0] : vector<1x128xf32> -> vector<128x1xf32>
    %max3A_1952 = vector.broadcast %transpose3A_1947 : vector<128x1xf32> to vector<128x128xf32>
    %max3A_1953 = vector.broadcast %slice3A_1878 : vector<1x128xf32> to vector<128x128xf32>
    %max3A_1954 = arith.maximumf %max3A_1952, %max3A_1953 : vector<128x128xf32>
    %max3A_1955 = vector.broadcast %transpose3A_1948 : vector<128x1xf32> to vector<128x128xf32>
    %max3A_1956 = vector.broadcast %slice3A_1879 : vector<1x128xf32> to vector<128x128xf32>
    %max3A_1957 = arith.maximumf %max3A_1955, %max3A_1956 : vector<128x128xf32>
    %min3A_1958 = vector.broadcast %transpose3A_1949 : vector<128x1xf32> to vector<128x128xf32>
    %min3A_1959 = vector.broadcast %slice3A_1880 : vector<1x128xf32> to vector<128x128xf32>
    %min3A_1960 = arith.minimumf %min3A_1958, %min3A_1959 : vector<128x128xf32>
    %min3A_1961 = vector.broadcast %transpose3A_1950 : vector<128x1xf32> to vector<128x128xf32>
    %min3A_1962 = vector.broadcast %slice3A_1881 : vector<1x128xf32> to vector<128x128xf32>
    %min3A_1963 = arith.minimumf %min3A_1961, %min3A_1962 : vector<128x128xf32>
    %sub3A_1964 = arith.subf %min3A_1960, %max3A_1954 : vector<128x128xf32>
    %max3A_1965 = arith.constant 0.000000e+00 : f32
    %max3A_1966 = vector.broadcast %max3A_1965 : f32 to vector<128x128xf32>
    %max3A_1967 = arith.maximumf %sub3A_1964, %max3A_1966 : vector<128x128xf32>
    %sub3A_1968 = arith.subf %min3A_1963, %max3A_1957 : vector<128x128xf32>
    %max3A_1969 = arith.constant 0.000000e+00 : f32
    %max3A_1970 = vector.broadcast %max3A_1969 : f32 to vector<128x128xf32>
    %max3A_1971 = arith.maximumf %sub3A_1968, %max3A_1970 : vector<128x128xf32>
    %mul3A_1972 = arith.mulf %max3A_1967, %max3A_1971 : vector<128x128xf32>
    %add3A_1973 = vector.broadcast %transpose3A_1951 : vector<128x1xf32> to vector<128x128xf32>
    %add3A_1974 = vector.broadcast %slice3A_1882 : vector<1x128xf32> to vector<128x128xf32>
    %add3A_1975 = arith.addf %add3A_1973, %add3A_1974 : vector<128x128xf32>
    %sub3A_1976 = arith.subf %add3A_1975, %mul3A_1972 : vector<128x128xf32>
    %max3A_1977 = arith.constant 9.99999993E-9 : f32
    %max3A_1978 = vector.broadcast %max3A_1977 : f32 to vector<128x128xf32>
    %max3A_1979 = arith.maximumf %sub3A_1976, %max3A_1978 : vector<128x128xf32>
    %div3A_1980 = arith.divf %mul3A_1972, %max3A_1979 : vector<128x128xf32>
    %gt3A_1981 = arith.constant 0.699999988 : f32
    %gt3A_1982 = vector.broadcast %gt3A_1981 : f32 to vector<128x128xf32>
    %gt3A_1983 = arith.cmpf ogt, %div3A_1980, %gt3A_1982 : vector<128x128xf32>
    %convert_element_type3A_1984 = arith.extui %gt3A_1983 : vector<128x128xi1> to vector<128x128xi32>
    %convert_element_type3A_1985 = arith.sitofp %convert_element_type3A_1984 : vector<128x128xi32> to vector<128x128xf32>
    %mul3A_1986 = arith.mulf %convert_element_type3A_1985, %convert_element_type3A_22 : vector<128x128xf32>
    %mul3A_1987 = vector.broadcast %mul3A_1946 : vector<1x128xf32> to vector<128x128xf32>
    %mul3A_1988 = arith.mulf %mul3A_1986, %mul3A_1987 : vector<128x128xf32>
    %transpose3A_1989 = tpu.transpose %mul3A_1946, [1, 0] : vector<1x128xf32> -> vector<128x1xf32>
    %mul3A_1990 = vector.broadcast %transpose3A_1989 : vector<128x1xf32> to vector<128x128xf32>
    %mul3A_1991 = arith.mulf %mul3A_1988, %mul3A_1990 : vector<128x128xf32>
    %broadcast_in_dim3A_1992 = arith.constant 0.000000e+00 : f32
    %broadcast_in_dim3A_1993 = vector.broadcast %broadcast_in_dim3A_1992 : f32 to vector<1x128xf32>
    %reduce_sum3A_1994 = vector.shape_cast %mul3A_1991 : vector<128x128xf32> to vector<1x128x128xf32>
    %reduce_sum3A_1995 = arith.constant dense<0.000000e+00> : vector<1xf32>
    %reduce_sum3A_1996 = vector.multi_reduction <add>, %reduce_sum3A_1994, %reduce_sum3A_1995 [1, 2] : vector<1x128x128xf32> to vector<1xf32>
    %reduce_sum3A_1997 = vector.shape_cast %reduce_sum3A_1996 : vector<1xf32> to vector<1x1x1xf32>
    %reduce_sum3A_1998 = vector.extract %reduce_sum3A_1997[0, 0, 0] : f32 from vector<1x1x1xf32>
    %gt3A_1999 = arith.constant 0.000000e+00 : f32
    %gt3A_2000 = arith.cmpf ogt, %reduce_sum3A_1998, %gt3A_1999 : f32
    %while3A_2001:2 = scf.while (%while3A_2473 = %broadcast_in_dim3A_1993, %while3A_2474 = %gt3A_2000) : (vector<1x128xf32>, i1) -> (vector<1x128xf32>, i1) {
      scf.condition(%while3A_2474) %while3A_2473, %while3A_2474 : vector<1x128xf32>, i1
    } do {
    ^bb0(%while3A_2473: vector<1x128xf32>, %while3A_2474: i1):
      %sub3A_2475 = arith.constant 1.000000e+00 : f32
      %sub3A_2476 = vector.broadcast %sub3A_2475 : f32 to vector<1x128xf32>
      %sub3A_2477 = arith.subf %sub3A_2476, %while3A_2473 : vector<1x128xf32>
      %dot_general3A_2478 = arith.constant dense<0.000000e+00> : vector<1x128xf32>
      %dot_general3A_2479 = tpu.matmul %sub3A_2477, %mul3A_1991, %dot_general3A_2478 {dimension_numbers = #tpu.dot_dimension_numbers<[1], [0], [0], [1], [0, 0, 1, 1], [], []>, transpose_lhs_hint = false} : vector<1x128xf32>, vector<128x128xf32>, vector<1x128xf32> -> vector<1x128xf32>
      %eq3A_2480 = arith.constant 0.000000e+00 : f32
      %eq3A_2481 = vector.broadcast %eq3A_2480 : f32 to vector<1x128xf32>
      %eq3A_2482 = arith.cmpf oeq, %dot_general3A_2479, %eq3A_2481 : vector<1x128xf32>
      %convert_element_type3A_2483 = arith.extui %eq3A_2482 : vector<1x128xi1> to vector<1x128xi32>
      %convert_element_type3A_2484 = arith.sitofp %convert_element_type3A_2483 : vector<1x128xi32> to vector<1x128xf32>
      %dot_general3A_2485 = arith.constant dense<0.000000e+00> : vector<1x128xf32>
      %dot_general3A_2486 = tpu.matmul %convert_element_type3A_2484, %mul3A_1991, %dot_general3A_2485 {dimension_numbers = #tpu.dot_dimension_numbers<[1], [0], [0], [1], [0, 0, 1, 1], [], []>, transpose_lhs_hint = false} : vector<1x128xf32>, vector<128x128xf32>, vector<1x128xf32> -> vector<1x128xf32>
      %gt3A_2487 = arith.constant 0.000000e+00 : f32
      %gt3A_2488 = vector.broadcast %gt3A_2487 : f32 to vector<1x128xf32>
      %gt3A_2489 = arith.cmpf ogt, %dot_general3A_2486, %gt3A_2488 : vector<1x128xf32>
      %convert_element_type3A_2490 = arith.extui %gt3A_2489 : vector<1x128xi1> to vector<1x128xi32>
      %convert_element_type3A_2491 = arith.sitofp %convert_element_type3A_2490 : vector<1x128xi32> to vector<1x128xf32>
      %max3A_2492 = arith.maximumf %while3A_2473, %convert_element_type3A_2491 : vector<1x128xf32>
      %reduce_sum3A_2493 = vector.shape_cast %max3A_2492 : vector<1x128xf32> to vector<1x1x128xf32>
      %reduce_sum3A_2494 = arith.constant dense<0.000000e+00> : vector<1xf32>
      %reduce_sum3A_2495 = vector.multi_reduction <add>, %reduce_sum3A_2493, %reduce_sum3A_2494 [1, 2] : vector<1x1x128xf32> to vector<1xf32>
      %reduce_sum3A_2496 = vector.shape_cast %reduce_sum3A_2495 : vector<1xf32> to vector<1x1x1xf32>
      %reduce_sum3A_2497 = vector.extract %reduce_sum3A_2496[0, 0, 0] : f32 from vector<1x1x1xf32>
      %reduce_sum3A_2498 = vector.shape_cast %while3A_2473 : vector<1x128xf32> to vector<1x1x128xf32>
      %reduce_sum3A_2499 = arith.constant dense<0.000000e+00> : vector<1xf32>
      %reduce_sum3A_2500 = vector.multi_reduction <add>, %reduce_sum3A_2498, %reduce_sum3A_2499 [1, 2] : vector<1x1x128xf32> to vector<1xf32>
      %reduce_sum3A_2501 = vector.shape_cast %reduce_sum3A_2500 : vector<1xf32> to vector<1x1x1xf32>
      %reduce_sum3A_2502 = vector.extract %reduce_sum3A_2501[0, 0, 0] : f32 from vector<1x1x1xf32>
      %gt3A_2503 = arith.cmpf ogt, %reduce_sum3A_2497, %reduce_sum3A_2502 : f32
      scf.yield %max3A_2492, %gt3A_2503 : vector<1x128xf32>, i1
    }
    %sub3A_2002 = arith.constant 1.000000e+00 : f32
    %sub3A_2003 = vector.broadcast %sub3A_2002 : f32 to vector<1x128xf32>
    %sub3A_2004 = arith.subf %sub3A_2003, %while3A_2001#0 : vector<1x128xf32>
    %dot_general3A_2005 = arith.constant dense<0.000000e+00> : vector<1x128xf32>
    %dot_general3A_2006 = tpu.matmul %sub3A_2004, %mul3A_1991, %dot_general3A_2005 {dimension_numbers = #tpu.dot_dimension_numbers<[1], [0], [0], [1], [0, 0, 1, 1], [], []>, transpose_lhs_hint = false} : vector<1x128xf32>, vector<128x128xf32>, vector<1x128xf32> -> vector<1x128xf32>
    %gt3A_2007 = arith.constant 0.000000e+00 : f32
    %gt3A_2008 = vector.broadcast %gt3A_2007 : f32 to vector<1x128xf32>
    %gt3A_2009 = arith.cmpf ogt, %dot_general3A_2006, %gt3A_2008 : vector<1x128xf32>
    %convert_element_type3A_2010 = arith.extui %gt3A_2009 : vector<1x128xi1> to vector<1x128xi32>
    %convert_element_type3A_2011 = arith.sitofp %convert_element_type3A_2010 : vector<1x128xi32> to vector<1x128xf32>
    %sub3A_2012 = arith.constant 1.000000e+00 : f32
    %sub3A_2013 = vector.broadcast %sub3A_2012 : f32 to vector<1x128xf32>
    %sub3A_2014 = arith.subf %sub3A_2013, %convert_element_type3A_2011 : vector<1x128xf32>
    %mul3A_2015 = arith.mulf %mul3A_1946, %sub3A_2014 : vector<1x128xf32>
    %slice3A_2016 = vector.extract_strided_slice %squeeze3A {offsets = [15, 0], sizes = [1, 128], strides = [1, 1]} : vector<16x128xf32> to vector<1x128xf32>
    %slice3A_2017 = vector.extract_strided_slice %squeeze3A_11 {offsets = [15, 0], sizes = [1, 128], strides = [1, 1]} : vector<16x128xf32> to vector<1x128xf32>
    %slice3A_2018 = vector.extract_strided_slice %squeeze3A_13 {offsets = [15, 0], sizes = [1, 128], strides = [1, 1]} : vector<16x128xf32> to vector<1x128xf32>
    %slice3A_2019 = vector.extract_strided_slice %squeeze3A_15 {offsets = [15, 0], sizes = [1, 128], strides = [1, 1]} : vector<16x128xf32> to vector<1x128xf32>
    %slice3A_2020 = vector.extract_strided_slice %mul3A {offsets = [15, 0], sizes = [1, 128], strides = [1, 1]} : vector<16x128xf32> to vector<1x128xf32>
    %slice3A_2021 = vector.extract_strided_slice %convert_element_type3A_19 {offsets = [15, 0], sizes = [1, 128], strides = [1, 1]} : vector<16x128xf32> to vector<1x128xf32>
    %slice3A_2022 = vector.extract_strided_slice %squeeze3A {offsets = [0, 0], sizes = [15, 128], strides = [1, 1]} : vector<16x128xf32> to vector<15x128xf32>
    %broadcast_in_dim3A_2023 = vector.shape_cast %slice3A_2022 : vector<15x128xf32> to vector<15x128x1xf32>
    %slice3A_2024 = vector.extract_strided_slice %squeeze3A_11 {offsets = [0, 0], sizes = [15, 128], strides = [1, 1]} : vector<16x128xf32> to vector<15x128xf32>
    %broadcast_in_dim3A_2025 = vector.shape_cast %slice3A_2024 : vector<15x128xf32> to vector<15x128x1xf32>
    %slice3A_2026 = vector.extract_strided_slice %squeeze3A_13 {offsets = [0, 0], sizes = [15, 128], strides = [1, 1]} : vector<16x128xf32> to vector<15x128xf32>
    %broadcast_in_dim3A_2027 = vector.shape_cast %slice3A_2026 : vector<15x128xf32> to vector<15x128x1xf32>
    %slice3A_2028 = vector.extract_strided_slice %squeeze3A_15 {offsets = [0, 0], sizes = [15, 128], strides = [1, 1]} : vector<16x128xf32> to vector<15x128xf32>
    %broadcast_in_dim3A_2029 = vector.shape_cast %slice3A_2028 : vector<15x128xf32> to vector<15x128x1xf32>
    %slice3A_2030 = vector.extract_strided_slice %mul3A {offsets = [0, 0], sizes = [15, 128], strides = [1, 1]} : vector<16x128xf32> to vector<15x128xf32>
    %broadcast_in_dim3A_2031 = vector.shape_cast %slice3A_2030 : vector<15x128xf32> to vector<15x128x1xf32>
    %broadcast_in_dim3A_2032 = vector.shape_cast %slice3A_2016 : vector<1x128xf32> to vector<1x1x128xf32>
    %broadcast_in_dim3A_2033 = vector.shape_cast %slice3A_2017 : vector<1x128xf32> to vector<1x1x128xf32>
    %broadcast_in_dim3A_2034 = vector.shape_cast %slice3A_2018 : vector<1x128xf32> to vector<1x1x128xf32>
    %broadcast_in_dim3A_2035 = vector.shape_cast %slice3A_2019 : vector<1x128xf32> to vector<1x1x128xf32>
    %broadcast_in_dim3A_2036 = vector.shape_cast %slice3A_2020 : vector<1x128xf32> to vector<1x1x128xf32>
    %max3A_2037 = vector.broadcast %broadcast_in_dim3A_2023 : vector<15x128x1xf32> to vector<15x128x128xf32>
    %max3A_2038 = vector.broadcast %broadcast_in_dim3A_2032 : vector<1x1x128xf32> to vector<15x128x128xf32>
    %max3A_2039 = arith.maximumf %max3A_2037, %max3A_2038 : vector<15x128x128xf32>
    %max3A_2040 = vector.broadcast %broadcast_in_dim3A_2025 : vector<15x128x1xf32> to vector<15x128x128xf32>
    %max3A_2041 = vector.broadcast %broadcast_in_dim3A_2033 : vector<1x1x128xf32> to vector<15x128x128xf32>
    %max3A_2042 = arith.maximumf %max3A_2040, %max3A_2041 : vector<15x128x128xf32>
    %min3A_2043 = vector.broadcast %broadcast_in_dim3A_2027 : vector<15x128x1xf32> to vector<15x128x128xf32>
    %min3A_2044 = vector.broadcast %broadcast_in_dim3A_2034 : vector<1x1x128xf32> to vector<15x128x128xf32>
    %min3A_2045 = arith.minimumf %min3A_2043, %min3A_2044 : vector<15x128x128xf32>
    %min3A_2046 = vector.broadcast %broadcast_in_dim3A_2029 : vector<15x128x1xf32> to vector<15x128x128xf32>
    %min3A_2047 = vector.broadcast %broadcast_in_dim3A_2035 : vector<1x1x128xf32> to vector<15x128x128xf32>
    %min3A_2048 = arith.minimumf %min3A_2046, %min3A_2047 : vector<15x128x128xf32>
    %sub3A_2049 = arith.subf %min3A_2045, %max3A_2039 : vector<15x128x128xf32>
    %max3A_2050 = arith.constant 0.000000e+00 : f32
    %max3A_2051 = vector.broadcast %max3A_2050 : f32 to vector<15x128x128xf32>
    %max3A_2052 = arith.maximumf %sub3A_2049, %max3A_2051 : vector<15x128x128xf32>
    %sub3A_2053 = arith.subf %min3A_2048, %max3A_2042 : vector<15x128x128xf32>
    %max3A_2054 = arith.constant 0.000000e+00 : f32
    %max3A_2055 = vector.broadcast %max3A_2054 : f32 to vector<15x128x128xf32>
    %max3A_2056 = arith.maximumf %sub3A_2053, %max3A_2055 : vector<15x128x128xf32>
    %mul3A_2057 = arith.mulf %max3A_2052, %max3A_2056 : vector<15x128x128xf32>
    %add3A_2058 = vector.broadcast %broadcast_in_dim3A_2031 : vector<15x128x1xf32> to vector<15x128x128xf32>
    %add3A_2059 = vector.broadcast %broadcast_in_dim3A_2036 : vector<1x1x128xf32> to vector<15x128x128xf32>
    %add3A_2060 = arith.addf %add3A_2058, %add3A_2059 : vector<15x128x128xf32>
    %sub3A_2061 = arith.subf %add3A_2060, %mul3A_2057 : vector<15x128x128xf32>
    %max3A_2062 = arith.constant 9.99999993E-9 : f32
    %max3A_2063 = vector.broadcast %max3A_2062 : f32 to vector<15x128x128xf32>
    %max3A_2064 = arith.maximumf %sub3A_2061, %max3A_2063 : vector<15x128x128xf32>
    %div3A_2065 = arith.divf %mul3A_2057, %max3A_2064 : vector<15x128x128xf32>
    %gt3A_2066 = arith.constant 0.699999988 : f32
    %gt3A_2067 = vector.broadcast %gt3A_2066 : f32 to vector<15x128x128xf32>
    %gt3A_2068 = arith.cmpf ogt, %div3A_2065, %gt3A_2067 : vector<15x128x128xf32>
    %concatenate3A_2069 = tpu.concatenate %mul3A_88, %mul3A_222, %mul3A_359, %mul3A_497, %mul3A_635, %mul3A_773, %mul3A_911, %mul3A_1049, %mul3A_1187, %mul3A_1325, %mul3A_1463, %mul3A_1601, %mul3A_1739, %mul3A_1877, %mul3A_2015 in 0 : vector<1x128xf32>, vector<1x128xf32>, vector<1x128xf32>, vector<1x128xf32>, vector<1x128xf32>, vector<1x128xf32>, vector<1x128xf32>, vector<1x128xf32>, vector<1x128xf32>, vector<1x128xf32>, vector<1x128xf32>, vector<1x128xf32>, vector<1x128xf32>, vector<1x128xf32>, vector<1x128xf32> -> vector<15x128xf32>
    %broadcast_in_dim3A_2070 = vector.shape_cast %concatenate3A_2069 : vector<15x128xf32> to vector<15x128x1xf32>
    %jit3A_2071 = arith.constant 0.000000e+00 : f32
    %broadcast_in_dim3A_2072 = vector.shape_cast %broadcast_in_dim3A_2070 : vector<15x128x1xf32> to vector<15x128x1xf32>
    %broadcast_in_dim3A_2073 = vector.broadcast %broadcast_in_dim3A_2072 : vector<15x128x1xf32> to vector<15x128x128xf32>
    %broadcast_in_dim3A_2074 = vector.broadcast %jit3A_2071 : f32 to vector<15x128x128xf32>
    %select_n3A_2075 = arith.select %gt3A_2068, %broadcast_in_dim3A_2073, %broadcast_in_dim3A_2074 : vector<15x128x128xi1>, vector<15x128x128xf32>
    %reduce_max3A_2076 = arith.constant dense<0xFF800000> : vector<128x128xf32>
    %reduce_max3A_2077 = vector.multi_reduction <maximumf>, %select_n3A_2075, %reduce_max3A_2076 [0] : vector<15x128x128xf32> to vector<128x128xf32>
    %reduce_max3A_2078 = arith.constant dense<0xFF800000> : vector<128xf32>
    %reduce_max3A_2079 = vector.multi_reduction <maximumf>, %reduce_max3A_2077, %reduce_max3A_2078 [0] : vector<128x128xf32> to vector<128xf32>
    %broadcast_in_dim3A_2080 = vector.shape_cast %reduce_max3A_2079 : vector<128xf32> to vector<1x128xf32>
    %sub3A_2081 = arith.constant 1.000000e+00 : f32
    %sub3A_2082 = vector.broadcast %sub3A_2081 : f32 to vector<1x128xf32>
    %sub3A_2083 = arith.subf %sub3A_2082, %broadcast_in_dim3A_2080 : vector<1x128xf32>
    %mul3A_2084 = arith.mulf %slice3A_2021, %sub3A_2083 : vector<1x128xf32>
    %transpose3A_2085 = tpu.transpose %slice3A_2016, [1, 0] : vector<1x128xf32> -> vector<128x1xf32>
    %transpose3A_2086 = tpu.transpose %slice3A_2017, [1, 0] : vector<1x128xf32> -> vector<128x1xf32>
    %transpose3A_2087 = tpu.transpose %slice3A_2018, [1, 0] : vector<1x128xf32> -> vector<128x1xf32>
    %transpose3A_2088 = tpu.transpose %slice3A_2019, [1, 0] : vector<1x128xf32> -> vector<128x1xf32>
    %transpose3A_2089 = tpu.transpose %slice3A_2020, [1, 0] : vector<1x128xf32> -> vector<128x1xf32>
    %max3A_2090 = vector.broadcast %transpose3A_2085 : vector<128x1xf32> to vector<128x128xf32>
    %max3A_2091 = vector.broadcast %slice3A_2016 : vector<1x128xf32> to vector<128x128xf32>
    %max3A_2092 = arith.maximumf %max3A_2090, %max3A_2091 : vector<128x128xf32>
    %max3A_2093 = vector.broadcast %transpose3A_2086 : vector<128x1xf32> to vector<128x128xf32>
    %max3A_2094 = vector.broadcast %slice3A_2017 : vector<1x128xf32> to vector<128x128xf32>
    %max3A_2095 = arith.maximumf %max3A_2093, %max3A_2094 : vector<128x128xf32>
    %min3A_2096 = vector.broadcast %transpose3A_2087 : vector<128x1xf32> to vector<128x128xf32>
    %min3A_2097 = vector.broadcast %slice3A_2018 : vector<1x128xf32> to vector<128x128xf32>
    %min3A_2098 = arith.minimumf %min3A_2096, %min3A_2097 : vector<128x128xf32>
    %min3A_2099 = vector.broadcast %transpose3A_2088 : vector<128x1xf32> to vector<128x128xf32>
    %min3A_2100 = vector.broadcast %slice3A_2019 : vector<1x128xf32> to vector<128x128xf32>
    %min3A_2101 = arith.minimumf %min3A_2099, %min3A_2100 : vector<128x128xf32>
    %sub3A_2102 = arith.subf %min3A_2098, %max3A_2092 : vector<128x128xf32>
    %max3A_2103 = arith.constant 0.000000e+00 : f32
    %max3A_2104 = vector.broadcast %max3A_2103 : f32 to vector<128x128xf32>
    %max3A_2105 = arith.maximumf %sub3A_2102, %max3A_2104 : vector<128x128xf32>
    %sub3A_2106 = arith.subf %min3A_2101, %max3A_2095 : vector<128x128xf32>
    %max3A_2107 = arith.constant 0.000000e+00 : f32
    %max3A_2108 = vector.broadcast %max3A_2107 : f32 to vector<128x128xf32>
    %max3A_2109 = arith.maximumf %sub3A_2106, %max3A_2108 : vector<128x128xf32>
    %mul3A_2110 = arith.mulf %max3A_2105, %max3A_2109 : vector<128x128xf32>
    %add3A_2111 = vector.broadcast %transpose3A_2089 : vector<128x1xf32> to vector<128x128xf32>
    %add3A_2112 = vector.broadcast %slice3A_2020 : vector<1x128xf32> to vector<128x128xf32>
    %add3A_2113 = arith.addf %add3A_2111, %add3A_2112 : vector<128x128xf32>
    %sub3A_2114 = arith.subf %add3A_2113, %mul3A_2110 : vector<128x128xf32>
    %max3A_2115 = arith.constant 9.99999993E-9 : f32
    %max3A_2116 = vector.broadcast %max3A_2115 : f32 to vector<128x128xf32>
    %max3A_2117 = arith.maximumf %sub3A_2114, %max3A_2116 : vector<128x128xf32>
    %div3A_2118 = arith.divf %mul3A_2110, %max3A_2117 : vector<128x128xf32>
    %gt3A_2119 = arith.constant 0.699999988 : f32
    %gt3A_2120 = vector.broadcast %gt3A_2119 : f32 to vector<128x128xf32>
    %gt3A_2121 = arith.cmpf ogt, %div3A_2118, %gt3A_2120 : vector<128x128xf32>
    %convert_element_type3A_2122 = arith.extui %gt3A_2121 : vector<128x128xi1> to vector<128x128xi32>
    %convert_element_type3A_2123 = arith.sitofp %convert_element_type3A_2122 : vector<128x128xi32> to vector<128x128xf32>
    %mul3A_2124 = arith.mulf %convert_element_type3A_2123, %convert_element_type3A_22 : vector<128x128xf32>
    %mul3A_2125 = vector.broadcast %mul3A_2084 : vector<1x128xf32> to vector<128x128xf32>
    %mul3A_2126 = arith.mulf %mul3A_2124, %mul3A_2125 : vector<128x128xf32>
    %transpose3A_2127 = tpu.transpose %mul3A_2084, [1, 0] : vector<1x128xf32> -> vector<128x1xf32>
    %mul3A_2128 = vector.broadcast %transpose3A_2127 : vector<128x1xf32> to vector<128x128xf32>
    %mul3A_2129 = arith.mulf %mul3A_2126, %mul3A_2128 : vector<128x128xf32>
    %broadcast_in_dim3A_2130 = arith.constant 0.000000e+00 : f32
    %broadcast_in_dim3A_2131 = vector.broadcast %broadcast_in_dim3A_2130 : f32 to vector<1x128xf32>
    %reduce_sum3A_2132 = vector.shape_cast %mul3A_2129 : vector<128x128xf32> to vector<1x128x128xf32>
    %reduce_sum3A_2133 = arith.constant dense<0.000000e+00> : vector<1xf32>
    %reduce_sum3A_2134 = vector.multi_reduction <add>, %reduce_sum3A_2132, %reduce_sum3A_2133 [1, 2] : vector<1x128x128xf32> to vector<1xf32>
    %reduce_sum3A_2135 = vector.shape_cast %reduce_sum3A_2134 : vector<1xf32> to vector<1x1x1xf32>
    %reduce_sum3A_2136 = vector.extract %reduce_sum3A_2135[0, 0, 0] : f32 from vector<1x1x1xf32>
    %gt3A_2137 = arith.constant 0.000000e+00 : f32
    %gt3A_2138 = arith.cmpf ogt, %reduce_sum3A_2136, %gt3A_2137 : f32
    %while3A_2139:2 = scf.while (%while3A_2473 = %broadcast_in_dim3A_2131, %while3A_2474 = %gt3A_2138) : (vector<1x128xf32>, i1) -> (vector<1x128xf32>, i1) {
      scf.condition(%while3A_2474) %while3A_2473, %while3A_2474 : vector<1x128xf32>, i1
    } do {
    ^bb0(%while3A_2473: vector<1x128xf32>, %while3A_2474: i1):
      %sub3A_2475 = arith.constant 1.000000e+00 : f32
      %sub3A_2476 = vector.broadcast %sub3A_2475 : f32 to vector<1x128xf32>
      %sub3A_2477 = arith.subf %sub3A_2476, %while3A_2473 : vector<1x128xf32>
      %dot_general3A_2478 = arith.constant dense<0.000000e+00> : vector<1x128xf32>
      %dot_general3A_2479 = tpu.matmul %sub3A_2477, %mul3A_2129, %dot_general3A_2478 {dimension_numbers = #tpu.dot_dimension_numbers<[1], [0], [0], [1], [0, 0, 1, 1], [], []>, transpose_lhs_hint = false} : vector<1x128xf32>, vector<128x128xf32>, vector<1x128xf32> -> vector<1x128xf32>
      %eq3A_2480 = arith.constant 0.000000e+00 : f32
      %eq3A_2481 = vector.broadcast %eq3A_2480 : f32 to vector<1x128xf32>
      %eq3A_2482 = arith.cmpf oeq, %dot_general3A_2479, %eq3A_2481 : vector<1x128xf32>
      %convert_element_type3A_2483 = arith.extui %eq3A_2482 : vector<1x128xi1> to vector<1x128xi32>
      %convert_element_type3A_2484 = arith.sitofp %convert_element_type3A_2483 : vector<1x128xi32> to vector<1x128xf32>
      %dot_general3A_2485 = arith.constant dense<0.000000e+00> : vector<1x128xf32>
      %dot_general3A_2486 = tpu.matmul %convert_element_type3A_2484, %mul3A_2129, %dot_general3A_2485 {dimension_numbers = #tpu.dot_dimension_numbers<[1], [0], [0], [1], [0, 0, 1, 1], [], []>, transpose_lhs_hint = false} : vector<1x128xf32>, vector<128x128xf32>, vector<1x128xf32> -> vector<1x128xf32>
      %gt3A_2487 = arith.constant 0.000000e+00 : f32
      %gt3A_2488 = vector.broadcast %gt3A_2487 : f32 to vector<1x128xf32>
      %gt3A_2489 = arith.cmpf ogt, %dot_general3A_2486, %gt3A_2488 : vector<1x128xf32>
      %convert_element_type3A_2490 = arith.extui %gt3A_2489 : vector<1x128xi1> to vector<1x128xi32>
      %convert_element_type3A_2491 = arith.sitofp %convert_element_type3A_2490 : vector<1x128xi32> to vector<1x128xf32>
      %max3A_2492 = arith.maximumf %while3A_2473, %convert_element_type3A_2491 : vector<1x128xf32>
      %reduce_sum3A_2493 = vector.shape_cast %max3A_2492 : vector<1x128xf32> to vector<1x1x128xf32>
      %reduce_sum3A_2494 = arith.constant dense<0.000000e+00> : vector<1xf32>
      %reduce_sum3A_2495 = vector.multi_reduction <add>, %reduce_sum3A_2493, %reduce_sum3A_2494 [1, 2] : vector<1x1x128xf32> to vector<1xf32>
      %reduce_sum3A_2496 = vector.shape_cast %reduce_sum3A_2495 : vector<1xf32> to vector<1x1x1xf32>
      %reduce_sum3A_2497 = vector.extract %reduce_sum3A_2496[0, 0, 0] : f32 from vector<1x1x1xf32>
      %reduce_sum3A_2498 = vector.shape_cast %while3A_2473 : vector<1x128xf32> to vector<1x1x128xf32>
      %reduce_sum3A_2499 = arith.constant dense<0.000000e+00> : vector<1xf32>
      %reduce_sum3A_2500 = vector.multi_reduction <add>, %reduce_sum3A_2498, %reduce_sum3A_2499 [1, 2] : vector<1x1x128xf32> to vector<1xf32>
      %reduce_sum3A_2501 = vector.shape_cast %reduce_sum3A_2500 : vector<1xf32> to vector<1x1x1xf32>
      %reduce_sum3A_2502 = vector.extract %reduce_sum3A_2501[0, 0, 0] : f32 from vector<1x1x1xf32>
      %gt3A_2503 = arith.cmpf ogt, %reduce_sum3A_2497, %reduce_sum3A_2502 : f32
      scf.yield %max3A_2492, %gt3A_2503 : vector<1x128xf32>, i1
    }
    %sub3A_2140 = arith.constant 1.000000e+00 : f32
    %sub3A_2141 = vector.broadcast %sub3A_2140 : f32 to vector<1x128xf32>
    %sub3A_2142 = arith.subf %sub3A_2141, %while3A_2139#0 : vector<1x128xf32>
    %dot_general3A_2143 = arith.constant dense<0.000000e+00> : vector<1x128xf32>
    %dot_general3A_2144 = tpu.matmul %sub3A_2142, %mul3A_2129, %dot_general3A_2143 {dimension_numbers = #tpu.dot_dimension_numbers<[1], [0], [0], [1], [0, 0, 1, 1], [], []>, transpose_lhs_hint = false} : vector<1x128xf32>, vector<128x128xf32>, vector<1x128xf32> -> vector<1x128xf32>
    %gt3A_2145 = arith.constant 0.000000e+00 : f32
    %gt3A_2146 = vector.broadcast %gt3A_2145 : f32 to vector<1x128xf32>
    %gt3A_2147 = arith.cmpf ogt, %dot_general3A_2144, %gt3A_2146 : vector<1x128xf32>
    %convert_element_type3A_2148 = arith.extui %gt3A_2147 : vector<1x128xi1> to vector<1x128xi32>
    %convert_element_type3A_2149 = arith.sitofp %convert_element_type3A_2148 : vector<1x128xi32> to vector<1x128xf32>
    %sub3A_2150 = arith.constant 1.000000e+00 : f32
    %sub3A_2151 = vector.broadcast %sub3A_2150 : f32 to vector<1x128xf32>
    %sub3A_2152 = arith.subf %sub3A_2151, %convert_element_type3A_2149 : vector<1x128xf32>
    %mul3A_2153 = arith.mulf %mul3A_2084, %sub3A_2152 : vector<1x128xf32>
    %concatenate3A_2154 = tpu.concatenate %mul3A_88, %mul3A_222, %mul3A_359, %mul3A_497, %mul3A_635, %mul3A_773, %mul3A_911, %mul3A_1049, %mul3A_1187, %mul3A_1325, %mul3A_1463, %mul3A_1601, %mul3A_1739, %mul3A_1877, %mul3A_2015, %mul3A_2153 in 0 : vector<1x128xf32>, vector<1x128xf32>, vector<1x128xf32>, vector<1x128xf32>, vector<1x128xf32>, vector<1x128xf32>, vector<1x128xf32>, vector<1x128xf32>, vector<1x128xf32>, vector<1x128xf32>, vector<1x128xf32>, vector<1x128xf32>, vector<1x128xf32>, vector<1x128xf32>, vector<1x128xf32>, vector<1x128xf32> -> vector<16x128xf32>
    %lt3A_2155 = arith.cmpi slt, %iota3A_20, %iota3A : vector<128x128xi32>
    %convert_element_type3A_2156 = arith.extui %lt3A_2155 : vector<128x128xi1> to vector<128x128xi32>
    %convert_element_type3A_2157 = arith.sitofp %convert_element_type3A_2156 : vector<128x128xi32> to vector<128x128xf32>
    %dot_general3A_2158 = arith.constant dense<0.000000e+00> : vector<16x128xf32>
    %dot_general3A_2159 = tpu.matmul %concatenate3A_2154, %convert_element_type3A_2157, %dot_general3A_2158 {dimension_numbers = #tpu.dot_dimension_numbers<[1], [1], [0], [0], [0, 0, 1, 0], [], []>, precision = #tpu.contract_precision<fp32>, transpose_lhs_hint = false} : vector<16x128xf32>, vector<128x128xf32>, vector<16x128xf32> -> vector<16x128xf32>
    %slice3A_2160 = vector.extract_strided_slice %dot_general3A_2159 {offsets = [0, 127], sizes = [16, 1], strides = [1, 1]} : vector<16x128xf32> to vector<16x1xf32>
    %slice3A_2161 = vector.extract_strided_slice %concatenate3A_2154 {offsets = [0, 127], sizes = [16, 1], strides = [1, 1]} : vector<16x128xf32> to vector<16x1xf32>
    %add3A_2162 = arith.addf %slice3A_2160, %slice3A_2161 : vector<16x1xf32>
    %iota3A_2163 = tpu.iota {dimensions = array<i32: 0>} : vector<16x16xi32>
    %iota3A_2164 = tpu.iota {dimensions = array<i32: 1>} : vector<16x16xi32>
    %lt3A_2165 = arith.cmpi slt, %iota3A_2164, %iota3A_2163 : vector<16x16xi32>
    %transpose3A_2166 = tpu.transpose %add3A_2162, [1, 0] : vector<16x1xf32> -> vector<1x16xf32>
    %jit3A_2167 = arith.constant 0.000000e+00 : f32
    %broadcast_in_dim3A_2168 = vector.shape_cast %transpose3A_2166 : vector<1x16xf32> to vector<1x16xf32>
    %broadcast_in_dim3A_2169 = vector.broadcast %broadcast_in_dim3A_2168 : vector<1x16xf32> to vector<16x16xf32>
    %broadcast_in_dim3A_2170 = vector.broadcast %jit3A_2167 : f32 to vector<16x16xf32>
    %select_n3A_2171 = arith.select %lt3A_2165, %broadcast_in_dim3A_2169, %broadcast_in_dim3A_2170 : vector<16x16xi1>, vector<16x16xf32>
    %reduce_sum3A_2172 = arith.constant dense<0.000000e+00> : vector<16xf32>
    %reduce_sum3A_2173 = vector.multi_reduction <add>, %select_n3A_2171, %reduce_sum3A_2172 [1] : vector<16x16xf32> to vector<16xf32>
    %broadcast_in_dim3A_2174 = vector.shape_cast %reduce_sum3A_2173 : vector<16xf32> to vector<16x1xf32>
    %add3A_2175 = vector.broadcast %broadcast_in_dim3A_2174 : vector<16x1xf32> to vector<16x128xf32>
    %add3A_2176 = arith.addf %dot_general3A_2159, %add3A_2175 : vector<16x128xf32>
    %iota3A_2177 = tpu.iota {dimensions = array<i32: 0>} : vector<1024x128xi32>
    %convert_element_type3A_2178 = arith.fptosi %add3A_2176 : vector<16x128xf32> to vector<16x128xi32>
    %broadcast_in_dim3A_2179 = arith.constant 0.000000e+00 : f32
    %broadcast_in_dim3A_2180 = vector.broadcast %broadcast_in_dim3A_2179 : f32 to vector<8x1024xf32>
    %slice3A_2181 = vector.extract_strided_slice %convert_element_type3A_2178 {offsets = [0, 0], sizes = [1, 128], strides = [1, 1]} : vector<16x128xi32> to vector<1x128xi32>
    %eq3A = vector.broadcast %slice3A_2181 : vector<1x128xi32> to vector<1024x128xi32>
    %eq3A_2182 = arith.cmpi eq, %iota3A_2177, %eq3A : vector<1024x128xi32>
    %slice3A_2183 = vector.extract_strided_slice %concatenate3A_2154 {offsets = [0, 0], sizes = [1, 128], strides = [1, 1]} : vector<16x128xf32> to vector<1x128xf32>
    %jit3A_2184 = arith.constant 0.000000e+00 : f32
    %broadcast_in_dim3A_2185 = vector.shape_cast %slice3A_2183 : vector<1x128xf32> to vector<1x128xf32>
    %broadcast_in_dim3A_2186 = vector.broadcast %broadcast_in_dim3A_2185 : vector<1x128xf32> to vector<1024x128xf32>
    %broadcast_in_dim3A_2187 = vector.broadcast %jit3A_2184 : f32 to vector<1024x128xf32>
    %select_n3A_2188 = arith.select %eq3A_2182, %broadcast_in_dim3A_2186, %broadcast_in_dim3A_2187 : vector<1024x128xi1>, vector<1024x128xf32>
    %get3A_2189 = arith.constant 0 : index
    %get3A_2190 = arith.constant 0 : index
    %get3A_2191 = arith.constant 0 : index
    %get3A_2192 = arith.constant 0 : index
    %get3A_2193 = vector.load %arg3[%get3A_2189, %get3A_2190, %get3A_2191, %get3A_2192] : memref<1x8x16x128xf32, #tpu.memory_space<vmem>>, vector<1x8x1x128xf32>
    %get3A_2194 = vector.shape_cast %get3A_2193 : vector<1x8x1x128xf32> to vector<8x128xf32>
    %dot_general3A_2195 = arith.constant dense<0.000000e+00> : vector<8x1024xf32>
    %dot_general3A_2196 = tpu.matmul %get3A_2194, %select_n3A_2188, %dot_general3A_2195 {dimension_numbers = #tpu.dot_dimension_numbers<[1], [1], [0], [0], [0, 0, 1, 0], [], []>, precision = #tpu.contract_precision<fp32>, transpose_lhs_hint = false} : vector<8x128xf32>, vector<1024x128xf32>, vector<8x1024xf32> -> vector<8x1024xf32>
    %add3A_2197 = arith.addf %broadcast_in_dim3A_2180, %dot_general3A_2196 : vector<8x1024xf32>
    %slice3A_2198 = vector.extract_strided_slice %convert_element_type3A_2178 {offsets = [1, 0], sizes = [1, 128], strides = [1, 1]} : vector<16x128xi32> to vector<1x128xi32>
    %eq3A_2199 = vector.broadcast %slice3A_2198 : vector<1x128xi32> to vector<1024x128xi32>
    %eq3A_2200 = arith.cmpi eq, %iota3A_2177, %eq3A_2199 : vector<1024x128xi32>
    %slice3A_2201 = vector.extract_strided_slice %concatenate3A_2154 {offsets = [1, 0], sizes = [1, 128], strides = [1, 1]} : vector<16x128xf32> to vector<1x128xf32>
    %jit3A_2202 = arith.constant 0.000000e+00 : f32
    %broadcast_in_dim3A_2203 = vector.shape_cast %slice3A_2201 : vector<1x128xf32> to vector<1x128xf32>
    %broadcast_in_dim3A_2204 = vector.broadcast %broadcast_in_dim3A_2203 : vector<1x128xf32> to vector<1024x128xf32>
    %broadcast_in_dim3A_2205 = vector.broadcast %jit3A_2202 : f32 to vector<1024x128xf32>
    %select_n3A_2206 = arith.select %eq3A_2200, %broadcast_in_dim3A_2204, %broadcast_in_dim3A_2205 : vector<1024x128xi1>, vector<1024x128xf32>
    %get3A_2207 = arith.constant 0 : index
    %get3A_2208 = arith.constant 0 : index
    %get3A_2209 = arith.constant 1 : index
    %get3A_2210 = arith.constant 0 : index
    %get3A_2211 = vector.load %arg3[%get3A_2207, %get3A_2208, %get3A_2209, %get3A_2210] : memref<1x8x16x128xf32, #tpu.memory_space<vmem>>, vector<1x8x1x128xf32>
    %get3A_2212 = vector.shape_cast %get3A_2211 : vector<1x8x1x128xf32> to vector<8x128xf32>
    %dot_general3A_2213 = arith.constant dense<0.000000e+00> : vector<8x1024xf32>
    %dot_general3A_2214 = tpu.matmul %get3A_2212, %select_n3A_2206, %dot_general3A_2213 {dimension_numbers = #tpu.dot_dimension_numbers<[1], [1], [0], [0], [0, 0, 1, 0], [], []>, precision = #tpu.contract_precision<fp32>, transpose_lhs_hint = false} : vector<8x128xf32>, vector<1024x128xf32>, vector<8x1024xf32> -> vector<8x1024xf32>
    %add3A_2215 = arith.addf %add3A_2197, %dot_general3A_2214 : vector<8x1024xf32>
    %slice3A_2216 = vector.extract_strided_slice %convert_element_type3A_2178 {offsets = [2, 0], sizes = [1, 128], strides = [1, 1]} : vector<16x128xi32> to vector<1x128xi32>
    %eq3A_2217 = vector.broadcast %slice3A_2216 : vector<1x128xi32> to vector<1024x128xi32>
    %eq3A_2218 = arith.cmpi eq, %iota3A_2177, %eq3A_2217 : vector<1024x128xi32>
    %slice3A_2219 = vector.extract_strided_slice %concatenate3A_2154 {offsets = [2, 0], sizes = [1, 128], strides = [1, 1]} : vector<16x128xf32> to vector<1x128xf32>
    %jit3A_2220 = arith.constant 0.000000e+00 : f32
    %broadcast_in_dim3A_2221 = vector.shape_cast %slice3A_2219 : vector<1x128xf32> to vector<1x128xf32>
    %broadcast_in_dim3A_2222 = vector.broadcast %broadcast_in_dim3A_2221 : vector<1x128xf32> to vector<1024x128xf32>
    %broadcast_in_dim3A_2223 = vector.broadcast %jit3A_2220 : f32 to vector<1024x128xf32>
    %select_n3A_2224 = arith.select %eq3A_2218, %broadcast_in_dim3A_2222, %broadcast_in_dim3A_2223 : vector<1024x128xi1>, vector<1024x128xf32>
    %get3A_2225 = arith.constant 0 : index
    %get3A_2226 = arith.constant 0 : index
    %get3A_2227 = arith.constant 2 : index
    %get3A_2228 = arith.constant 0 : index
    %get3A_2229 = vector.load %arg3[%get3A_2225, %get3A_2226, %get3A_2227, %get3A_2228] : memref<1x8x16x128xf32, #tpu.memory_space<vmem>>, vector<1x8x1x128xf32>
    %get3A_2230 = vector.shape_cast %get3A_2229 : vector<1x8x1x128xf32> to vector<8x128xf32>
    %dot_general3A_2231 = arith.constant dense<0.000000e+00> : vector<8x1024xf32>
    %dot_general3A_2232 = tpu.matmul %get3A_2230, %select_n3A_2224, %dot_general3A_2231 {dimension_numbers = #tpu.dot_dimension_numbers<[1], [1], [0], [0], [0, 0, 1, 0], [], []>, precision = #tpu.contract_precision<fp32>, transpose_lhs_hint = false} : vector<8x128xf32>, vector<1024x128xf32>, vector<8x1024xf32> -> vector<8x1024xf32>
    %add3A_2233 = arith.addf %add3A_2215, %dot_general3A_2232 : vector<8x1024xf32>
    %slice3A_2234 = vector.extract_strided_slice %convert_element_type3A_2178 {offsets = [3, 0], sizes = [1, 128], strides = [1, 1]} : vector<16x128xi32> to vector<1x128xi32>
    %eq3A_2235 = vector.broadcast %slice3A_2234 : vector<1x128xi32> to vector<1024x128xi32>
    %eq3A_2236 = arith.cmpi eq, %iota3A_2177, %eq3A_2235 : vector<1024x128xi32>
    %slice3A_2237 = vector.extract_strided_slice %concatenate3A_2154 {offsets = [3, 0], sizes = [1, 128], strides = [1, 1]} : vector<16x128xf32> to vector<1x128xf32>
    %jit3A_2238 = arith.constant 0.000000e+00 : f32
    %broadcast_in_dim3A_2239 = vector.shape_cast %slice3A_2237 : vector<1x128xf32> to vector<1x128xf32>
    %broadcast_in_dim3A_2240 = vector.broadcast %broadcast_in_dim3A_2239 : vector<1x128xf32> to vector<1024x128xf32>
    %broadcast_in_dim3A_2241 = vector.broadcast %jit3A_2238 : f32 to vector<1024x128xf32>
    %select_n3A_2242 = arith.select %eq3A_2236, %broadcast_in_dim3A_2240, %broadcast_in_dim3A_2241 : vector<1024x128xi1>, vector<1024x128xf32>
    %get3A_2243 = arith.constant 0 : index
    %get3A_2244 = arith.constant 0 : index
    %get3A_2245 = arith.constant 3 : index
    %get3A_2246 = arith.constant 0 : index
    %get3A_2247 = vector.load %arg3[%get3A_2243, %get3A_2244, %get3A_2245, %get3A_2246] : memref<1x8x16x128xf32, #tpu.memory_space<vmem>>, vector<1x8x1x128xf32>
    %get3A_2248 = vector.shape_cast %get3A_2247 : vector<1x8x1x128xf32> to vector<8x128xf32>
    %dot_general3A_2249 = arith.constant dense<0.000000e+00> : vector<8x1024xf32>
    %dot_general3A_2250 = tpu.matmul %get3A_2248, %select_n3A_2242, %dot_general3A_2249 {dimension_numbers = #tpu.dot_dimension_numbers<[1], [1], [0], [0], [0, 0, 1, 0], [], []>, precision = #tpu.contract_precision<fp32>, transpose_lhs_hint = false} : vector<8x128xf32>, vector<1024x128xf32>, vector<8x1024xf32> -> vector<8x1024xf32>
    %add3A_2251 = arith.addf %add3A_2233, %dot_general3A_2250 : vector<8x1024xf32>
    %slice3A_2252 = vector.extract_strided_slice %convert_element_type3A_2178 {offsets = [4, 0], sizes = [1, 128], strides = [1, 1]} : vector<16x128xi32> to vector<1x128xi32>
    %eq3A_2253 = vector.broadcast %slice3A_2252 : vector<1x128xi32> to vector<1024x128xi32>
    %eq3A_2254 = arith.cmpi eq, %iota3A_2177, %eq3A_2253 : vector<1024x128xi32>
    %slice3A_2255 = vector.extract_strided_slice %concatenate3A_2154 {offsets = [4, 0], sizes = [1, 128], strides = [1, 1]} : vector<16x128xf32> to vector<1x128xf32>
    %jit3A_2256 = arith.constant 0.000000e+00 : f32
    %broadcast_in_dim3A_2257 = vector.shape_cast %slice3A_2255 : vector<1x128xf32> to vector<1x128xf32>
    %broadcast_in_dim3A_2258 = vector.broadcast %broadcast_in_dim3A_2257 : vector<1x128xf32> to vector<1024x128xf32>
    %broadcast_in_dim3A_2259 = vector.broadcast %jit3A_2256 : f32 to vector<1024x128xf32>
    %select_n3A_2260 = arith.select %eq3A_2254, %broadcast_in_dim3A_2258, %broadcast_in_dim3A_2259 : vector<1024x128xi1>, vector<1024x128xf32>
    %get3A_2261 = arith.constant 0 : index
    %get3A_2262 = arith.constant 0 : index
    %get3A_2263 = arith.constant 4 : index
    %get3A_2264 = arith.constant 0 : index
    %get3A_2265 = vector.load %arg3[%get3A_2261, %get3A_2262, %get3A_2263, %get3A_2264] : memref<1x8x16x128xf32, #tpu.memory_space<vmem>>, vector<1x8x1x128xf32>
    %get3A_2266 = vector.shape_cast %get3A_2265 : vector<1x8x1x128xf32> to vector<8x128xf32>
    %dot_general3A_2267 = arith.constant dense<0.000000e+00> : vector<8x1024xf32>
    %dot_general3A_2268 = tpu.matmul %get3A_2266, %select_n3A_2260, %dot_general3A_2267 {dimension_numbers = #tpu.dot_dimension_numbers<[1], [1], [0], [0], [0, 0, 1, 0], [], []>, precision = #tpu.contract_precision<fp32>, transpose_lhs_hint = false} : vector<8x128xf32>, vector<1024x128xf32>, vector<8x1024xf32> -> vector<8x1024xf32>
    %add3A_2269 = arith.addf %add3A_2251, %dot_general3A_2268 : vector<8x1024xf32>
    %slice3A_2270 = vector.extract_strided_slice %convert_element_type3A_2178 {offsets = [5, 0], sizes = [1, 128], strides = [1, 1]} : vector<16x128xi32> to vector<1x128xi32>
    %eq3A_2271 = vector.broadcast %slice3A_2270 : vector<1x128xi32> to vector<1024x128xi32>
    %eq3A_2272 = arith.cmpi eq, %iota3A_2177, %eq3A_2271 : vector<1024x128xi32>
    %slice3A_2273 = vector.extract_strided_slice %concatenate3A_2154 {offsets = [5, 0], sizes = [1, 128], strides = [1, 1]} : vector<16x128xf32> to vector<1x128xf32>
    %jit3A_2274 = arith.constant 0.000000e+00 : f32
    %broadcast_in_dim3A_2275 = vector.shape_cast %slice3A_2273 : vector<1x128xf32> to vector<1x128xf32>
    %broadcast_in_dim3A_2276 = vector.broadcast %broadcast_in_dim3A_2275 : vector<1x128xf32> to vector<1024x128xf32>
    %broadcast_in_dim3A_2277 = vector.broadcast %jit3A_2274 : f32 to vector<1024x128xf32>
    %select_n3A_2278 = arith.select %eq3A_2272, %broadcast_in_dim3A_2276, %broadcast_in_dim3A_2277 : vector<1024x128xi1>, vector<1024x128xf32>
    %get3A_2279 = arith.constant 0 : index
    %get3A_2280 = arith.constant 0 : index
    %get3A_2281 = arith.constant 5 : index
    %get3A_2282 = arith.constant 0 : index
    %get3A_2283 = vector.load %arg3[%get3A_2279, %get3A_2280, %get3A_2281, %get3A_2282] : memref<1x8x16x128xf32, #tpu.memory_space<vmem>>, vector<1x8x1x128xf32>
    %get3A_2284 = vector.shape_cast %get3A_2283 : vector<1x8x1x128xf32> to vector<8x128xf32>
    %dot_general3A_2285 = arith.constant dense<0.000000e+00> : vector<8x1024xf32>
    %dot_general3A_2286 = tpu.matmul %get3A_2284, %select_n3A_2278, %dot_general3A_2285 {dimension_numbers = #tpu.dot_dimension_numbers<[1], [1], [0], [0], [0, 0, 1, 0], [], []>, precision = #tpu.contract_precision<fp32>, transpose_lhs_hint = false} : vector<8x128xf32>, vector<1024x128xf32>, vector<8x1024xf32> -> vector<8x1024xf32>
    %add3A_2287 = arith.addf %add3A_2269, %dot_general3A_2286 : vector<8x1024xf32>
    %slice3A_2288 = vector.extract_strided_slice %convert_element_type3A_2178 {offsets = [6, 0], sizes = [1, 128], strides = [1, 1]} : vector<16x128xi32> to vector<1x128xi32>
    %eq3A_2289 = vector.broadcast %slice3A_2288 : vector<1x128xi32> to vector<1024x128xi32>
    %eq3A_2290 = arith.cmpi eq, %iota3A_2177, %eq3A_2289 : vector<1024x128xi32>
    %slice3A_2291 = vector.extract_strided_slice %concatenate3A_2154 {offsets = [6, 0], sizes = [1, 128], strides = [1, 1]} : vector<16x128xf32> to vector<1x128xf32>
    %jit3A_2292 = arith.constant 0.000000e+00 : f32
    %broadcast_in_dim3A_2293 = vector.shape_cast %slice3A_2291 : vector<1x128xf32> to vector<1x128xf32>
    %broadcast_in_dim3A_2294 = vector.broadcast %broadcast_in_dim3A_2293 : vector<1x128xf32> to vector<1024x128xf32>
    %broadcast_in_dim3A_2295 = vector.broadcast %jit3A_2292 : f32 to vector<1024x128xf32>
    %select_n3A_2296 = arith.select %eq3A_2290, %broadcast_in_dim3A_2294, %broadcast_in_dim3A_2295 : vector<1024x128xi1>, vector<1024x128xf32>
    %get3A_2297 = arith.constant 0 : index
    %get3A_2298 = arith.constant 0 : index
    %get3A_2299 = arith.constant 6 : index
    %get3A_2300 = arith.constant 0 : index
    %get3A_2301 = vector.load %arg3[%get3A_2297, %get3A_2298, %get3A_2299, %get3A_2300] : memref<1x8x16x128xf32, #tpu.memory_space<vmem>>, vector<1x8x1x128xf32>
    %get3A_2302 = vector.shape_cast %get3A_2301 : vector<1x8x1x128xf32> to vector<8x128xf32>
    %dot_general3A_2303 = arith.constant dense<0.000000e+00> : vector<8x1024xf32>
    %dot_general3A_2304 = tpu.matmul %get3A_2302, %select_n3A_2296, %dot_general3A_2303 {dimension_numbers = #tpu.dot_dimension_numbers<[1], [1], [0], [0], [0, 0, 1, 0], [], []>, precision = #tpu.contract_precision<fp32>, transpose_lhs_hint = false} : vector<8x128xf32>, vector<1024x128xf32>, vector<8x1024xf32> -> vector<8x1024xf32>
    %add3A_2305 = arith.addf %add3A_2287, %dot_general3A_2304 : vector<8x1024xf32>
    %slice3A_2306 = vector.extract_strided_slice %convert_element_type3A_2178 {offsets = [7, 0], sizes = [1, 128], strides = [1, 1]} : vector<16x128xi32> to vector<1x128xi32>
    %eq3A_2307 = vector.broadcast %slice3A_2306 : vector<1x128xi32> to vector<1024x128xi32>
    %eq3A_2308 = arith.cmpi eq, %iota3A_2177, %eq3A_2307 : vector<1024x128xi32>
    %slice3A_2309 = vector.extract_strided_slice %concatenate3A_2154 {offsets = [7, 0], sizes = [1, 128], strides = [1, 1]} : vector<16x128xf32> to vector<1x128xf32>
    %jit3A_2310 = arith.constant 0.000000e+00 : f32
    %broadcast_in_dim3A_2311 = vector.shape_cast %slice3A_2309 : vector<1x128xf32> to vector<1x128xf32>
    %broadcast_in_dim3A_2312 = vector.broadcast %broadcast_in_dim3A_2311 : vector<1x128xf32> to vector<1024x128xf32>
    %broadcast_in_dim3A_2313 = vector.broadcast %jit3A_2310 : f32 to vector<1024x128xf32>
    %select_n3A_2314 = arith.select %eq3A_2308, %broadcast_in_dim3A_2312, %broadcast_in_dim3A_2313 : vector<1024x128xi1>, vector<1024x128xf32>
    %get3A_2315 = arith.constant 0 : index
    %get3A_2316 = arith.constant 0 : index
    %get3A_2317 = arith.constant 7 : index
    %get3A_2318 = arith.constant 0 : index
    %get3A_2319 = vector.load %arg3[%get3A_2315, %get3A_2316, %get3A_2317, %get3A_2318] : memref<1x8x16x128xf32, #tpu.memory_space<vmem>>, vector<1x8x1x128xf32>
    %get3A_2320 = vector.shape_cast %get3A_2319 : vector<1x8x1x128xf32> to vector<8x128xf32>
    %dot_general3A_2321 = arith.constant dense<0.000000e+00> : vector<8x1024xf32>
    %dot_general3A_2322 = tpu.matmul %get3A_2320, %select_n3A_2314, %dot_general3A_2321 {dimension_numbers = #tpu.dot_dimension_numbers<[1], [1], [0], [0], [0, 0, 1, 0], [], []>, precision = #tpu.contract_precision<fp32>, transpose_lhs_hint = false} : vector<8x128xf32>, vector<1024x128xf32>, vector<8x1024xf32> -> vector<8x1024xf32>
    %add3A_2323 = arith.addf %add3A_2305, %dot_general3A_2322 : vector<8x1024xf32>
    %slice3A_2324 = vector.extract_strided_slice %convert_element_type3A_2178 {offsets = [8, 0], sizes = [1, 128], strides = [1, 1]} : vector<16x128xi32> to vector<1x128xi32>
    %eq3A_2325 = vector.broadcast %slice3A_2324 : vector<1x128xi32> to vector<1024x128xi32>
    %eq3A_2326 = arith.cmpi eq, %iota3A_2177, %eq3A_2325 : vector<1024x128xi32>
    %slice3A_2327 = vector.extract_strided_slice %concatenate3A_2154 {offsets = [8, 0], sizes = [1, 128], strides = [1, 1]} : vector<16x128xf32> to vector<1x128xf32>
    %jit3A_2328 = arith.constant 0.000000e+00 : f32
    %broadcast_in_dim3A_2329 = vector.shape_cast %slice3A_2327 : vector<1x128xf32> to vector<1x128xf32>
    %broadcast_in_dim3A_2330 = vector.broadcast %broadcast_in_dim3A_2329 : vector<1x128xf32> to vector<1024x128xf32>
    %broadcast_in_dim3A_2331 = vector.broadcast %jit3A_2328 : f32 to vector<1024x128xf32>
    %select_n3A_2332 = arith.select %eq3A_2326, %broadcast_in_dim3A_2330, %broadcast_in_dim3A_2331 : vector<1024x128xi1>, vector<1024x128xf32>
    %get3A_2333 = arith.constant 0 : index
    %get3A_2334 = arith.constant 0 : index
    %get3A_2335 = arith.constant 8 : index
    %get3A_2336 = arith.constant 0 : index
    %get3A_2337 = vector.load %arg3[%get3A_2333, %get3A_2334, %get3A_2335, %get3A_2336] : memref<1x8x16x128xf32, #tpu.memory_space<vmem>>, vector<1x8x1x128xf32>
    %get3A_2338 = vector.shape_cast %get3A_2337 : vector<1x8x1x128xf32> to vector<8x128xf32>
    %dot_general3A_2339 = arith.constant dense<0.000000e+00> : vector<8x1024xf32>
    %dot_general3A_2340 = tpu.matmul %get3A_2338, %select_n3A_2332, %dot_general3A_2339 {dimension_numbers = #tpu.dot_dimension_numbers<[1], [1], [0], [0], [0, 0, 1, 0], [], []>, precision = #tpu.contract_precision<fp32>, transpose_lhs_hint = false} : vector<8x128xf32>, vector<1024x128xf32>, vector<8x1024xf32> -> vector<8x1024xf32>
    %add3A_2341 = arith.addf %add3A_2323, %dot_general3A_2340 : vector<8x1024xf32>
    %slice3A_2342 = vector.extract_strided_slice %convert_element_type3A_2178 {offsets = [9, 0], sizes = [1, 128], strides = [1, 1]} : vector<16x128xi32> to vector<1x128xi32>
    %eq3A_2343 = vector.broadcast %slice3A_2342 : vector<1x128xi32> to vector<1024x128xi32>
    %eq3A_2344 = arith.cmpi eq, %iota3A_2177, %eq3A_2343 : vector<1024x128xi32>
    %slice3A_2345 = vector.extract_strided_slice %concatenate3A_2154 {offsets = [9, 0], sizes = [1, 128], strides = [1, 1]} : vector<16x128xf32> to vector<1x128xf32>
    %jit3A_2346 = arith.constant 0.000000e+00 : f32
    %broadcast_in_dim3A_2347 = vector.shape_cast %slice3A_2345 : vector<1x128xf32> to vector<1x128xf32>
    %broadcast_in_dim3A_2348 = vector.broadcast %broadcast_in_dim3A_2347 : vector<1x128xf32> to vector<1024x128xf32>
    %broadcast_in_dim3A_2349 = vector.broadcast %jit3A_2346 : f32 to vector<1024x128xf32>
    %select_n3A_2350 = arith.select %eq3A_2344, %broadcast_in_dim3A_2348, %broadcast_in_dim3A_2349 : vector<1024x128xi1>, vector<1024x128xf32>
    %get3A_2351 = arith.constant 0 : index
    %get3A_2352 = arith.constant 0 : index
    %get3A_2353 = arith.constant 9 : index
    %get3A_2354 = arith.constant 0 : index
    %get3A_2355 = vector.load %arg3[%get3A_2351, %get3A_2352, %get3A_2353, %get3A_2354] : memref<1x8x16x128xf32, #tpu.memory_space<vmem>>, vector<1x8x1x128xf32>
    %get3A_2356 = vector.shape_cast %get3A_2355 : vector<1x8x1x128xf32> to vector<8x128xf32>
    %dot_general3A_2357 = arith.constant dense<0.000000e+00> : vector<8x1024xf32>
    %dot_general3A_2358 = tpu.matmul %get3A_2356, %select_n3A_2350, %dot_general3A_2357 {dimension_numbers = #tpu.dot_dimension_numbers<[1], [1], [0], [0], [0, 0, 1, 0], [], []>, precision = #tpu.contract_precision<fp32>, transpose_lhs_hint = false} : vector<8x128xf32>, vector<1024x128xf32>, vector<8x1024xf32> -> vector<8x1024xf32>
    %add3A_2359 = arith.addf %add3A_2341, %dot_general3A_2358 : vector<8x1024xf32>
    %slice3A_2360 = vector.extract_strided_slice %convert_element_type3A_2178 {offsets = [10, 0], sizes = [1, 128], strides = [1, 1]} : vector<16x128xi32> to vector<1x128xi32>
    %eq3A_2361 = vector.broadcast %slice3A_2360 : vector<1x128xi32> to vector<1024x128xi32>
    %eq3A_2362 = arith.cmpi eq, %iota3A_2177, %eq3A_2361 : vector<1024x128xi32>
    %slice3A_2363 = vector.extract_strided_slice %concatenate3A_2154 {offsets = [10, 0], sizes = [1, 128], strides = [1, 1]} : vector<16x128xf32> to vector<1x128xf32>
    %jit3A_2364 = arith.constant 0.000000e+00 : f32
    %broadcast_in_dim3A_2365 = vector.shape_cast %slice3A_2363 : vector<1x128xf32> to vector<1x128xf32>
    %broadcast_in_dim3A_2366 = vector.broadcast %broadcast_in_dim3A_2365 : vector<1x128xf32> to vector<1024x128xf32>
    %broadcast_in_dim3A_2367 = vector.broadcast %jit3A_2364 : f32 to vector<1024x128xf32>
    %select_n3A_2368 = arith.select %eq3A_2362, %broadcast_in_dim3A_2366, %broadcast_in_dim3A_2367 : vector<1024x128xi1>, vector<1024x128xf32>
    %get3A_2369 = arith.constant 0 : index
    %get3A_2370 = arith.constant 0 : index
    %get3A_2371 = arith.constant 10 : index
    %get3A_2372 = arith.constant 0 : index
    %get3A_2373 = vector.load %arg3[%get3A_2369, %get3A_2370, %get3A_2371, %get3A_2372] : memref<1x8x16x128xf32, #tpu.memory_space<vmem>>, vector<1x8x1x128xf32>
    %get3A_2374 = vector.shape_cast %get3A_2373 : vector<1x8x1x128xf32> to vector<8x128xf32>
    %dot_general3A_2375 = arith.constant dense<0.000000e+00> : vector<8x1024xf32>
    %dot_general3A_2376 = tpu.matmul %get3A_2374, %select_n3A_2368, %dot_general3A_2375 {dimension_numbers = #tpu.dot_dimension_numbers<[1], [1], [0], [0], [0, 0, 1, 0], [], []>, precision = #tpu.contract_precision<fp32>, transpose_lhs_hint = false} : vector<8x128xf32>, vector<1024x128xf32>, vector<8x1024xf32> -> vector<8x1024xf32>
    %add3A_2377 = arith.addf %add3A_2359, %dot_general3A_2376 : vector<8x1024xf32>
    %slice3A_2378 = vector.extract_strided_slice %convert_element_type3A_2178 {offsets = [11, 0], sizes = [1, 128], strides = [1, 1]} : vector<16x128xi32> to vector<1x128xi32>
    %eq3A_2379 = vector.broadcast %slice3A_2378 : vector<1x128xi32> to vector<1024x128xi32>
    %eq3A_2380 = arith.cmpi eq, %iota3A_2177, %eq3A_2379 : vector<1024x128xi32>
    %slice3A_2381 = vector.extract_strided_slice %concatenate3A_2154 {offsets = [11, 0], sizes = [1, 128], strides = [1, 1]} : vector<16x128xf32> to vector<1x128xf32>
    %jit3A_2382 = arith.constant 0.000000e+00 : f32
    %broadcast_in_dim3A_2383 = vector.shape_cast %slice3A_2381 : vector<1x128xf32> to vector<1x128xf32>
    %broadcast_in_dim3A_2384 = vector.broadcast %broadcast_in_dim3A_2383 : vector<1x128xf32> to vector<1024x128xf32>
    %broadcast_in_dim3A_2385 = vector.broadcast %jit3A_2382 : f32 to vector<1024x128xf32>
    %select_n3A_2386 = arith.select %eq3A_2380, %broadcast_in_dim3A_2384, %broadcast_in_dim3A_2385 : vector<1024x128xi1>, vector<1024x128xf32>
    %get3A_2387 = arith.constant 0 : index
    %get3A_2388 = arith.constant 0 : index
    %get3A_2389 = arith.constant 11 : index
    %get3A_2390 = arith.constant 0 : index
    %get3A_2391 = vector.load %arg3[%get3A_2387, %get3A_2388, %get3A_2389, %get3A_2390] : memref<1x8x16x128xf32, #tpu.memory_space<vmem>>, vector<1x8x1x128xf32>
    %get3A_2392 = vector.shape_cast %get3A_2391 : vector<1x8x1x128xf32> to vector<8x128xf32>
    %dot_general3A_2393 = arith.constant dense<0.000000e+00> : vector<8x1024xf32>
    %dot_general3A_2394 = tpu.matmul %get3A_2392, %select_n3A_2386, %dot_general3A_2393 {dimension_numbers = #tpu.dot_dimension_numbers<[1], [1], [0], [0], [0, 0, 1, 0], [], []>, precision = #tpu.contract_precision<fp32>, transpose_lhs_hint = false} : vector<8x128xf32>, vector<1024x128xf32>, vector<8x1024xf32> -> vector<8x1024xf32>
    %add3A_2395 = arith.addf %add3A_2377, %dot_general3A_2394 : vector<8x1024xf32>
    %slice3A_2396 = vector.extract_strided_slice %convert_element_type3A_2178 {offsets = [12, 0], sizes = [1, 128], strides = [1, 1]} : vector<16x128xi32> to vector<1x128xi32>
    %eq3A_2397 = vector.broadcast %slice3A_2396 : vector<1x128xi32> to vector<1024x128xi32>
    %eq3A_2398 = arith.cmpi eq, %iota3A_2177, %eq3A_2397 : vector<1024x128xi32>
    %slice3A_2399 = vector.extract_strided_slice %concatenate3A_2154 {offsets = [12, 0], sizes = [1, 128], strides = [1, 1]} : vector<16x128xf32> to vector<1x128xf32>
    %jit3A_2400 = arith.constant 0.000000e+00 : f32
    %broadcast_in_dim3A_2401 = vector.shape_cast %slice3A_2399 : vector<1x128xf32> to vector<1x128xf32>
    %broadcast_in_dim3A_2402 = vector.broadcast %broadcast_in_dim3A_2401 : vector<1x128xf32> to vector<1024x128xf32>
    %broadcast_in_dim3A_2403 = vector.broadcast %jit3A_2400 : f32 to vector<1024x128xf32>
    %select_n3A_2404 = arith.select %eq3A_2398, %broadcast_in_dim3A_2402, %broadcast_in_dim3A_2403 : vector<1024x128xi1>, vector<1024x128xf32>
    %get3A_2405 = arith.constant 0 : index
    %get3A_2406 = arith.constant 0 : index
    %get3A_2407 = arith.constant 12 : index
    %get3A_2408 = arith.constant 0 : index
    %get3A_2409 = vector.load %arg3[%get3A_2405, %get3A_2406, %get3A_2407, %get3A_2408] : memref<1x8x16x128xf32, #tpu.memory_space<vmem>>, vector<1x8x1x128xf32>
    %get3A_2410 = vector.shape_cast %get3A_2409 : vector<1x8x1x128xf32> to vector<8x128xf32>
    %dot_general3A_2411 = arith.constant dense<0.000000e+00> : vector<8x1024xf32>
    %dot_general3A_2412 = tpu.matmul %get3A_2410, %select_n3A_2404, %dot_general3A_2411 {dimension_numbers = #tpu.dot_dimension_numbers<[1], [1], [0], [0], [0, 0, 1, 0], [], []>, precision = #tpu.contract_precision<fp32>, transpose_lhs_hint = false} : vector<8x128xf32>, vector<1024x128xf32>, vector<8x1024xf32> -> vector<8x1024xf32>
    %add3A_2413 = arith.addf %add3A_2395, %dot_general3A_2412 : vector<8x1024xf32>
    %slice3A_2414 = vector.extract_strided_slice %convert_element_type3A_2178 {offsets = [13, 0], sizes = [1, 128], strides = [1, 1]} : vector<16x128xi32> to vector<1x128xi32>
    %eq3A_2415 = vector.broadcast %slice3A_2414 : vector<1x128xi32> to vector<1024x128xi32>
    %eq3A_2416 = arith.cmpi eq, %iota3A_2177, %eq3A_2415 : vector<1024x128xi32>
    %slice3A_2417 = vector.extract_strided_slice %concatenate3A_2154 {offsets = [13, 0], sizes = [1, 128], strides = [1, 1]} : vector<16x128xf32> to vector<1x128xf32>
    %jit3A_2418 = arith.constant 0.000000e+00 : f32
    %broadcast_in_dim3A_2419 = vector.shape_cast %slice3A_2417 : vector<1x128xf32> to vector<1x128xf32>
    %broadcast_in_dim3A_2420 = vector.broadcast %broadcast_in_dim3A_2419 : vector<1x128xf32> to vector<1024x128xf32>
    %broadcast_in_dim3A_2421 = vector.broadcast %jit3A_2418 : f32 to vector<1024x128xf32>
    %select_n3A_2422 = arith.select %eq3A_2416, %broadcast_in_dim3A_2420, %broadcast_in_dim3A_2421 : vector<1024x128xi1>, vector<1024x128xf32>
    %get3A_2423 = arith.constant 0 : index
    %get3A_2424 = arith.constant 0 : index
    %get3A_2425 = arith.constant 13 : index
    %get3A_2426 = arith.constant 0 : index
    %get3A_2427 = vector.load %arg3[%get3A_2423, %get3A_2424, %get3A_2425, %get3A_2426] : memref<1x8x16x128xf32, #tpu.memory_space<vmem>>, vector<1x8x1x128xf32>
    %get3A_2428 = vector.shape_cast %get3A_2427 : vector<1x8x1x128xf32> to vector<8x128xf32>
    %dot_general3A_2429 = arith.constant dense<0.000000e+00> : vector<8x1024xf32>
    %dot_general3A_2430 = tpu.matmul %get3A_2428, %select_n3A_2422, %dot_general3A_2429 {dimension_numbers = #tpu.dot_dimension_numbers<[1], [1], [0], [0], [0, 0, 1, 0], [], []>, precision = #tpu.contract_precision<fp32>, transpose_lhs_hint = false} : vector<8x128xf32>, vector<1024x128xf32>, vector<8x1024xf32> -> vector<8x1024xf32>
    %add3A_2431 = arith.addf %add3A_2413, %dot_general3A_2430 : vector<8x1024xf32>
    %slice3A_2432 = vector.extract_strided_slice %convert_element_type3A_2178 {offsets = [14, 0], sizes = [1, 128], strides = [1, 1]} : vector<16x128xi32> to vector<1x128xi32>
    %eq3A_2433 = vector.broadcast %slice3A_2432 : vector<1x128xi32> to vector<1024x128xi32>
    %eq3A_2434 = arith.cmpi eq, %iota3A_2177, %eq3A_2433 : vector<1024x128xi32>
    %slice3A_2435 = vector.extract_strided_slice %concatenate3A_2154 {offsets = [14, 0], sizes = [1, 128], strides = [1, 1]} : vector<16x128xf32> to vector<1x128xf32>
    %jit3A_2436 = arith.constant 0.000000e+00 : f32
    %broadcast_in_dim3A_2437 = vector.shape_cast %slice3A_2435 : vector<1x128xf32> to vector<1x128xf32>
    %broadcast_in_dim3A_2438 = vector.broadcast %broadcast_in_dim3A_2437 : vector<1x128xf32> to vector<1024x128xf32>
    %broadcast_in_dim3A_2439 = vector.broadcast %jit3A_2436 : f32 to vector<1024x128xf32>
    %select_n3A_2440 = arith.select %eq3A_2434, %broadcast_in_dim3A_2438, %broadcast_in_dim3A_2439 : vector<1024x128xi1>, vector<1024x128xf32>
    %get3A_2441 = arith.constant 0 : index
    %get3A_2442 = arith.constant 0 : index
    %get3A_2443 = arith.constant 14 : index
    %get3A_2444 = arith.constant 0 : index
    %get3A_2445 = vector.load %arg3[%get3A_2441, %get3A_2442, %get3A_2443, %get3A_2444] : memref<1x8x16x128xf32, #tpu.memory_space<vmem>>, vector<1x8x1x128xf32>
    %get3A_2446 = vector.shape_cast %get3A_2445 : vector<1x8x1x128xf32> to vector<8x128xf32>
    %dot_general3A_2447 = arith.constant dense<0.000000e+00> : vector<8x1024xf32>
    %dot_general3A_2448 = tpu.matmul %get3A_2446, %select_n3A_2440, %dot_general3A_2447 {dimension_numbers = #tpu.dot_dimension_numbers<[1], [1], [0], [0], [0, 0, 1, 0], [], []>, precision = #tpu.contract_precision<fp32>, transpose_lhs_hint = false} : vector<8x128xf32>, vector<1024x128xf32>, vector<8x1024xf32> -> vector<8x1024xf32>
    %add3A_2449 = arith.addf %add3A_2431, %dot_general3A_2448 : vector<8x1024xf32>
    %slice3A_2450 = vector.extract_strided_slice %convert_element_type3A_2178 {offsets = [15, 0], sizes = [1, 128], strides = [1, 1]} : vector<16x128xi32> to vector<1x128xi32>
    %eq3A_2451 = vector.broadcast %slice3A_2450 : vector<1x128xi32> to vector<1024x128xi32>
    %eq3A_2452 = arith.cmpi eq, %iota3A_2177, %eq3A_2451 : vector<1024x128xi32>
    %slice3A_2453 = vector.extract_strided_slice %concatenate3A_2154 {offsets = [15, 0], sizes = [1, 128], strides = [1, 1]} : vector<16x128xf32> to vector<1x128xf32>
    %jit3A_2454 = arith.constant 0.000000e+00 : f32
    %broadcast_in_dim3A_2455 = vector.shape_cast %slice3A_2453 : vector<1x128xf32> to vector<1x128xf32>
    %broadcast_in_dim3A_2456 = vector.broadcast %broadcast_in_dim3A_2455 : vector<1x128xf32> to vector<1024x128xf32>
    %broadcast_in_dim3A_2457 = vector.broadcast %jit3A_2454 : f32 to vector<1024x128xf32>
    %select_n3A_2458 = arith.select %eq3A_2452, %broadcast_in_dim3A_2456, %broadcast_in_dim3A_2457 : vector<1024x128xi1>, vector<1024x128xf32>
    %get3A_2459 = arith.constant 0 : index
    %get3A_2460 = arith.constant 0 : index
    %get3A_2461 = arith.constant 15 : index
    %get3A_2462 = arith.constant 0 : index
    %get3A_2463 = vector.load %arg3[%get3A_2459, %get3A_2460, %get3A_2461, %get3A_2462] : memref<1x8x16x128xf32, #tpu.memory_space<vmem>>, vector<1x8x1x128xf32>
    %get3A_2464 = vector.shape_cast %get3A_2463 : vector<1x8x1x128xf32> to vector<8x128xf32>
    %dot_general3A_2465 = arith.constant dense<0.000000e+00> : vector<8x1024xf32>
    %dot_general3A_2466 = tpu.matmul %get3A_2464, %select_n3A_2458, %dot_general3A_2465 {dimension_numbers = #tpu.dot_dimension_numbers<[1], [1], [0], [0], [0, 0, 1, 0], [], []>, precision = #tpu.contract_precision<fp32>, transpose_lhs_hint = false} : vector<8x128xf32>, vector<1024x128xf32>, vector<8x1024xf32> -> vector<8x1024xf32>
    %add3A_2467 = arith.addf %add3A_2449, %dot_general3A_2466 : vector<8x1024xf32>
    %swap3A = arith.constant 0 : index
    %swap3A_2468 = arith.constant 0 : index
    %swap3A_2469 = arith.constant 0 : index
    %swap3A_2470 = vector.load %arg4[%swap3A, %swap3A_2468, %swap3A_2469] : memref<1x8x1024xf32, #tpu.memory_space<vmem>>, vector<1x8x1024xf32>
    %swap3A_2471 = vector.shape_cast %swap3A_2470 : vector<1x8x1024xf32> to vector<8x1024xf32>
    %swap3A_2472 = vector.shape_cast %add3A_2467 : vector<8x1024xf32> to vector<1x8x1024xf32>
    tpu.vector_store %arg4[%swap3A, %swap3A_2468, %swap3A_2469], %swap3A_2472 {strides = array<i32>} : memref<1x8x1024xf32, #tpu.memory_space<vmem>>, vector<1x8x1024xf32>,
    return
  }
  func.func @transform_0(%arg0: i32) -> (i32, i32, i32, i32) {
    %c0_i32 = arith.constant 0 : i32
    %c0_i32_0 = arith.constant 0 : i32
    %c0_i32_1 = arith.constant 0 : i32
    %c0_i32_2 = arith.constant 0 : i32
    return %arg0, %c0_i32, %c0_i32_0, %c0_i32_1 : i32, i32, i32, i32
  }
  func.func @transform_1(%arg0: i32) -> (i32, i32, i32) {
    %c0_i32 = arith.constant 0 : i32
    %c0_i32_0 = arith.constant 0 : i32
    %c0_i32_1 = arith.constant 0 : i32
    return %arg0, %c0_i32, %c0_i32_0 : i32, i32, i32
  }
  func.func @transform_2(%arg0: i32) -> (i32, i32, i32, i32) {
    %c0_i32 = arith.constant 0 : i32
    %c0_i32_0 = arith.constant 0 : i32
    %c0_i32_1 = arith.constant 0 : i32
    %c0_i32_2 = arith.constant 0 : i32
    return %arg0, %c0_i32, %c0_i32_0, %c0_i32_1 : i32, i32, i32, i32
  }
  func.func @transform_3(%arg0: i32) -> (i32, i32, i32) {
    %c0_i32 = arith.constant 0 : i32
    %c0_i32_0 = arith.constant 0 : i32
    %c0_i32_1 = arith.constant 0 : i32
    return %arg0, %c0_i32, %c0_i32_0 : i32, i32, i32
  }
}

</mosaic_0001>

<sc_bundles>
// kernel: gather_offload_async_start
scs
__scs_entry_jumppad:
0x0: {  	(pc) =	sbr.rel $0x88, $3  }
0x1: {  	(tag) =	ssettag $0x0;
	lr =	simm.s32 $0x1  }
0x2: {  	[smem:$0x3F9F] =	sst lr;
	_ =	strace $0xD0000000  }
0x3: {  	_ = 	snop  }
0x4: {  	_ = 	snop  }
0x5: {  	_ = 	snop  }
0x6: {  	_ = 	snop  }
0x7: {  	_ = 	snop  }
__scs_overlays_trampoline_lowered:
0x8: {  	[smem:$0x3FAE] =	sst s0  }
0x9: {  	[smem:$0x3FAF] =	sst s1  }
0xa: {  	[smem:$0x3FB0] =	sst s2  }
0xb: {  	[smem:$0x3FB1] =	sst s3  }
0xc: {  	[smem:$0x3FB2] =	sst s4  }
0xd: {  	[smem:$0x3FB3] =	sst s5  }
0xe: {  	[smem:$0x3FB4] =	sst s6  }
0xf: {  	[smem:$0x3FB5] =	sst s7  }
0x10: {  	[smem:$0x3FB6] =	sst s8  }
0x11: {  	[smem:$0x3FB7] =	sst s9;
	s0 =	simm.s32 @!p0 $0x0  }
0x12: {  	s1 =	sld [smem:$0x3F9D];
	s0 =	simm.s32 @p0 $0x1  }
0x13: {  	[smem:$0x3FB8] =	sst s0;
	s0 =	simm.s32 @!p1 $0x0  }
0x14: {  	s2 =	sld [smem:$0x3F9C];
	s0 =	simm.s32 @p1 $0x1  }
0x15: {  	[smem:$0x3FB9] =	sst s0;
	s0 =	simm.s32 @!p2 $0x0  }
0x16: {  	s3 =	sld [smem:$0x3FDB];
	s0 =	simm.s32 @p2 $0x1  }
0x17: {  	s4 =	simm.s32 $0x1BF5;
	[smem:$0x3FBB] =	sst s0  }
0x18: {  	s0 =	sld [smem:$0x3F9E];
	_ =	swait.ge [sflag:s4], $0x0  }
0x19: {  	s7 =	sld [smem:$0x3F9F]  }
0x1a: {  	s8 =	sadd.s32 $0xFFFFE003, lr  }
0x1b: {  	s9 =	sadd.s32 $0xFFFFFEF7, lr;
	s5 =	simm.s32 $0xFFFFFFFF;
	p2 =	slt.u32 s8, $0xFFFFF086  }
0x1c: {  	p1 =	slt.u32 s9, $0xF7A;
	s5 =	simm.s32 @!p2 $0x0  }
0x1d: {  	s5 =	simm.s32 @p1 $0x1;
	p0 =	seq.s32 s7, s2  }
0x1e: {  	s7 =	smul.u32 @!p0 $0xF7A, s2;
	p2 =	seq.s32 @!p0 s5, $0x0  }
0x1f: {  	s9 =	smul.u32 $0xF7A, s1;
	s8 =	simm.s32 @!p0 $0x1BF5;
	p2 =	por !p2, p0  }
0x20: {  	[sflag:s8] =	ssyncset.s32 @!p0 $0xFFFFF086;
	s6 =	sadd.s32 @!p0 s3, s7;
	s7 =	simm.s32 @!p0 $0x108  }
0x21: {  	s3 =	sadd.s32 s3, s9;
	s6 =	sadd.s32 @!p0 $0x88, s6;
	s7 =	simm.s32 @p2 $0x1082  }
0x22: {  	[simem:s7], [sflag:s8] =	dma.local @!p0 [hbm:s6], $0xF7A  }
0x23: {  	s9 =	sor.u32 $0xD0000000, s2;
	s6 =	simm.s32 $0x108;
	_ =	swait.ge @!p0 [sflag:s8], $0x0  }
0x24: {  	s3 =	sadd.s32 $0x88, s3;
	s6 =	simm.s32 @!p1 $0x1082;
	[sflag:s4] =	ssyncset.s32 $0xFFFFF086  }
0x25: {  	[simem:s6], [sflag:s4] =	dma.local [hbm:s3], $0xF7A  }
0x26: {  	[smem:$0x3F9F] =	sst s1;
	(tag) =	ssettag s2;
	_ =	strace s9  }
0x27: {  	s1 =	sld [smem:$0x3FAF]  }
0x28: {  	s2 =	sld [smem:$0x3FB0]  }
0x29: {  	s4 =	sld [smem:$0x3FB2]  }
0x2a: {  	p0 =	seq.s32 s5, $0x0;
	s5 =	sld [smem:$0x3FB3]  }
0x2b: {  	s6 =	sld [smem:$0x3FB4]  }
0x2c: {  	s7 =	sld [smem:$0x3FB5]  }
0x2d: {  	s3 =	simm.s32 $0x108;
	s8 =	sld [smem:$0x3FB6]  }
0x2e: {  	s3 =	simm.s32 @!p0 $0x1082;
	s9 =	sld [smem:$0x3FB7]  }
0x2f: {  	lr =	sadd.s32 s0, s3;
	s0 =	sld [smem:$0x3FAE]  }
0x30: {  	s3 =	sld [smem:$0x3FB1]  }
0x31: {  	[smem:$0x3FBA] =	sst s10  }
0x32: {  	s10 =	sld [smem:$0x3FB8];
	_ =	sdelay $0x3  }
0x33: {  	p0 =	seq.s32 s10, $0x1;
	s10 =	sld [smem:$0x3FBA];
	_ =	sdelay $0x3  }
0x34: {  	[smem:$0x3FBA] =	sst s10  }
0x35: {  	s10 =	sld [smem:$0x3FB9];
	_ =	sdelay $0x3  }
0x36: {  	p1 =	seq.s32 s10, $0x1;
	s10 =	sld [smem:$0x3FBA];
	_ =	sdelay $0x3  }
0x37: {  	[smem:$0x3FBA] =	sst s10  }
0x38: {  	s10 =	sld [smem:$0x3FBB]  }
0x39: {  	_ = 	snop;
	(pc) =	sbr.ind lr, $3  }
0x3a: {  	_ = 	snop  }
0x3b: {  	_ = 	snop  }
0x3c: {  	p2 =	seq.s32 s10, $0x1;
	s10 =	sld [smem:$0x3FBA]  }
0x3d: {  	_ =	shalt  }
0x3e: {  	_ =	shalt  }
0x3f: {  	_ =	shalt  }
0x40: {  	_ =	shalt  }
0x41: {  	_ =	shalt  }
0x42: {  	_ =	shalt  }
0x43: {  	_ =	shalt  }
0x44: {  	_ =	shalt  }
0x45: {  	_ =	shalt  }
0x46: {  	_ =	shalt  }
0x47: {  	_ =	shalt  }
0x48: {  	_ =	shalt  }
0x49: {  	_ =	shalt  }
0x4a: {  	_ =	shalt  }
0x4b: {  	_ =	shalt  }
0x4c: {  	_ =	shalt  }
0x4d: {  	_ =	shalt  }
0x4e: {  	_ =	shalt  }
0x4f: {  	_ =	shalt  }
0x50: {  	_ =	shalt  }
0x51: {  	_ =	shalt  }
0x52: {  	_ =	shalt  }
0x53: {  	_ =	shalt  }
0x54: {  	_ =	shalt  }
0x55: {  	_ =	shalt  }
0x56: {  	_ =	shalt  }
0x57: {  	_ =	shalt  }
0x58: {  	_ =	shalt  }
0x59: {  	_ =	shalt  }
0x5a: {  	_ =	shalt  }
0x5b: {  	_ =	shalt  }
0x5c: {  	_ =	shalt  }
0x5d: {  	_ =	shalt  }
0x5e: {  	_ =	shalt  }
0x5f: {  	_ =	shalt  }
0x60: {  	_ =	shalt  }
0x61: {  	_ =	shalt  }
0x62: {  	_ =	shalt  }
0x63: {  	_ =	shalt  }
0x64: {  	_ =	shalt  }
0x65: {  	_ =	shalt  }
0x66: {  	_ =	shalt  }
0x67: {  	_ =	shalt  }
0x68: {  	_ =	shalt  }
0x69: {  	_ =	shalt  }
0x6a: {  	_ =	shalt  }
0x6b: {  	_ =	shalt  }
0x6c: {  	_ =	shalt  }
0x6d: {  	_ =	shalt  }
0x6e: {  	_ =	shalt  }
0x6f: {  	_ =	shalt  }
0x70: {  	_ =	shalt  }
0x71: {  	_ =	shalt  }
0x72: {  	_ =	shalt  }
0x73: {  	_ =	shalt  }
0x74: {  	_ =	shalt  }
0x75: {  	_ =	shalt  }
0x76: {  	_ =	shalt  }
0x77: {  	_ =	shalt  }
0x78: {  	_ =	shalt  }
0x79: {  	_ =	shalt  }
0x7a: {  	_ =	shalt  }
0x7b: {  	_ =	shalt  }
0x7c: {  	_ =	shalt  }
0x7d: {  	_ =	shalt  }
0x7e: {  	_ =	shalt  }
0x7f: {  	_ =	shalt  }
0x80: {  	_ =	shalt  }
0x81: {  	_ =	shalt  }
0x82: {  	_ =	shalt  }
0x83: {  	_ =	shalt  }
0x84: {  	_ =	shalt  }
0x85: {  	_ =	shalt  }
0x86: {  	_ =	shalt  }
0x87: {  	_ =	shalt  }
.Lfunc_end0:
.L_simem_size_0:
called_computation_lowered:
.L_overlay_start_0:
0x88: {  	s2 =	sld [smem:$0x3FD9]  }
0x89: {  	s3 =	sld [smem:$0x3FFE];
	_ =	sdelay $0x1  }
0x8a: {  	s1 =	srdreg.scid  }
0x8b: {  	s0 =	sand.u32 $0x1, s1  }
0x8c: {  	s14 =	sshll.u32 s0, $0xA;
	s2 =	sadd.s32 s3, s2  }
0x8d: {  	s2 =	sadd.s32 s2, s14  }
0x8e: {  	[smem:$0x3FC6] =	sst s2  }
0x8f: {  	_ = 	snop  }
0x90: {  	s2 =	sld [smem:$0x3FD0];
	_ =	sdelay $0x2  }
0x91: {  	s4 =	simm.s32 $0xA;
	s5 =	simm.s32 $0x10;
	s15 =	sld [smem:$0x3FC9]  }
0x92: {  	[smem:s5], [sflag:s4] =	dma.local [hbm:s2], $0x1  }
0x93: {  	_ =	swait.eq [sflag:s4], $0x1  }
0x94: {  	[sflag:s4] =	ssyncset.done $0x0  }
0x95: {  	[sflag:s4] =	ssyncadd.s32 $0xFFFFFFFF  }
0x96: {  	s16 =	sld [smem:$0x10];
	(tm) =	ssettm $0x1  }
0x97: {  	s17 =	sld [smem:$0x3FFB];
	_ =	sdelay $0x3  }
0x98: {  	_ =	strace s17  }
0x99: {  	s4 =	sld [smem:$0x3FFC];
	_ =	sdelay $0x3  }
0x9a: {  	_ =	strace s4  }
0x9b: {  	s4 =	sld [smem:$0x3FFD];
	_ =	sdelay $0x3  }
0x9c: {  	_ =	strace s4  }
0x9d: {  	_ =	strace $0x8FFFFFFF  }
0x9e: {  	s18 =	sld [smem:$0x3FDB];
	_ =	sdelay $0x1  }
0x9f: {  	s19 =	simm.s32 $_scs_section_size  }
0xa0: {  	s6 =	simm.s32 $_size__tile_overlayer_lowered;
	s7 =	simm.s32 $_tile_overlayer_lowered  }
0xa1: {  	s22 =	simm.s32 $0x1BFF;
	s21 =	sshll.u32 s7, $0x1;
	s4 =	sadd.s32 s19, s18  }
0xa2: {  	s8 =	simm.s32 $0x0;
	s20 =	sshll.u32 s6, $0x1;
	s6 =	sadd.s32 s21, s4  }
0xa3: {  	[timem:s8], [sflag:s22] =	dma.local [hbm:s6], s20  }
0xa4: {  	_ =	swait.ge [sflag:s22], s20  }
0xa5: {  	s5 =	ssub.s32 $0x0, s20;
	[sflag:s22] =	ssyncset.done $0x0  }
0xa6: {  	[sflag:s22] =	ssyncadd.s32 s5;
	_ =	sdelay $0x1  }
0xa7: {  	s23 =	simm.s32 $0x1B8B  }
0xa8: {  	_ =	swait.ge [sflag:s23], $0x1  }
0xa9: {  	[sflag:s23] =	ssyncset.done $0x0  }
0xaa: {  	s25 =	simm.s32 $0x1B8E;
	s24 =	sld [smem:$0x3FFE];
	[sflag:s23] =	ssyncadd.s32 $0xFFFFFFFF  }
0xab: {  	s26 =	simm.s32 $execute0_lowered;
	[smem:$0x3FD2] =	sst s25  }
0xac: {  	s6 =	sshll.u32 s26, $0x1;
	_ =	strace $0x80000046;
	[dreg:$0x1] =	wrdreg $0xFFFFFFFF  }
0xad: {  	s28 =	simm.s32 $_size_execute0_lowered;
	s4 =	sadd.s32 s4, s6;
	[dreg:$0x0] =	wrdreg $0x0  }
0xae: {  	s6 =	sshll.u32 s28, $0x1;
	[dreg:$0x2] =	wrdreg s4  }
0xaf: {  	[dreg:$0x3] =	wrdreg s6  }
0xb0: {  	[dreg:$0x4] =	wrdreg $0xC0  }
0xb1: {  	_ =	task [dreg:s8], $0x5FFFF  }
0xb2: {  	[dreg:$0x1] =	wrdreg $0xFFFFFFFF  }
0xb3: {  	[dreg:$0x0] =	wrdreg $0x60  }
0xb4: {  	[dreg:$0x2] =	wrdreg s15  }
0xb5: {  	[dreg:$0x3] =	wrdreg s16  }
0xb6: {  	[dreg:$0x4] =	wrdreg s24  }
0xb7: {  	[dreg:$0x5] =	wrdreg $0x9  }
0xb8: {  	_ =	task.clear_ibuf [dreg:s8], $0x6FFFF;
	_ =	strace $0x90000046  }
0xb9: {  	s29 =	simm.s32 $0x9;
	_ =	strace $0x80000048  }
0xba: {  	_ =	swait.ge [sflag:s29], $0x1  }
0xbb: {  	[sflag:s29] =	ssyncadd.s32 $0xFFFFFFFF  }
0xbc: {  	_ =	strace $0x90000048  }
0xbd: {  	_ =	sfence  }
0xbe: {  	s30 =	sld [smem:$0x0];
	_ =	sdelay $0x2  }
0xbf: {  	s31 =	sshll.u32 s1, $0xD;
	s1 =	sshrl.u32 s1, $0x2  }
0xc0: {  	s3 =	sand.u32 $0x4000, s31;
	s1 =	sadd.s32 s1, s30  }
0xc1: {  	s0 =	sor.u32 s3, s0;
	s1 =	sshll.u32 s1, $0x11  }
0xc2: {  	s0 =	sor.u32 s1, s0  }
0xc3: {  	s0 =	sadd.s32 $0x8F2B, s0  }
0xc4: {  	[sflag:s0] =	ssyncadd.remote.s32 $0x1  }
0xc5: {  	_ =	sfence.sel $0xFFFF  }
0xc6: {  	[dreg:$0x0] =	wrdreg $0xFFFFFFFF;
	(pc) =	sbr.abs _section_cstart, $3  }
0xc7: {  	[dreg:$0x1] =	wrdreg $0xFFFFFFFF  }
0xc8: {  	_ =	task.clear_ibuf [dreg:s8], $0x2FFFF;
	_ =	strace $0x9FFFFFFF  }
0xc9: {  	(tm) =	ssettm $0x7FFFFFFF  }
tec
execute0_lowered:
.L_overlay_start_1:
0x0: {  	(tag) =	ssettag $0x1  }
0x1: {  	s2 =	rddreg [dreg:$0x0]  }
0x2: {  	s3 =	rddreg [dreg:$0x1]  }
0x3: {  	s0 =	stileid.u32;
	s1 =	srdreg.scid  }
0x4: {  	s8 =	rddreg [dreg:$0x2];
	s9 =	simm.s32 $0x1;
	s10 =	simm.s32 $0x3  }
0x5: {  	s13 =	simm.s32 $0x0;
	s4 =	sand.u32 $0x1, s1;
	s5 =	sshll.u32 s0, $0x1  }
0x6: {  	s12 =	simm.s32 $0x0;
	s1 =	rddreg [dreg:$0x3];
	s6 =	sor.u32 s5, s4  }
0x7: {  	_ =	strace $0x80000047;
	s8 =	sadd.s32 $0xBE00, s8;
	s4 =	smul.u32 $0x280, s6  }
0x8: {  	s5 =	simm.s32 $0x1;
	p0 =	slt.u32 s6, $0x13;
	s6 =	simm.s32 $0x5000  }
.Ltmp0:
0x9: {  	s6 =	simm.s32 @!p0 $0x0;
	s7 =	ssub.s32 $0x7D00, s4;
	(pc) =	sbr.rel .LBB2_1-.Ltmp0, $4  }
0xa: {  	s9 =	simm.s32 @!p0 $0x0;
	p0 =	sne.s32 s7, s6;
	s7 =	simm.s32 $0x1  }
0xb: {  	[sflag:s5] =	ssyncpa.u1 $0x0;
	s6 =	simm.s32 $0x2;
	s7 =	simm.s32 @!p0 $0x0  }
0xc: {  	s11 =	smov.u32 s4;
	[sflag:s6] =	ssyncpa.u1 $0x0;
	s7 =	sadd.s32 s9, s7  }
0xd: {  	vm0 =	vmmov $0xffff;
	v0 =	vlaneseq.u32;
	[sflag:s10] =	ssyncpa.u1 $0x0;
	s10 =	simm.s32 $0x0;
	s9 =	sadd.s32 $0x1, s7  }
.LBB2_4:
0xe: {  	_ =	sdelay $0x3  }
0xf: {  	[tilespmem:s22], [sflag:$0x1] =	stream.indirect_vreg.gather [hbm4b:s2+s10], $0x1, v1, vm0, $0x4038;
	[tilespmem:$0x1900] =	vst v63  }
0x10: {  	s15 =	sadd.s32 s19, s15  }
0x11: {  	v1 =	vld.msk [tilespmem:s15+$0x0 ss:$0x1], $0xffff;
	_ =	sdelay $0x4  }
0x12: {  	v2 =	vshrl.u32 v1, $0x4  }
0x13: {  	v3 =	vand.u32 $0xF, v1;
	vm1 =	veq.s32 v1, $0x80000000;
	v1 =	vand.u32 $0x7FFF, v2  }
0x14: {  	p0 =	sgt.s32 s18, $0x0;
	v2 =	vmul.u32 $0x13A00, v3;
	v1 =	vsel vm1, $0xFFFFFFFF, v1  }
0x15: {  	s18 =	simm.s32 @!p0 $0x0;
	v3 =	vshll.u32 v1, $0x2  }
0x16: {  	s25 =	smin.u32 s18, $0x10;
	v2 =	vsel vm1, $0xFFFEC600, v2;
	v3 =	vand.u32 $0xFFFFFE00, v3  }
0x17: {  	v1 =	vand.u32 $0x7F, v1;
	v2 =	vadd.s32 v2, v3;
	v3 =	vmov s25  }
0x18: {  	v1 =	vor.u32 v1, v2;
	vm1 =	vgt.u32 v3, v0  }
0x19: {  	v2 =	vnsel vm1, $0x7FFFFFFF, v1;
	_ =	sdelay $0x1  }
0x1a: {  	s26 =	sand.u32 $0xE00, s16;
	v3 =	vor.u32 $0x80, v1  }
0x1b: {  	s28 =	sand.u32 $0x70, s17;
	(ifvalue) =	ssetifvalue $0x7FFFFFFF;
	s15 =	sadd.s32 s26, s14;
	v3 =	vnsel vm1, $0x7FFFFFFF, v3  }
0x1c: {  	s15 =	sadd.s32 s28, s15;
	(ifvalue) =	ssetifvalue $0x7FFFFFFF  }
0x1d: {  	v4 =	vor.u32 $0x100, v1;
	[tilespmem:s15], [sflag:$0x1] =	stream.indirect_vreg.gather [hbm4b:s2+s10], $0x1, v2, vm0, $0x4038;
	[tilespmem:$0x1900] =	vst v63  }
0x1e: {  	(ifvalue) =	ssetifvalue $0x7FFFFFFF;
	v2 =	vnsel vm1, $0x7FFFFFFF, v4  }
0x1f: {  	s16 =	sadd.s32 $0x80, s15;
	(ifvalue) =	ssetifvalue $0x7FFFFFFF  }
0x20: {  	v1 =	vor.u32 $0x180, v1;
	[tilespmem:s16], [sflag:$0x1] =	stream.indirect_vreg.gather [hbm4b:s2+s10], $0x1, v3, vm0, $0x4038;
	[tilespmem:$0x1900] =	vst v63  }
0x21: {  	v1 =	vnsel vm1, $0x7FFFFFFF, v1;
	(ifvalue) =	ssetifvalue $0x7FFFFFFF  }
0x22: {  	s29 =	sadd.s32 $0x100, s15;
	(ifvalue) =	ssetifvalue $0x7FFFFFFF  }
0x23: {  	[tilespmem:s29], [sflag:$0x1] =	stream.indirect_vreg.gather [hbm4b:s2+s10], $0x1, v2, vm0, $0x4038;
	[tilespmem:$0x1900] =	vst v63  }
0x24: {  	(ifvalue) =	ssetifvalue $0x7FFFFFFF  }
0x25: {  	s30 =	sshll.u32 s13, $0x2;
	s15 =	sadd.s32 $0x180, s15;
	(ifvalue) =	ssetifvalue $0x7FFFFFFF  }
0x26: {  	[tilespmem:s15], [sflag:$0x1] =	stream.indirect_vreg.gather [hbm4b:s2+s10], $0x1, v1, vm0, $0x4038;
	[tilespmem:$0x1900] =	vst v63  }
0x27: {  	s31 =	sand.u32 $0x78, s13;
	s15 =	sand.u32 $0xFFFFFE00, s30  }
0x28: {  	_ =	swait.ge [sflag:s5], $0xA00;
	s13 =	sor.u32 s31, s15  }
0x29: {  	[sflag:s5] =	ssyncset.done $0x0;
	s13 =	sshrl.u32 s13, $0x3  }
0x2a: {  	[sflag:s5] =	ssyncadd.s32 $0xFFFFF600;
	s13 =	sadd.s32 s8, s13  }
0x2b: {  	[hbm:s13] =	stream.linear.scatter [tilespmem:s14], [sflag:$0x3], $0xA00, $0x38;
	[tilespmem:$0x1900] =	vst v63  }
.LBB2_5:
0x2c: {  	s15 =	sadd.s32 $0x5000, s11  }
0x2d: {  	p1 =	sgt.s32 s15, $0x7CFF  }
0x2e: {  	s15 =	smov.u32 @p1 s4;
	p1 =	sne.s32 s12, s9  }
.Ltmp1:
0x2f: {  	p0 =	slt.u32 s12, $0x2;
	(pc) =	sbr.rel @!p1 .LBB2_6-.Ltmp1, $4  }
0x30: {  	s14 =	simm.s32 @!p0 $0x3  }
0x31: {  	_ =	swait.ge @!p0 [sflag:s14], $0xA00  }
0x32: {  	s16 =	sadd.s32 $0x1, s12;
	s13 =	smov.u32 s11;
	[sflag:s14] =	ssyncset.done @!p0 $0x0  }
0x33: {  	s12 =	smov.u32 s16;
	s11 =	smov.u32 s15;
	[sflag:s14] =	ssyncadd.s32 @!p0 $0xFFFFF600  }
.LBB2_1:
0x34: {  	p0 =	sge.u32 s12, s7  }
0x35: {  	s14 =	sxor.u32 @!p0 $0x1, s12  }
0x36: {  	s14 =	smul.u32 @!p0 $0xA00, s14  }
0x37: {  	s31 =	sadd.s32 $0xFFFFFFFF, s12;
	s15 =	sshrl.u32 @!p0 s11, $0x3  }
0x38: {  	s16 =	sand.u32 @!p0 $0x7, s11;
	s15 =	sadd.s32 @!p0 s3, s15;
	s14 =	sshra.s32 @!p0 s14, $0x2  }
0x39: {  	[tilespmem:s14], [sflag:$0x2] =	stream.linear.gather @!p0 [hbm4b:s15+s16], $0x280, $0x38;
	[tilespmem:$0x1900] =	vst v63  }
0x3a: {  	p0 =	sge.u32 s31, s7  }
.Ltmp2:
0x3b: {  	_ = 	snop;
	(pc) =	sbr.rel @p0 .LBB2_5-.Ltmp2, $1  }
0x3c: {  	_ =	sdelay $0x3  }
0x3d: {  	s14 =	sand.u32 $0x1, s12  }
0x3e: {  	p0 =	seq.s32 s14, $0x1;
	s14 =	simm.s32 $0xA00  }
0x3f: {  	_ =	swait.ge [sflag:s6], $0x280;
	s14 =	simm.s32 @!p0 $0x0  }
0x40: {  	[sflag:s6] =	ssyncset.done $0x0;
	s15 =	sshrl.u32 s14, $0x2  }
0x41: {  	[sflag:s6] =	ssyncadd.s32 $0xFFFFFD80;
	s16 =	sadd.s32 $0x0, s15  }
0x42: {  	v1 =	vld.msk [tilespmem:s16+$0x0 ss:$0x1], $0xffff;
	_ =	sdelay $0x3  }
0x43: {  	s17 =	ssub.s32 $0x7D00, s13  }
0x44: {  	p0 =	slt.s32 s17, $0x280;
	v2 =	vshrl.u32 v1, $0x4  }
0x45: {  	s17 =	simm.s32 @!p0 $0x280;
	v3 =	vand.u32 $0xF, v1;
	vm1 =	veq.s32 v1, $0x80000000;
	v1 =	vand.u32 $0x7FFF, v2  }
0x46: {  	p0 =	sgt.s32 s17, $0x0;
	s16 =	smov.u32 s17;
	v2 =	vmul.u32 $0x13A00, v3;
	v1 =	vsel vm1, $0xFFFFFFFF, v1  }
0x47: {  	s16 =	simm.s32 @!p0 $0x0;
	v3 =	vshll.u32 v1, $0x2  }
0x48: {  	s16 =	smin.u32 s16, $0x10;
	v2 =	vsel vm1, $0xFFFEC600, v2;
	v3 =	vand.u32 $0xFFFFFE00, v3  }
0x49: {  	v1 =	vand.u32 $0x7F, v1;
	v2 =	vadd.s32 v2, v3;
	v3 =	vmov s16  }
0x4a: {  	v1 =	vor.u32 v1, v2;
	vm1 =	vgt.u32 v3, v0  }
0x4b: {  	v2 =	vnsel vm1, $0x7FFFFFFF, v1  }
0x4c: {  	s31 =	simm.s32 $0x0  }
0x4d: {  	s18 =	sand.u32 $0xE00, s31;
	s14 =	sor.u32 $0x500, s14;
	v3 =	vor.u32 $0x80, v1  }
0x4e: {  	s18 =	sadd.s32 s18, s14;
	(ifvalue) =	ssetifvalue $0x7FFFFFFF;
	s16 =	sand.u32 $0x70, s31;
	v3 =	vnsel vm1, $0x7FFFFFFF, v3  }
0x4f: {  	(ifvalue) =	ssetifvalue $0x7FFFFFFF;
	s20 =	sadd.s32 s16, s18  }
0x50: {  	v4 =	vor.u32 $0x100, v1;
	[tilespmem:s20], [sflag:$0x1] =	stream.indirect_vreg.gather [hbm4b:s2+s10], $0x1, v2, vm0, $0x4038;
	[tilespmem:$0x1900] =	vst v63  }
0x51: {  	(ifvalue) =	ssetifvalue $0x7FFFFFFF;
	v2 =	vnsel vm1, $0x7FFFFFFF, v4  }
0x52: {  	s16 =	sadd.s32 $0x80, s20;
	(ifvalue) =	ssetifvalue $0x7FFFFFFF  }
0x53: {  	v1 =	vor.u32 $0x180, v1;
	[tilespmem:s16], [sflag:$0x1] =	stream.indirect_vreg.gather [hbm4b:s2+s10], $0x1, v3, vm0, $0x4038;
	[tilespmem:$0x1900] =	vst v63  }
0x54: {  	s19 =	simm.s32 $0x10;
	v1 =	vnsel vm1, $0x7FFFFFFF, v1;
	(ifvalue) =	ssetifvalue $0x7FFFFFFF  }
0x55: {  	s21 =	simm.s32 $0x80;
	s18 =	sadd.s32 $0x100, s20;
	(ifvalue) =	ssetifvalue $0x7FFFFFFF  }
0x56: {  	[tilespmem:s18], [sflag:$0x1] =	stream.indirect_vreg.gather [hbm4b:s2+s10], $0x1, v2, vm0, $0x4038;
	[tilespmem:$0x1900] =	vst v63  }
0x57: {  	s22 =	sadd.s32 $0x180, s20;
	s16 =	simm.s32 $0x40;
	(ifvalue) =	ssetifvalue $0x7FFFFFFF  }
0x58: {  	s18 =	sadd.s32 $0xFFFFFFF0, s17;
	s17 =	simm.s32 $0x10;
	(ifvalue) =	ssetifvalue $0x7FFFFFFF  }
.LBB2_3:
0x59: {  	[tilespmem:s22], [sflag:$0x1] =	stream.indirect_vreg.gather [hbm4b:s2+s10], $0x1, v1, vm0, $0x4038;
	[tilespmem:$0x1900] =	vst v63  }
0x5a: {  	s22 =	smov.u32 s21  }
0x5b: {  	s20 =	sadd.s32 $0x40, s21;
	s23 =	sadd.s32 s19, s15;
	s19 =	sshra.s32 s22, $0x2  }
0x5c: {  	p0 =	sne.s32 s21, $0x9C0;
	v1 =	vld.msk [tilespmem:s23+$0x0 ss:$0x1], $0xffff  }
0x5d: {  	(ifvalue) =	ssetifvalue $0x7FFFFFFF;
	_ =	sdelay $0x4  }
0x5e: {  	v2 =	vand.u32 $0xF, v1;
	v3 =	vshrl.u32 v1, $0x4  }
0x5f: {  	vm1 =	veq.s32 v1, $0x80000000;
	v1 =	vand.u32 $0x7FFF, v3;
	v2 =	vmul.u32 $0x13A00, v2  }
0x60: {  	p1 =	sgt.s32 s18, $0x0;
	s21 =	smov.u32 s18;
	v1 =	vsel vm1, $0xFFFFFFFF, v1  }
0x61: {  	s21 =	simm.s32 @!p1 $0x0;
	v2 =	vsel vm1, $0xFFFEC600, v2;
	v3 =	vshll.u32 v1, $0x2  }
0x62: {  	s21 =	smin.u32 s21, $0x10;
	v3 =	vand.u32 $0xFFFFFE00, v3  }
0x63: {  	v1 =	vand.u32 $0x7F, v1;
	v2 =	vadd.s32 v2, v3;
	v3 =	vmov s21  }
0x64: {  	v1 =	vor.u32 v1, v2;
	vm1 =	vgt.u32 v3, v0  }
0x65: {  	v2 =	vnsel vm1, $0x7FFFFFFF, v1;
	v3 =	vor.u32 $0x80, v1;
	v4 =	vor.u32 $0x100, v1  }
0x66: {  	v1 =	vor.u32 $0x180, v1  }
0x67: {  	s21 =	sand.u32 $0xE00, s16;
	s16 =	smov.u32 s22  }
0x68: {  	s22 =	sand.u32 $0x70, s17;
	s21 =	sadd.s32 s21, s14;
	v3 =	vnsel vm1, $0x7FFFFFFF, v3  }
0x69: {  	s21 =	sadd.s32 s22, s21;
	(ifvalue) =	ssetifvalue $0x7FFFFFFF  }
0x6a: {  	[tilespmem:s21], [sflag:$0x1] =	stream.indirect_vreg.gather [hbm4b:s2+s10], $0x1, v2, vm0, $0x4038;
	[tilespmem:$0x1900] =	vst v63  }
0x6b: {  	v2 =	vnsel vm1, $0x7FFFFFFF, v4;
	(ifvalue) =	ssetifvalue $0x7FFFFFFF  }
0x6c: {  	s22 =	sadd.s32 $0x80, s21;
	(ifvalue) =	ssetifvalue $0x7FFFFFFF  }
0x6d: {  	[tilespmem:s22], [sflag:$0x1] =	stream.indirect_vreg.gather [hbm4b:s2+s10], $0x1, v3, vm0, $0x4038;
	[tilespmem:$0x1900] =	vst v63  }
.Ltmp3:
0x6e: {  	v1 =	vnsel vm1, $0x7FFFFFFF, v1;
	(ifvalue) =	ssetifvalue $0x7FFFFFFF;
	(pc) =	sbr.rel @p0 .LBB2_3-.Ltmp3, $4  }
0x6f: {  	s22 =	sadd.s32 $0x100, s21;
	(ifvalue) =	ssetifvalue $0x7FFFFFFF  }
0x70: {  	[tilespmem:s22], [sflag:$0x1] =	stream.indirect_vreg.gather [hbm4b:s2+s10], $0x1, v2, vm0, $0x4038;
	[tilespmem:$0x1900] =	vst v63  }
0x71: {  	s18 =	sadd.s32 $0xFFFFFFF0, s18;
	s17 =	sadd.s32 $0x10, s17;
	(ifvalue) =	ssetifvalue $0x7FFFFFFF  }
0x72: {  	s22 =	sadd.s32 $0x180, s21;
	s21 =	smov.u32 s20;
	(ifvalue) =	ssetifvalue $0x7FFFFFFF  }
.Ltmp4:
0x73: {  	_ = 	snop;
	(pc) =	sbr.rel .LBB2_4-.Ltmp4, $1  }
0x74: {  	_ =	sdelay $0x3  }
.LBB2_6:
0x75: {  	_ =	sfence.sel $0x180000  }
0x76: {  	s2 =	simm.s32 $0x2;
	[bflag:$0x0] =	sbarrier.arrive $0xFFFF  }
0x77: {  	s30 =	simm.s32 $0x3;
	[sflag:s2] =	ssyncpa.u1 $0x1  }
0x78: {  	s31 =	simm.s32 $0x1;
	[sflag:s30] =	ssyncpa.u1 $0x1  }
0x79: {  	[sflag:s31] =	ssyncpa.u1 $0x1  }
0x7a: {  	p0 =	sne.s32 s0, $0x0;
	_ =	strace $0x90000047  }
0x7b: {  	s0 =	sadd.s32 @!p0 $0x100000, s1;
	[bflag:$0x2] =	sbarrier.arrive $0xFFFF  }
0x7c: {  	[sflag:s0] =	ssyncadd.tile.s32 @!p0 $0x1;
	_ =	shalt  }
.Lfunc_end2:
_tile_overlayer_lowered:
.L_overlay_start_2:
0x7d: {  	(tag) =	ssettag $0x2  }
0x7e: {  	s0 =	rddreg [dreg:$0x0];
	s2 =	stileid.u32  }
0x7f: {  	s1 =	rddreg [dreg:$0x1];
	p0 =	sne.s32 s2, $0x0  }
0x80: {  	s3 =	rddreg [dreg:$0x2];
	[bflag:$0x3] =	sbarrier.arrive $0xFFFF;
	s2 =	simm.s32 @!p0 $0x1C01  }
0x81: {  	[timem:s3], [sflag:s2] =	dma.local @!p0 [hbm:s0], s1  }
0x82: {  	s0 =	simm.s32 @!p0 $0x1  }
0x83: {  	_ =	swait.ge @!p0 [sflag:s0], s1  }
0x84: {  	s1 =	ssub.s32 @!p0 $0x0, s1;
	[sflag:s0] =	ssyncset.done @!p0 $0x0  }
0x85: {  	[sflag:s0] =	ssyncadd.s32 @!p0 s1  }
0x86: {  	[bflag:$0x3] =	sbarrier.arrive $0xFFFF  }
0x87: {  	_ =	shalt  }

</sc_bundles>
